<compile_context>
chip_gen: v7x
topology: tpu7x:2x2x1
jax: 0.10.2.dev20260603
libtpu: 0.0.44.dev20260713+nightly
codegen_flags: <defaults>
</compile_context>

<pallas_src>
import functools

import jax
import jax.numpy as jnp
from jax import lax
from jax.experimental import pallas as pl
from jax.experimental.pallas import tpu as pltpu
from jax.experimental.pallas import tpu_sc as plsc

NC = 2
NS = 16
NW = NC * NS
LANES = 16
CHUNK = 128

HID = 64


def _rup(a, m):
    return (a + m - 1) // m * m


def _sc_mesh():
    return plsc.VectorSubcoreMesh(
        core_axis_name="c", subcore_axis_name="s", num_cores=NC,
        num_subcores=NS)


_SC_PARAMS = pltpu.CompilerParams(use_tc_tiling_on_sc=False)


@functools.partial(jax.jit, static_argnames=("e_pad",))
def _edge_gather(x16, send, recv, *, e_pad):
    epw = e_pad // NW
    nchunk = epw // CHUNK
    grp = 8
    ngroups = nchunk // grp

    @functools.partial(
        pl.kernel,
        out_type=(
            jax.ShapeDtypeStruct((e_pad, 16), jnp.float32),
            jax.ShapeDtypeStruct((e_pad, 16), jnp.float32),
        ),
        mesh=_sc_mesh(),
        compiler_params=_SC_PARAMS,
        scratch_types=[
            pltpu.VMEM((grp * CHUNK,), jnp.int32),
            pltpu.VMEM((grp * CHUNK,), jnp.int32),
            pltpu.VMEM((CHUNK,), jnp.int32),
            pltpu.VMEM((CHUNK,), jnp.int32),
            pltpu.VMEM((CHUNK,), jnp.int32),
            pltpu.VMEM((CHUNK,), jnp.int32),
            pltpu.VMEM((CHUNK, 16), jnp.float32),
            pltpu.VMEM((CHUNK, 16), jnp.float32),
            pltpu.VMEM((CHUNK, 16), jnp.float32),
            pltpu.VMEM((CHUNK, 16), jnp.float32),
            pltpu.SemaphoreType.DMA,
            pltpu.SemaphoreType.DMA,
            pltpu.SemaphoreType.DMA,
            pltpu.SemaphoreType.DMA,
            pltpu.SemaphoreType.DMA,
            pltpu.SemaphoreType.DMA,
            pltpu.SemaphoreType.DMA,
            pltpu.SemaphoreType.DMA,
        ],
    )
    def k(x_hbm, send_hbm, recv_hbm, xs_hbm, xr_hbm, sendb_v, recvb_v,
          is0, is1, ir0, ir1, rs0, rs1, rr0, rr1,
          gs0, gs1, gr0, gr1, ws0, ws1, wr0, wr1):
        w = lax.axis_index("s") * NC + lax.axis_index("c")
        base = w * epw
        isx = [is0, is1]
        irx = [ir0, ir1]
        rs = [rs0, rs1]
        rr = [rr0, rr1]
        gs = [gs0, gs1]
        gr = [gr0, gr1]
        ws = [ws0, ws1]
        wr = [wr0, wr1]

        def group(g, _):
            goff = base + g * (grp * CHUNK)
            pltpu.sync_copy(send_hbm.at[pl.ds(goff, grp * CHUNK)], sendb_v)
            pltpu.sync_copy(recv_hbm.at[pl.ds(goff, grp * CHUNK)], recvb_v)
            gat = [None, None]
            out = [None, None]
            for u in range(grp):
                b = u % 2
                if out[b] is not None:
                    for d in out[b]:
                        d.wait()
                for j in range(CHUNK // LANES):
                    sl = pl.ds(u * CHUNK + j * LANES, LANES)
                    so = pl.ds(j * LANES, LANES)
                    isx[b][so] = sendb_v[sl]
                    irx[b][so] = recvb_v[sl]
                g0 = pltpu.make_async_copy(x_hbm.at[isx[b]], rs[b], gs[b])
                g1 = pltpu.make_async_copy(x_hbm.at[irx[b]], rr[b], gr[b])
                g0.start()
                g1.start()
                gat[b] = (g0, g1)
                if u >= 1:
                    o = 1 - b
                    for d in gat[o]:
                        d.wait()
                    off_o = goff + (u - 1) * CHUNK
                    w0 = pltpu.make_async_copy(
                        rs[o], xs_hbm.at[pl.ds(off_o, CHUNK)], ws[o])
                    w1 = pltpu.make_async_copy(
                        rr[o], xr_hbm.at[pl.ds(off_o, CHUNK)], wr[o])
                    w0.start()
                    w1.start()
                    out[o] = (w0, w1)
            bl = (grp - 1) % 2
            for d in gat[bl]:
                d.wait()
            off_l = goff + (grp - 1) * CHUNK
            w0 = pltpu.make_async_copy(
                rs[bl], xs_hbm.at[pl.ds(off_l, CHUNK)], ws[bl])
            w1 = pltpu.make_async_copy(
                rr[bl], xr_hbm.at[pl.ds(off_l, CHUNK)], wr[bl])
            w0.start()
            w1.start()
            out[bl] = (w0, w1)
            for b in range(2):
                for d in out[b]:
                    d.wait()
            return 0

        lax.fori_loop(0, ngroups, group, 0)

    return k(x16, send, recv)


@functools.partial(jax.jit, static_argnames=("n_pad", "e_pad", "passes",
                                             "gather_src"))
def _seg_scatter(src, recv, dst, zsrc, *, n_pad, e_pad, passes, gather_src):
    n_half = n_pad // 2
    zslice = _rup((n_half + 16) // NS + 1, 64)
    acc_rows = NS * zslice
    trash = n_half
    fslice = n_half // NS
    ept = e_pad // NS
    nchunk = ept // CHUNK
    p_tot = passes

    grp = 8
    ngroups = nchunk // grp

    @functools.partial(
        pl.kernel,
        out_type=jax.ShapeDtypeStruct((n_pad, HID * p_tot), jnp.float32),
        mesh=_sc_mesh(),
        compiler_params=_SC_PARAMS,
        scratch_types=[
            pltpu.VMEM((grp * CHUNK,), jnp.int32),
            pltpu.VMEM((grp * CHUNK,), jnp.int32),
            pltpu.VMEM((CHUNK,), jnp.int32),
            pltpu.VMEM((CHUNK,), jnp.int32),
            pltpu.VMEM((CHUNK,), jnp.int32),
            pltpu.VMEM((CHUNK,), jnp.int32),
            pltpu.VMEM((CHUNK, HID), jnp.float32),
            pltpu.VMEM((CHUNK, HID), jnp.float32),
            pltpu.VMEM_SHARED((acc_rows, HID), jnp.float32),
            pltpu.SemaphoreType.DMA,
            pltpu.SemaphoreType.DMA,
            pltpu.SemaphoreType.DMA,
            pltpu.SemaphoreType.DMA,
        ],
    )
    def k(src_hbm, recv_hbm, dst_hbm, z_hbm, out_hbm, dstb_v, rvb_v,
          gi0, gi1, dl0, dl1, rows0, rows1, acc, semg0, semg1, sems0, sems1):
        c = lax.axis_index("c")
        s = lax.axis_index("s")
        node_base = c * n_half
        ebase = s * ept
        gi = [gi0, gi1]
        dl = [dl0, dl1]
        rows = [rows0, rows1]
        semg = [semg0, semg1]
        sems = [sems0, sems1]

        for p in range(p_tot):
            pltpu.sync_copy(z_hbm, acc.at[pl.ds(s * zslice, zslice)])
            plsc.subcore_barrier()

            def group(g, _):
                goff = ebase + g * (grp * CHUNK)
                pltpu.sync_copy(dst_hbm.at[pl.ds(goff, grp * CHUNK)], dstb_v)
                if gather_src:
                    pltpu.sync_copy(recv_hbm.at[pl.ds(goff, grp * CHUNK)],
                                    rvb_v)
                gat = [None, None]
                sca = [None, None]
                for u in range(grp):
                    b = u % 2
                    if sca[b] is not None:
                        sca[b].wait()
                    for j in range(CHUNK // LANES):
                        sl = pl.ds(u * CHUNK + j * LANES, LANES)
                        so = pl.ds(j * LANES, LANES)
                        dv = dstb_v[sl] - node_base
                        ok = (dv >= 0) & (dv < n_half)
                        dl[b][so] = jnp.where(ok, dv, trash)
                        if gather_src:
                            if p_tot > 1:
                                gi[b][so] = rvb_v[sl] * p_tot + p
                            else:
                                gi[b][so] = rvb_v[sl]
                    if gather_src:
                        gat[b] = pltpu.make_async_copy(
                            src_hbm.at[gi[b]], rows[b], semg[b])
                    else:
                        gat[b] = pltpu.make_async_copy(
                            src_hbm.at[pl.ds(goff + u * CHUNK, CHUNK)],
                            rows[b], semg[b])
                    gat[b].start()
                    if u >= 1:
                        o = 1 - b
                        gat[o].wait()
                        sca[o] = pltpu.make_async_copy(
                            rows[o], acc.at[dl[o]], sems[o])
                        sca[o].start(add=True)
                bl = (grp - 1) % 2
                gat[bl].wait()
                sca[bl] = pltpu.make_async_copy(
                    rows[bl], acc.at[dl[bl]], sems[bl])
                sca[bl].start(add=True)
                sca[0].wait()
                sca[1].wait()
                return 0

            lax.fori_loop(0, ngroups, group, 0)
            plsc.subcore_barrier()
            if p_tot > 1:
                pltpu.sync_copy(
                    acc.at[pl.ds(s * fslice, fslice)],
                    out_hbm.at[pl.ds(node_base + s * fslice, fslice),
                               pl.ds(p * HID, HID)])
            else:
                pltpu.sync_copy(
                    acc.at[pl.ds(s * fslice, fslice)],
                    out_hbm.at[pl.ds(node_base + s * fslice, fslice)])
            plsc.subcore_barrier()

    return k(src, recv, dst, zsrc)


def _edge_mlp(xs, xr, send, recv, w0, b0, w1, b1, w2, b2, wout, bout, n_real,
              block=2048):
    e_pad = xs.shape[0]
    grid = e_pad // block

    def body(xs_r, xr_r, send_r, recv_r, w0_r, b0_r, w1_r, b1_r, w2_r, b2_r,
             wout_r, bout_r, msg_r, sendk_r):
        xs_b = xs_r[...]
        xr_b = xr_r[...]
        diff = xr_b - xs_b
        d3 = diff[:, 0:3]
        dist2 = jnp.sum(d3 * d3, axis=1, keepdims=True)
        dist = jnp.sqrt(dist2)
        iszero = dist == 0.0
        safe = jnp.where(iszero, 1.0, dist)
        vects = jnp.where(iszero, 0.0, d3 / safe)
        zcol = jnp.zeros_like(dist)
        e8 = jnp.concatenate([diff[:, 3:6], dist, vects, zcol], axis=1)
        kn = jax.nn.relu(
            jnp.dot(e8, w0_r[...], preferred_element_type=jnp.float32)
            + b0_r[...][None, :])
        kn = jax.nn.relu(
            jnp.dot(kn, w1_r[...], preferred_element_type=jnp.float32)
            + b1_r[...][None, :])
        kn = jax.nn.relu(
            jnp.dot(kn, w2_r[...], preferred_element_type=jnp.float32)
            + b2_r[...][None, :])
        kflat = (jnp.dot(kn, wout_r[...], preferred_element_type=jnp.float32)
                 + bout_r[...][None, :])
        keep = xs_b[:, 3] <= xr_b[:, 3]
        valid = recv_r[...] < n_real
        kf = jnp.logical_and(keep, valid)
        msg = jnp.zeros((block, HID), jnp.float32)
        for f in range(6):
            msg = msg + xs_b[:, f:f + 1] * kflat[:, f * HID:(f + 1) * HID]
        msg_r[...] = msg * kf.astype(jnp.float32)[:, None]
        sendk_r[...] = jnp.where(kf, send_r[...], jnp.int32(2 ** 27))

    fullspec = [pl.BlockSpec(w.shape, lambda k, nd=w.ndim: (0,) * nd)
                for w in (w0, b0, w1, b1, w2, b2, wout, bout)]
    return pl.pallas_call(
        body,
        grid=(grid,),
        in_specs=[
            pl.BlockSpec((block, 16), lambda k: (k, 0)),
            pl.BlockSpec((block, 16), lambda k: (k, 0)),
            pl.BlockSpec((block,), lambda k: (k,)),
            pl.BlockSpec((block,), lambda k: (k,)),
            *fullspec,
        ],
        out_specs=[
            pl.BlockSpec((block, HID), lambda k: (k, 0)),
            pl.BlockSpec((block,), lambda k: (k,)),
        ],
        out_shape=[
            jax.ShapeDtypeStruct((e_pad, HID), jnp.float32),
            jax.ShapeDtypeStruct((e_pad,), jnp.int32),
        ],
    )(xs, xr, send, recv, w0, b0, w1, b1, w2, b2, wout, bout)


def _node_linear(g, h, w1, w2, b, block=1792):
    n_pad = g.shape[0]
    grid = n_pad // block
    cout = w1.shape[1]

    def body(g_r, h_r, w1_r, w2_r, b_r, o_r):
        acc = jnp.dot(g_r[...], w1_r[...], preferred_element_type=jnp.float32)
        acc = acc + jnp.dot(h_r[...], w2_r[...],
                            preferred_element_type=jnp.float32)
        o_r[...] = jax.nn.relu(acc + b_r[...][None, :])

    return pl.pallas_call(
        body,
        grid=(grid,),
        in_specs=[
            pl.BlockSpec((block, g.shape[1]), lambda k: (k, 0)),
            pl.BlockSpec((block, h.shape[1]), lambda k: (k, 0)),
            pl.BlockSpec(w1.shape, lambda k: (0, 0)),
            pl.BlockSpec(w2.shape, lambda k: (0, 0)),
            pl.BlockSpec(b.shape, lambda k: (0,)),
        ],
        out_specs=pl.BlockSpec((block, cout), lambda k: (k, 0)),
        out_shape=jax.ShapeDtypeStruct((n_pad, cout), jnp.float32),
    )(g, h, w1, w2, b)


def _pool_decode(h, ids, dws, dbs, dscales, dshifts, w_fin, b_fin, nseg,
                 block=1024):
    n_pad = h.shape[0]
    grid = n_pad // block
    width = h.shape[1]
    n_dec = len(dws)

    def body(h_r, ids_r, *refs):
        dw_r = refs[0:n_dec]
        db_r = refs[n_dec:2 * n_dec]
        dsc_r = refs[2 * n_dec:3 * n_dec]
        dsh_r = refs[3 * n_dec:4 * n_dec]
        wf_r = refs[4 * n_dec]
        bf_r = refs[4 * n_dec + 1]
        o_r = refs[4 * n_dec + 2]
        psum_s = refs[4 * n_dec + 3]
        pmax_s = refs[4 * n_dec + 4]
        cnt_s = refs[4 * n_dec + 5]

        step = pl.program_id(0)

        @pl.when(step == 0)
        def _init():
            psum_s[...] = jnp.zeros_like(psum_s)
            pmax_s[...] = jnp.full_like(pmax_s, -jnp.inf)
            cnt_s[...] = jnp.zeros_like(cnt_s)

        h_b = h_r[...]
        ids_b = ids_r[...]
        ids2 = ids_b[:, None]
        oh = (ids2 == lax.broadcasted_iota(jnp.int32, (block, nseg), 1)
              ).astype(jnp.float32)
        psum_s[...] += jnp.dot(oh.T, h_b, preferred_element_type=jnp.float32)
        cnt_s[...] += jnp.sum(oh, axis=0, keepdims=True)

        lo = jnp.min(ids_b)
        hi = jnp.minimum(jnp.max(ids_b), nseg - 1)

        def seg(b, _):
            mask = ids2 == b
            colmax = jnp.max(jnp.where(mask, h_b, -jnp.inf), axis=0,
                             keepdims=True)
            pmax_s[pl.ds(b, 1), :] = jnp.maximum(pmax_s[pl.ds(b, 1), :],
                                                 colmax)
            return 0

        lax.fori_loop(lo, hi + 1, seg, 0)

        @pl.when(step == grid - 1)
        def _decode():
            cnt = jnp.maximum(cnt_s[...], 1.0)
            pavg = psum_s[...] / cnt.T
            z = jnp.concatenate([pmax_s[...], pavg, psum_s[...]], axis=1)
            for li in range(n_dec):
                z = jnp.dot(z, dw_r[li][...],
                            preferred_element_type=jnp.float32)
                z = z + db_r[li][...][None, :]
                z = jnp.where(z > 0, z, 0.1 * z)
                z = z * dsc_r[li][...][None, :] + dsh_r[li][...][None, :]
            o_r[...] = (jnp.dot(z, wf_r[...],
                                preferred_element_type=jnp.float32)
                        + bf_r[...][None, :])

    def full(a):
        return pl.BlockSpec(a.shape, lambda k, nd=a.ndim: (0,) * nd)

    return pl.pallas_call(
        body,
        grid=(grid,),
        in_specs=[
            pl.BlockSpec((block, width), lambda k: (k, 0)),
            pl.BlockSpec((block,), lambda k: (k,)),
            *[full(w) for w in dws],
            *[full(b) for b in dbs],
            *[full(s) for s in dscales],
            *[full(s) for s in dshifts],
            full(w_fin), full(b_fin),
        ],
        out_specs=pl.BlockSpec((nseg, 128), lambda k: (0, 0)),
        out_shape=jax.ShapeDtypeStruct((nseg, 128), jnp.float32),
        scratch_shapes=[
            pltpu.VMEM((nseg, width), jnp.float32),
            pltpu.VMEM((nseg, width), jnp.float32),
            pltpu.VMEM((1, nseg), jnp.float32),
        ],
    )(h, ids, *dws, *dbs, *dscales, *dshifts, w_fin, b_fin)


def kernel(x, edge_index, i, params):
    p = params
    n = x.shape[0]
    e = edge_index.shape[1]
    nseg = 128
    n_half = _rup(_rup(n, 2) // 2, 128)
    n_pad = 2 * n_half
    e_pad = _rup(e, CHUNK * NW * 8)

    x16 = jnp.zeros((n_pad, 16), jnp.float32).at[:n, :6].set(x)
    send = jnp.concatenate(
        [edge_index[0].astype(jnp.int32),
         jnp.zeros((e_pad - e,), jnp.int32)])
    recv = jnp.concatenate(
        [edge_index[1].astype(jnp.int32),
         jnp.full((e_pad - e,), n, jnp.int32)])
    ids = jnp.concatenate(
        [i.astype(jnp.int32), jnp.full((n_pad - n,), nseg, jnp.int32)])
    zslice = _rup((n_half + 16) // NS + 1, 64)
    zsrc = jnp.zeros((zslice, HID), jnp.float32)

    w0 = jnp.zeros((8, HID), jnp.float32).at[:7].set(p['ecc_kn_W0'])
    root16 = jnp.zeros((16, HID), jnp.float32).at[:6].set(p['ecc_root'])
    eye64 = jnp.eye(HID, dtype=jnp.float32)

    xs, xr = _edge_gather(x16, send, recv, e_pad=e_pad)

    msg, sendk = _edge_mlp(
        xs, xr, send, recv, w0, p['ecc_kn_b0'], p['ecc_kn_W1'],
        p['ecc_kn_b1'], p['ecc_kn_W2'], p['ecc_kn_b2'], p['ecc_kn_Wout'],
        p['ecc_kn_bout'], n)

    h_pre = _seg_scatter(msg, recv, recv, zsrc, n_pad=n_pad, e_pad=e_pad,
                         passes=1, gather_src=False)

    h = _node_linear(h_pre, x16, eye64, root16, p['ecc_bias'])

    for li in range(4):
        w1 = p['gcs%d_W1' % li]
        cin = w1.shape[0]
        np_ = cin // HID
        h2 = h.reshape(n_pad * np_, HID)
        g = _seg_scatter(h2, recv, sendk, zsrc, n_pad=n_pad, e_pad=e_pad,
                         passes=np_, gather_src=True)
        h = _node_linear(g, h, w1, p['gcs%d_W2' % li], p['gcs%d_b' % li])

    dws, dbs, dscales, dshifts = [], [], [], []
    for li in range(5):
        dws.append(p['dec%d_W' % li])
        dbs.append(p['dec%d_b' % li])
        sc = p['bn%d_gamma' % li] * lax.rsqrt(p['bn%d_mv' % li] + 1e-3)
        dscales.append(sc)
        dshifts.append(p['bn%d_beta' % li] - p['bn%d_mm' % li] * sc)
    w_fin = jnp.zeros((dws[-1].shape[1], 128), jnp.float32
                      ).at[:, :7].set(p['d2_W'])
    b_fin = jnp.zeros((128,), jnp.float32).at[:7].set(p['d2_b'])

    out = _pool_decode(h, ids, dws, dbs, dscales, dshifts, w_fin, b_fin,
                       nseg)
    return out[:, :7]

# --- scband reference (transcript-rebuilt; emitter-appended) ---
"""Pipeline reference for scband-model-46136538693852 (READ-ONLY COPY).

The authoritative reference and input builder live on the scoring server;
editing this copy changes nothing except your own understanding.
"""

import jax, jax.numpy as jnp
import numpy as np

N = 50000
F = 6
E = 800000
B = 128
H = 64
N_OUT = 7


def _dense(key, fan_in, fan_out):
    W = jax.random.normal(key, (fan_in, fan_out), dtype=jnp.float32) * (1.0 / np.sqrt(fan_in))
    b = jnp.zeros((fan_out,), jnp.float32)
    return W, b


def setup_inputs(seed: int = 0):
    key = jax.random.key(seed)
    ks = jax.random.split(key, 32)
    x = jax.random.normal(ks[0], (N, F), dtype=jnp.float32)
    edge_index = jax.random.randint(ks[1], (2, E), 0, N)
    i = jnp.sort(jax.random.randint(ks[2], (N,), 0, B))
    p = {}
    edge_dim = F + 1
    p['ecc_kn_W0'], p['ecc_kn_b0'] = _dense(ks[3], edge_dim, H)
    p['ecc_kn_W1'], p['ecc_kn_b1'] = _dense(ks[4], H, H)
    p['ecc_kn_W2'], p['ecc_kn_b2'] = _dense(ks[5], H, H)
    p['ecc_kn_Wout'], p['ecc_kn_bout'] = _dense(ks[6], H, F * H)
    p['ecc_root'], p['ecc_bias'] = _dense(ks[7], F, H)
    gcs_dims = [(H, H), (H, 2 * H), (2 * H, 4 * H), (4 * H, 8 * H)]
    for li, (cin, cout) in enumerate(gcs_dims):
        p['gcs%d_W1' % li], p['gcs%d_b' % li] = _dense(ks[8 + 2 * li], cin, cout)
        p['gcs%d_W2' % li], _ = _dense(ks[9 + 2 * li], cin, cout)
    dec_sizes = [16 * H, 8 * H, 4 * H, 2 * H, 2 * H]
    din = 8 * H * 3
    for li, dout in enumerate(dec_sizes):
        p['dec%d_W' % li], p['dec%d_b' % li] = _dense(ks[16 + li], din, dout)
        p['bn%d_gamma' % li] = jnp.ones((dout,), jnp.float32)
        p['bn%d_beta' % li] = jnp.zeros((dout,), jnp.float32)
        p['bn%d_mm' % li] = jnp.zeros((dout,), jnp.float32)
        p['bn%d_mv' % li] = jnp.ones((dout,), jnp.float32)
        din = dout
    p['d2_W'], p['d2_b'] = _dense(ks[25], din, N_OUT)
    return {'x': x, 'edge_index': edge_index, 'i': i, 'params': p}


def _leaky(v):
    return jnp.where(v > 0, v, 0.1 * v)


def _forward(x, edge_index, i, p):
    # generate_edge_features: keep only edges where t[send] <= t[receive]
    send = edge_index[0]
    receive = edge_index[1]
    keep = x[send, 3] <= x[receive, 3]
    keepf = keep.astype(jnp.float32)
    diff = jnp.take(x, receive, axis=0) - jnp.take(x, send, axis=0)
    dists = jnp.sqrt(jnp.sum(diff[:, :3] ** 2, axis=1))
    safe = jnp.where(dists == 0, 1.0, dists)
    vects = jnp.where(dists[:, None] == 0, 0.0, diff[:, :3] / safe[:, None])
    e = jnp.concatenate([diff[:, 3:], dists[:, None], vects], axis=1)
    # ECCConv: edge-conditioned kernel network (relu MLP) -> per-edge [F, H] kernel
    kn = jax.nn.relu(e @ p['ecc_kn_W0'] + p['ecc_kn_b0'])
    kn = jax.nn.relu(kn @ p['ecc_kn_W1'] + p['ecc_kn_b1'])
    kn = jax.nn.relu(kn @ p['ecc_kn_W2'] + p['ecc_kn_b2'])
    kflat = kn @ p['ecc_kn_Wout'] + p['ecc_kn_bout']
    kernel = kflat.reshape(-1, F, H)
    msg = jnp.einsum('ab,abc->ac', jnp.take(x, send, axis=0), kernel)
    msg = msg * keepf[:, None]
    h = jax.ops.segment_sum(msg, receive, num_segments=N)
    h = jax.nn.relu(h + x @ p['ecc_root'] + p['ecc_bias'])
    # GCSConv x4: out = A @ (h W1) + h W2 + b (A has ones values, row=send, col=receive)
    for li in range(4):
        y = h @ p['gcs%d_W1' % li]
        agg = jax.ops.segment_sum(jnp.take(y, receive, axis=0) * keepf[:, None], send, num_segments=N)
        h = jax.nn.relu(agg + h @ p['gcs%d_W2' % li] + p['gcs%d_b' % li])
    # Global max / avg / sum pools over graph index i
    pmax = jax.ops.segment_max(h, i, num_segments=B)
    psum = jax.ops.segment_sum(h, i, num_segments=B)
    cnt = jax.ops.segment_sum(jnp.ones((h.shape[0], 1), jnp.float32), i, num_segments=B)
    pavg = psum / jnp.maximum(cnt, 1.0)
    z = jnp.concatenate([pmax, pavg, psum], axis=1)
    # decode MLP: LeakyReLU(0.1) then BatchNorm (inference mode, eps=1e-3)
    for li in range(5):
        z = _leaky(z @ p['dec%d_W' % li] + p['dec%d_b' % li])
        z = (z - p['bn%d_mm' % li]) / jnp.sqrt(p['bn%d_mv' % li] + 1e-3) * p['bn%d_gamma' % li] + p['bn%d_beta' % li]
    return z @ p['d2_W'] + p['d2_b']


def reference(x, edge_index, i, params):
    return _forward(x, edge_index, i, params)

if __name__ == "__main__":
    import jax
    _d = setup_inputs()
    print(jax.jit(kernel)(*tuple(_d.values())))

</pallas_src>

<mosaic_0001>
#map = affine_map<(d0, d1) -> (0, 0)>
#map1 = affine_map<(d0, d1) -> (0)>
module attributes {stable_mosaic.version = 14 : i64} {
  func.func @k(%arg0: i32, %arg1: i32, %arg2: memref<50176x16xf32, #tpu.memory_space<hbm>>, %arg3: memref<819200xi32, #tpu.memory_space<hbm>>, %arg4: memref<819200xi32, #tpu.memory_space<hbm>>, %arg5: memref<819200x16xf32, #tpu.memory_space<hbm>>, %arg6: memref<819200x16xf32, #tpu.memory_space<hbm>>, %arg7: memref<1024xi32, #tpu.memory_space<vmem>>, %arg8: memref<1024xi32, #tpu.memory_space<vmem>>, %arg9: memref<128xi32, #tpu.memory_space<vmem>>, %arg10: memref<128xi32, #tpu.memory_space<vmem>>, %arg11: memref<128xi32, #tpu.memory_space<vmem>>, %arg12: memref<128xi32, #tpu.memory_space<vmem>>, %arg13: memref<128x16xf32, #tpu.memory_space<vmem>>, %arg14: memref<128x16xf32, #tpu.memory_space<vmem>>, %arg15: memref<128x16xf32, #tpu.memory_space<vmem>>, %arg16: memref<128x16xf32, #tpu.memory_space<vmem>>, %arg17: memref<!tpu.dma_semaphore, #tpu.memory_space<semaphore_mem>>, %arg18: memref<!tpu.dma_semaphore, #tpu.memory_space<semaphore_mem>>, %arg19: memref<!tpu.dma_semaphore, #tpu.memory_space<semaphore_mem>>, %arg20: memref<!tpu.dma_semaphore, #tpu.memory_space<semaphore_mem>>, %arg21: memref<!tpu.dma_semaphore, #tpu.memory_space<semaphore_mem>>, %arg22: memref<!tpu.dma_semaphore, #tpu.memory_space<semaphore_mem>>, %arg23: memref<!tpu.dma_semaphore, #tpu.memory_space<semaphore_mem>>, %arg24: memref<!tpu.dma_semaphore, #tpu.memory_space<semaphore_mem>>) attributes {dimension_semantics = [#tpu.dimension_semantics<core_parallel>, #tpu.dimension_semantics<subcore_parallel>], iteration_bounds = array<i64: 2, 16>, scalar_prefetch = 0 : i64, scratch_operands = 18 : i64, tpu.core_type = #tpu.core_type<sc_vector_subcore>, window_params = [{transform_indices = #map}, {transform_indices = #map1}, {transform_indices = #map1}, {transform_indices = #map}, {transform_indices = #map}]} {
    %mul3A = arith.constant 2 : i32
    %mul3A_0 = arith.muli %arg1, %mul3A : i32
    %add3A = arith.addi %mul3A_0, %arg0 : i32
    %mul3A_1 = arith.constant 25600 : i32
    %mul3A_2 = arith.muli %add3A, %mul3A_1 : i32
    %scan3A = arith.constant 0 : i32
    %scan3A_3 = arith.constant 0 : i32
    %scan3A_4 = arith.constant 25 : i32
    %scan3A_5 = arith.addi %scan3A_3, %scan3A_4 : i32
    %scan3A_6 = arith.constant 1 : i32
    %scan3A_7 = scf.for %scan3A_9 = %scan3A_3 to %scan3A_5 step %scan3A_6 iter_args(%scan3A_10 = %scan3A) -> (i32)  : i32 {
      %mul3A_11 = arith.constant 1024 : i32
      %mul3A_12 = arith.muli %scan3A_9, %mul3A_11 : i32
      %add3A_13 = arith.addi %mul3A_2, %mul3A_12 : i32
      "tpu.region"() ({
        %run_scoped3A = tpu.sem_alloc : memref<!tpu.dma_semaphore, #tpu.memory_space<semaphore_mem>>
        %dma_start3A_1147 = tpu.memref_slice %arg3[%add3A_13] : memref<819200xi32, #tpu.memory_space<hbm>> -> memref<1024xi32, #tpu.memory_space<hbm>>
        %dma_start3A_1148 = tpu.memref_slice %arg3[%add3A_13] : memref<819200xi32, #tpu.memory_space<hbm>> -> memref<1024xi32, #tpu.memory_space<hbm>>
        tpu.enqueue_dma source(%dma_start3A_1148 : memref<1024xi32, #tpu.memory_space<hbm>>) target(%arg7 : memref<1024xi32, #tpu.memory_space<vmem>>) target_semaphore(%run_scoped3A : memref<!tpu.dma_semaphore, #tpu.memory_space<semaphore_mem>>)
        %dma_wait3A_1149 = tpu.memref_slice %arg3[%add3A_13] : memref<819200xi32, #tpu.memory_space<hbm>> -> memref<1024xi32, #tpu.memory_space<hbm>>
        %dma_wait3A_1150 = tpu.memref_slice %arg3[%add3A_13] : memref<819200xi32, #tpu.memory_space<hbm>> -> memref<1024xi32, #tpu.memory_space<hbm>>
        tpu.wait_dma2 semaphore(%run_scoped3A : memref<!tpu.dma_semaphore, #tpu.memory_space<semaphore_mem>>) src(%dma_wait3A_1150 : memref<1024xi32, #tpu.memory_space<hbm>>) dst(%arg7 : memref<1024xi32, #tpu.memory_space<vmem>>)
        tpu.yield
      }) : () -> ()
      "tpu.region"() ({
        %run_scoped3A = tpu.sem_alloc : memref<!tpu.dma_semaphore, #tpu.memory_space<semaphore_mem>>
        %dma_start3A_1147 = tpu.memref_slice %arg4[%add3A_13] : memref<819200xi32, #tpu.memory_space<hbm>> -> memref<1024xi32, #tpu.memory_space<hbm>>
        %dma_start3A_1148 = tpu.memref_slice %arg4[%add3A_13] : memref<819200xi32, #tpu.memory_space<hbm>> -> memref<1024xi32, #tpu.memory_space<hbm>>
        tpu.enqueue_dma source(%dma_start3A_1148 : memref<1024xi32, #tpu.memory_space<hbm>>) target(%arg8 : memref<1024xi32, #tpu.memory_space<vmem>>) target_semaphore(%run_scoped3A : memref<!tpu.dma_semaphore, #tpu.memory_space<semaphore_mem>>)
        %dma_wait3A_1149 = tpu.memref_slice %arg4[%add3A_13] : memref<819200xi32, #tpu.memory_space<hbm>> -> memref<1024xi32, #tpu.memory_space<hbm>>
        %dma_wait3A_1150 = tpu.memref_slice %arg4[%add3A_13] : memref<819200xi32, #tpu.memory_space<hbm>> -> memref<1024xi32, #tpu.memory_space<hbm>>
        tpu.wait_dma2 semaphore(%run_scoped3A : memref<!tpu.dma_semaphore, #tpu.memory_space<semaphore_mem>>) src(%dma_wait3A_1150 : memref<1024xi32, #tpu.memory_space<hbm>>) dst(%arg8 : memref<1024xi32, #tpu.memory_space<vmem>>)
        tpu.yield
      }) : () -> ()
      %get3A = arith.constant 0 : index
      %get3A_14 = tpu.vector_load %arg7[%get3A] {strides = array<i32>} : memref<1024xi32, #tpu.memory_space<vmem>>, vector<16xi32>,
      %get3A_15 = vector.shape_cast %get3A_14 : vector<16xi32> to vector<16xi32>
      %swap3A = arith.constant 0 : index
      %swap3A_16 = tpu.vector_load %arg9[%swap3A] {strides = array<i32>} : memref<128xi32, #tpu.memory_space<vmem>>, vector<16xi32>,
      %swap3A_17 = vector.shape_cast %swap3A_16 : vector<16xi32> to vector<16xi32>
      %swap3A_18 = vector.shape_cast %get3A_15 : vector<16xi32> to vector<16xi32>
      tpu.vector_store %arg9[%swap3A], %swap3A_18 {strides = array<i32>} : memref<128xi32, #tpu.memory_space<vmem>>, vector<16xi32>,
      %get3A_19 = arith.constant 0 : index
      %get3A_20 = tpu.vector_load %arg8[%get3A_19] {strides = array<i32>} : memref<1024xi32, #tpu.memory_space<vmem>>, vector<16xi32>,
      %get3A_21 = vector.shape_cast %get3A_20 : vector<16xi32> to vector<16xi32>
      %swap3A_22 = arith.constant 0 : index
      %swap3A_23 = tpu.vector_load %arg11[%swap3A_22] {strides = array<i32>} : memref<128xi32, #tpu.memory_space<vmem>>, vector<16xi32>,
      %swap3A_24 = vector.shape_cast %swap3A_23 : vector<16xi32> to vector<16xi32>
      %swap3A_25 = vector.shape_cast %get3A_21 : vector<16xi32> to vector<16xi32>
      tpu.vector_store %arg11[%swap3A_22], %swap3A_25 {strides = array<i32>} : memref<128xi32, #tpu.memory_space<vmem>>, vector<16xi32>,
      %get3A_26 = arith.constant 16 : index
      %get3A_27 = tpu.vector_load %arg7[%get3A_26] {strides = array<i32>} : memref<1024xi32, #tpu.memory_space<vmem>>, vector<16xi32>,
      %get3A_28 = vector.shape_cast %get3A_27 : vector<16xi32> to vector<16xi32>
      %swap3A_29 = arith.constant 16 : index
      %swap3A_30 = tpu.vector_load %arg9[%swap3A_29] {strides = array<i32>} : memref<128xi32, #tpu.memory_space<vmem>>, vector<16xi32>,
      %swap3A_31 = vector.shape_cast %swap3A_30 : vector<16xi32> to vector<16xi32>
      %swap3A_32 = vector.shape_cast %get3A_28 : vector<16xi32> to vector<16xi32>
      tpu.vector_store %arg9[%swap3A_29], %swap3A_32 {strides = array<i32>} : memref<128xi32, #tpu.memory_space<vmem>>, vector<16xi32>,
      %get3A_33 = arith.constant 16 : index
      %get3A_34 = tpu.vector_load %arg8[%get3A_33] {strides = array<i32>} : memref<1024xi32, #tpu.memory_space<vmem>>, vector<16xi32>,
      %get3A_35 = vector.shape_cast %get3A_34 : vector<16xi32> to vector<16xi32>
      %swap3A_36 = arith.constant 16 : index
      %swap3A_37 = tpu.vector_load %arg11[%swap3A_36] {strides = array<i32>} : memref<128xi32, #tpu.memory_space<vmem>>, vector<16xi32>,
      %swap3A_38 = vector.shape_cast %swap3A_37 : vector<16xi32> to vector<16xi32>
      %swap3A_39 = vector.shape_cast %get3A_35 : vector<16xi32> to vector<16xi32>
      tpu.vector_store %arg11[%swap3A_36], %swap3A_39 {strides = array<i32>} : memref<128xi32, #tpu.memory_space<vmem>>, vector<16xi32>,
      %get3A_40 = arith.constant 32 : index
      %get3A_41 = tpu.vector_load %arg7[%get3A_40] {strides = array<i32>} : memref<1024xi32, #tpu.memory_space<vmem>>, vector<16xi32>,
      %get3A_42 = vector.shape_cast %get3A_41 : vector<16xi32> to vector<16xi32>
      %swap3A_43 = arith.constant 32 : index
      %swap3A_44 = tpu.vector_load %arg9[%swap3A_43] {strides = array<i32>} : memref<128xi32, #tpu.memory_space<vmem>>, vector<16xi32>,
      %swap3A_45 = vector.shape_cast %swap3A_44 : vector<16xi32> to vector<16xi32>
      %swap3A_46 = vector.shape_cast %get3A_42 : vector<16xi32> to vector<16xi32>
      tpu.vector_store %arg9[%swap3A_43], %swap3A_46 {strides = array<i32>} : memref<128xi32, #tpu.memory_space<vmem>>, vector<16xi32>,
      %get3A_47 = arith.constant 32 : index
      %get3A_48 = tpu.vector_load %arg8[%get3A_47] {strides = array<i32>} : memref<1024xi32, #tpu.memory_space<vmem>>, vector<16xi32>,
      %get3A_49 = vector.shape_cast %get3A_48 : vector<16xi32> to vector<16xi32>
      %swap3A_50 = arith.constant 32 : index
      %swap3A_51 = tpu.vector_load %arg11[%swap3A_50] {strides = array<i32>} : memref<128xi32, #tpu.memory_space<vmem>>, vector<16xi32>,
      %swap3A_52 = vector.shape_cast %swap3A_51 : vector<16xi32> to vector<16xi32>
      %swap3A_53 = vector.shape_cast %get3A_49 : vector<16xi32> to vector<16xi32>
      tpu.vector_store %arg11[%swap3A_50], %swap3A_53 {strides = array<i32>} : memref<128xi32, #tpu.memory_space<vmem>>, vector<16xi32>,
      %get3A_54 = arith.constant 48 : index
      %get3A_55 = tpu.vector_load %arg7[%get3A_54] {strides = array<i32>} : memref<1024xi32, #tpu.memory_space<vmem>>, vector<16xi32>,
      %get3A_56 = vector.shape_cast %get3A_55 : vector<16xi32> to vector<16xi32>
      %swap3A_57 = arith.constant 48 : index
      %swap3A_58 = tpu.vector_load %arg9[%swap3A_57] {strides = array<i32>} : memref<128xi32, #tpu.memory_space<vmem>>, vector<16xi32>,
      %swap3A_59 = vector.shape_cast %swap3A_58 : vector<16xi32> to vector<16xi32>
      %swap3A_60 = vector.shape_cast %get3A_56 : vector<16xi32> to vector<16xi32>
      tpu.vector_store %arg9[%swap3A_57], %swap3A_60 {strides = array<i32>} : memref<128xi32, #tpu.memory_space<vmem>>, vector<16xi32>,
      %get3A_61 = arith.constant 48 : index
      %get3A_62 = tpu.vector_load %arg8[%get3A_61] {strides = array<i32>} : memref<1024xi32, #tpu.memory_space<vmem>>, vector<16xi32>,
      %get3A_63 = vector.shape_cast %get3A_62 : vector<16xi32> to vector<16xi32>
      %swap3A_64 = arith.constant 48 : index
      %swap3A_65 = tpu.vector_load %arg11[%swap3A_64] {strides = array<i32>} : memref<128xi32, #tpu.memory_space<vmem>>, vector<16xi32>,
      %swap3A_66 = vector.shape_cast %swap3A_65 : vector<16xi32> to vector<16xi32>
      %swap3A_67 = vector.shape_cast %get3A_63 : vector<16xi32> to vector<16xi32>
      tpu.vector_store %arg11[%swap3A_64], %swap3A_67 {strides = array<i32>} : memref<128xi32, #tpu.memory_space<vmem>>, vector<16xi32>,
      %get3A_68 = arith.constant 64 : index
      %get3A_69 = tpu.vector_load %arg7[%get3A_68] {strides = array<i32>} : memref<1024xi32, #tpu.memory_space<vmem>>, vector<16xi32>,
      %get3A_70 = vector.shape_cast %get3A_69 : vector<16xi32> to vector<16xi32>
      %swap3A_71 = arith.constant 64 : index
      %swap3A_72 = tpu.vector_load %arg9[%swap3A_71] {strides = array<i32>} : memref<128xi32, #tpu.memory_space<vmem>>, vector<16xi32>,
      %swap3A_73 = vector.shape_cast %swap3A_72 : vector<16xi32> to vector<16xi32>
      %swap3A_74 = vector.shape_cast %get3A_70 : vector<16xi32> to vector<16xi32>
      tpu.vector_store %arg9[%swap3A_71], %swap3A_74 {strides = array<i32>} : memref<128xi32, #tpu.memory_space<vmem>>, vector<16xi32>,
      %get3A_75 = arith.constant 64 : index
      %get3A_76 = tpu.vector_load %arg8[%get3A_75] {strides = array<i32>} : memref<1024xi32, #tpu.memory_space<vmem>>, vector<16xi32>,
      %get3A_77 = vector.shape_cast %get3A_76 : vector<16xi32> to vector<16xi32>
      %swap3A_78 = arith.constant 64 : index
      %swap3A_79 = tpu.vector_load %arg11[%swap3A_78] {strides = array<i32>} : memref<128xi32, #tpu.memory_space<vmem>>, vector<16xi32>,
      %swap3A_80 = vector.shape_cast %swap3A_79 : vector<16xi32> to vector<16xi32>
      %swap3A_81 = vector.shape_cast %get3A_77 : vector<16xi32> to vector<16xi32>
      tpu.vector_store %arg11[%swap3A_78], %swap3A_81 {strides = array<i32>} : memref<128xi32, #tpu.memory_space<vmem>>, vector<16xi32>,
      %get3A_82 = arith.constant 80 : index
      %get3A_83 = tpu.vector_load %arg7[%get3A_82] {strides = array<i32>} : memref<1024xi32, #tpu.memory_space<vmem>>, vector<16xi32>,
      %get3A_84 = vector.shape_cast %get3A_83 : vector<16xi32> to vector<16xi32>
      %swap3A_85 = arith.constant 80 : index
      %swap3A_86 = tpu.vector_load %arg9[%swap3A_85] {strides = array<i32>} : memref<128xi32, #tpu.memory_space<vmem>>, vector<16xi32>,
      %swap3A_87 = vector.shape_cast %swap3A_86 : vector<16xi32> to vector<16xi32>
      %swap3A_88 = vector.shape_cast %get3A_84 : vector<16xi32> to vector<16xi32>
      tpu.vector_store %arg9[%swap3A_85], %swap3A_88 {strides = array<i32>} : memref<128xi32, #tpu.memory_space<vmem>>, vector<16xi32>,
      %get3A_89 = arith.constant 80 : index
      %get3A_90 = tpu.vector_load %arg8[%get3A_89] {strides = array<i32>} : memref<1024xi32, #tpu.memory_space<vmem>>, vector<16xi32>,
      %get3A_91 = vector.shape_cast %get3A_90 : vector<16xi32> to vector<16xi32>
      %swap3A_92 = arith.constant 80 : index
      %swap3A_93 = tpu.vector_load %arg11[%swap3A_92] {strides = array<i32>} : memref<128xi32, #tpu.memory_space<vmem>>, vector<16xi32>,
      %swap3A_94 = vector.shape_cast %swap3A_93 : vector<16xi32> to vector<16xi32>
      %swap3A_95 = vector.shape_cast %get3A_91 : vector<16xi32> to vector<16xi32>
      tpu.vector_store %arg11[%swap3A_92], %swap3A_95 {strides = array<i32>} : memref<128xi32, #tpu.memory_space<vmem>>, vector<16xi32>,
      %get3A_96 = arith.constant 96 : index
      %get3A_97 = tpu.vector_load %arg7[%get3A_96] {strides = array<i32>} : memref<1024xi32, #tpu.memory_space<vmem>>, vector<16xi32>,
      %get3A_98 = vector.shape_cast %get3A_97 : vector<16xi32> to vector<16xi32>
      %swap3A_99 = arith.constant 96 : index
      %swap3A_100 = tpu.vector_load %arg9[%swap3A_99] {strides = array<i32>} : memref<128xi32, #tpu.memory_space<vmem>>, vector<16xi32>,
      %swap3A_101 = vector.shape_cast %swap3A_100 : vector<16xi32> to vector<16xi32>
      %swap3A_102 = vector.shape_cast %get3A_98 : vector<16xi32> to vector<16xi32>
      tpu.vector_store %arg9[%swap3A_99], %swap3A_102 {strides = array<i32>} : memref<128xi32, #tpu.memory_space<vmem>>, vector<16xi32>,
      %get3A_103 = arith.constant 96 : index
      %get3A_104 = tpu.vector_load %arg8[%get3A_103] {strides = array<i32>} : memref<1024xi32, #tpu.memory_space<vmem>>, vector<16xi32>,
      %get3A_105 = vector.shape_cast %get3A_104 : vector<16xi32> to vector<16xi32>
      %swap3A_106 = arith.constant 96 : index
      %swap3A_107 = tpu.vector_load %arg11[%swap3A_106] {strides = array<i32>} : memref<128xi32, #tpu.memory_space<vmem>>, vector<16xi32>,
      %swap3A_108 = vector.shape_cast %swap3A_107 : vector<16xi32> to vector<16xi32>
      %swap3A_109 = vector.shape_cast %get3A_105 : vector<16xi32> to vector<16xi32>
      tpu.vector_store %arg11[%swap3A_106], %swap3A_109 {strides = array<i32>} : memref<128xi32, #tpu.memory_space<vmem>>, vector<16xi32>,
      %get3A_110 = arith.constant 112 : index
      %get3A_111 = tpu.vector_load %arg7[%get3A_110] {strides = array<i32>} : memref<1024xi32, #tpu.memory_space<vmem>>, vector<16xi32>,
      %get3A_112 = vector.shape_cast %get3A_111 : vector<16xi32> to vector<16xi32>
      %swap3A_113 = arith.constant 112 : index
      %swap3A_114 = tpu.vector_load %arg9[%swap3A_113] {strides = array<i32>} : memref<128xi32, #tpu.memory_space<vmem>>, vector<16xi32>,
      %swap3A_115 = vector.shape_cast %swap3A_114 : vector<16xi32> to vector<16xi32>
      %swap3A_116 = vector.shape_cast %get3A_112 : vector<16xi32> to vector<16xi32>
      tpu.vector_store %arg9[%swap3A_113], %swap3A_116 {strides = array<i32>} : memref<128xi32, #tpu.memory_space<vmem>>, vector<16xi32>,
      %get3A_117 = arith.constant 112 : index
      %get3A_118 = tpu.vector_load %arg8[%get3A_117] {strides = array<i32>} : memref<1024xi32, #tpu.memory_space<vmem>>, vector<16xi32>,
      %get3A_119 = vector.shape_cast %get3A_118 : vector<16xi32> to vector<16xi32>
      %swap3A_120 = arith.constant 112 : index
      %swap3A_121 = tpu.vector_load %arg11[%swap3A_120] {strides = array<i32>} : memref<128xi32, #tpu.memory_space<vmem>>, vector<16xi32>,
      %swap3A_122 = vector.shape_cast %swap3A_121 : vector<16xi32> to vector<16xi32>
      %swap3A_123 = vector.shape_cast %get3A_119 : vector<16xi32> to vector<16xi32>
      tpu.vector_store %arg11[%swap3A_120], %swap3A_123 {strides = array<i32>} : memref<128xi32, #tpu.memory_space<vmem>>, vector<16xi32>,
      %dma_start3A = arith.constant 0 : i32
      %dma_start3A_124 = arith.constant 0 : i32
      %dma_start3A_125 = tpu.memref_slice %arg2[%dma_start3A, %dma_start3A_124] : memref<50176x16xf32, #tpu.memory_space<hbm>> -> memref<50176x16xf32, #tpu.memory_space<hbm>>
      tpu.enqueue_indirect_dma source(%dma_start3A_125 : memref<50176x16xf32, #tpu.memory_space<hbm>>) target(%arg13 : memref<128x16xf32, #tpu.memory_space<vmem>>) offsets(%arg9 : memref<128xi32, #tpu.memory_space<vmem>>) semaphore(%arg17 : memref<!tpu.dma_semaphore, #tpu.memory_space<semaphore_mem>>)
      %dma_start3A_126 = arith.constant 0 : i32
      %dma_start3A_127 = arith.constant 0 : i32
      %dma_start3A_128 = tpu.memref_slice %arg2[%dma_start3A_126, %dma_start3A_127] : memref<50176x16xf32, #tpu.memory_space<hbm>> -> memref<50176x16xf32, #tpu.memory_space<hbm>>
      tpu.enqueue_indirect_dma source(%dma_start3A_128 : memref<50176x16xf32, #tpu.memory_space<hbm>>) target(%arg15 : memref<128x16xf32, #tpu.memory_space<vmem>>) offsets(%arg11 : memref<128xi32, #tpu.memory_space<vmem>>) semaphore(%arg19 : memref<!tpu.dma_semaphore, #tpu.memory_space<semaphore_mem>>)
      %get3A_129 = arith.constant 128 : index
      %get3A_130 = tpu.vector_load %arg7[%get3A_129] {strides = array<i32>} : memref<1024xi32, #tpu.memory_space<vmem>>, vector<16xi32>,
      %get3A_131 = vector.shape_cast %get3A_130 : vector<16xi32> to vector<16xi32>
      %swap3A_132 = arith.constant 0 : index
      %swap3A_133 = tpu.vector_load %arg10[%swap3A_132] {strides = array<i32>} : memref<128xi32, #tpu.memory_space<vmem>>, vector<16xi32>,
      %swap3A_134 = vector.shape_cast %swap3A_133 : vector<16xi32> to vector<16xi32>
      %swap3A_135 = vector.shape_cast %get3A_131 : vector<16xi32> to vector<16xi32>
      tpu.vector_store %arg10[%swap3A_132], %swap3A_135 {strides = array<i32>} : memref<128xi32, #tpu.memory_space<vmem>>, vector<16xi32>,
      %get3A_136 = arith.constant 128 : index
      %get3A_137 = tpu.vector_load %arg8[%get3A_136] {strides = array<i32>} : memref<1024xi32, #tpu.memory_space<vmem>>, vector<16xi32>,
      %get3A_138 = vector.shape_cast %get3A_137 : vector<16xi32> to vector<16xi32>
      %swap3A_139 = arith.constant 0 : index
      %swap3A_140 = tpu.vector_load %arg12[%swap3A_139] {strides = array<i32>} : memref<128xi32, #tpu.memory_space<vmem>>, vector<16xi32>,
      %swap3A_141 = vector.shape_cast %swap3A_140 : vector<16xi32> to vector<16xi32>
      %swap3A_142 = vector.shape_cast %get3A_138 : vector<16xi32> to vector<16xi32>
      tpu.vector_store %arg12[%swap3A_139], %swap3A_142 {strides = array<i32>} : memref<128xi32, #tpu.memory_space<vmem>>, vector<16xi32>,
      %get3A_143 = arith.constant 144 : index
      %get3A_144 = tpu.vector_load %arg7[%get3A_143] {strides = array<i32>} : memref<1024xi32, #tpu.memory_space<vmem>>, vector<16xi32>,
      %get3A_145 = vector.shape_cast %get3A_144 : vector<16xi32> to vector<16xi32>
      %swap3A_146 = arith.constant 16 : index
      %swap3A_147 = tpu.vector_load %arg10[%swap3A_146] {strides = array<i32>} : memref<128xi32, #tpu.memory_space<vmem>>, vector<16xi32>,
      %swap3A_148 = vector.shape_cast %swap3A_147 : vector<16xi32> to vector<16xi32>
      %swap3A_149 = vector.shape_cast %get3A_145 : vector<16xi32> to vector<16xi32>
      tpu.vector_store %arg10[%swap3A_146], %swap3A_149 {strides = array<i32>} : memref<128xi32, #tpu.memory_space<vmem>>, vector<16xi32>,
      %get3A_150 = arith.constant 144 : index
      %get3A_151 = tpu.vector_load %arg8[%get3A_150] {strides = array<i32>} : memref<1024xi32, #tpu.memory_space<vmem>>, vector<16xi32>,
      %get3A_152 = vector.shape_cast %get3A_151 : vector<16xi32> to vector<16xi32>
      %swap3A_153 = arith.constant 16 : index
      %swap3A_154 = tpu.vector_load %arg12[%swap3A_153] {strides = array<i32>} : memref<128xi32, #tpu.memory_space<vmem>>, vector<16xi32>,
      %swap3A_155 = vector.shape_cast %swap3A_154 : vector<16xi32> to vector<16xi32>
      %swap3A_156 = vector.shape_cast %get3A_152 : vector<16xi32> to vector<16xi32>
      tpu.vector_store %arg12[%swap3A_153], %swap3A_156 {strides = array<i32>} : memref<128xi32, #tpu.memory_space<vmem>>, vector<16xi32>,
      %get3A_157 = arith.constant 160 : index
      %get3A_158 = tpu.vector_load %arg7[%get3A_157] {strides = array<i32>} : memref<1024xi32, #tpu.memory_space<vmem>>, vector<16xi32>,
      %get3A_159 = vector.shape_cast %get3A_158 : vector<16xi32> to vector<16xi32>
      %swap3A_160 = arith.constant 32 : index
      %swap3A_161 = tpu.vector_load %arg10[%swap3A_160] {strides = array<i32>} : memref<128xi32, #tpu.memory_space<vmem>>, vector<16xi32>,
      %swap3A_162 = vector.shape_cast %swap3A_161 : vector<16xi32> to vector<16xi32>
      %swap3A_163 = vector.shape_cast %get3A_159 : vector<16xi32> to vector<16xi32>
      tpu.vector_store %arg10[%swap3A_160], %swap3A_163 {strides = array<i32>} : memref<128xi32, #tpu.memory_space<vmem>>, vector<16xi32>,
      %get3A_164 = arith.constant 160 : index
      %get3A_165 = tpu.vector_load %arg8[%get3A_164] {strides = array<i32>} : memref<1024xi32, #tpu.memory_space<vmem>>, vector<16xi32>,
      %get3A_166 = vector.shape_cast %get3A_165 : vector<16xi32> to vector<16xi32>
      %swap3A_167 = arith.constant 32 : index
      %swap3A_168 = tpu.vector_load %arg12[%swap3A_167] {strides = array<i32>} : memref<128xi32, #tpu.memory_space<vmem>>, vector<16xi32>,
      %swap3A_169 = vector.shape_cast %swap3A_168 : vector<16xi32> to vector<16xi32>
      %swap3A_170 = vector.shape_cast %get3A_166 : vector<16xi32> to vector<16xi32>
      tpu.vector_store %arg12[%swap3A_167], %swap3A_170 {strides = array<i32>} : memref<128xi32, #tpu.memory_space<vmem>>, vector<16xi32>,
      %get3A_171 = arith.constant 176 : index
      %get3A_172 = tpu.vector_load %arg7[%get3A_171] {strides = array<i32>} : memref<1024xi32, #tpu.memory_space<vmem>>, vector<16xi32>,
      %get3A_173 = vector.shape_cast %get3A_172 : vector<16xi32> to vector<16xi32>
      %swap3A_174 = arith.constant 48 : index
      %swap3A_175 = tpu.vector_load %arg10[%swap3A_174] {strides = array<i32>} : memref<128xi32, #tpu.memory_space<vmem>>, vector<16xi32>,
      %swap3A_176 = vector.shape_cast %swap3A_175 : vector<16xi32> to vector<16xi32>
      %swap3A_177 = vector.shape_cast %get3A_173 : vector<16xi32> to vector<16xi32>
      tpu.vector_store %arg10[%swap3A_174], %swap3A_177 {strides = array<i32>} : memref<128xi32, #tpu.memory_space<vmem>>, vector<16xi32>,
      %get3A_178 = arith.constant 176 : index
      %get3A_179 = tpu.vector_load %arg8[%get3A_178] {strides = array<i32>} : memref<1024xi32, #tpu.memory_space<vmem>>, vector<16xi32>,
      %get3A_180 = vector.shape_cast %get3A_179 : vector<16xi32> to vector<16xi32>
      %swap3A_181 = arith.constant 48 : index
      %swap3A_182 = tpu.vector_load %arg12[%swap3A_181] {strides = array<i32>} : memref<128xi32, #tpu.memory_space<vmem>>, vector<16xi32>,
      %swap3A_183 = vector.shape_cast %swap3A_182 : vector<16xi32> to vector<16xi32>
      %swap3A_184 = vector.shape_cast %get3A_180 : vector<16xi32> to vector<16xi32>
      tpu.vector_store %arg12[%swap3A_181], %swap3A_184 {strides = array<i32>} : memref<128xi32, #tpu.memory_space<vmem>>, vector<16xi32>,
      %get3A_185 = arith.constant 192 : index
      %get3A_186 = tpu.vector_load %arg7[%get3A_185] {strides = array<i32>} : memref<1024xi32, #tpu.memory_space<vmem>>, vector<16xi32>,
      %get3A_187 = vector.shape_cast %get3A_186 : vector<16xi32> to vector<16xi32>
      %swap3A_188 = arith.constant 64 : index
      %swap3A_189 = tpu.vector_load %arg10[%swap3A_188] {strides = array<i32>} : memref<128xi32, #tpu.memory_space<vmem>>, vector<16xi32>,
      %swap3A_190 = vector.shape_cast %swap3A_189 : vector<16xi32> to vector<16xi32>
      %swap3A_191 = vector.shape_cast %get3A_187 : vector<16xi32> to vector<16xi32>
      tpu.vector_store %arg10[%swap3A_188], %swap3A_191 {strides = array<i32>} : memref<128xi32, #tpu.memory_space<vmem>>, vector<16xi32>,
      %get3A_192 = arith.constant 192 : index
      %get3A_193 = tpu.vector_load %arg8[%get3A_192] {strides = array<i32>} : memref<1024xi32, #tpu.memory_space<vmem>>, vector<16xi32>,
      %get3A_194 = vector.shape_cast %get3A_193 : vector<16xi32> to vector<16xi32>
      %swap3A_195 = arith.constant 64 : index
      %swap3A_196 = tpu.vector_load %arg12[%swap3A_195] {strides = array<i32>} : memref<128xi32, #tpu.memory_space<vmem>>, vector<16xi32>,
      %swap3A_197 = vector.shape_cast %swap3A_196 : vector<16xi32> to vector<16xi32>
      %swap3A_198 = vector.shape_cast %get3A_194 : vector<16xi32> to vector<16xi32>
      tpu.vector_store %arg12[%swap3A_195], %swap3A_198 {strides = array<i32>} : memref<128xi32, #tpu.memory_space<vmem>>, vector<16xi32>,
      %get3A_199 = arith.constant 208 : index
      %get3A_200 = tpu.vector_load %arg7[%get3A_199] {strides = array<i32>} : memref<1024xi32, #tpu.memory_space<vmem>>, vector<16xi32>,
      %get3A_201 = vector.shape_cast %get3A_200 : vector<16xi32> to vector<16xi32>
      %swap3A_202 = arith.constant 80 : index
      %swap3A_203 = tpu.vector_load %arg10[%swap3A_202] {strides = array<i32>} : memref<128xi32, #tpu.memory_space<vmem>>, vector<16xi32>,
      %swap3A_204 = vector.shape_cast %swap3A_203 : vector<16xi32> to vector<16xi32>
      %swap3A_205 = vector.shape_cast %get3A_201 : vector<16xi32> to vector<16xi32>
      tpu.vector_store %arg10[%swap3A_202], %swap3A_205 {strides = array<i32>} : memref<128xi32, #tpu.memory_space<vmem>>, vector<16xi32>,
      %get3A_206 = arith.constant 208 : index
      %get3A_207 = tpu.vector_load %arg8[%get3A_206] {strides = array<i32>} : memref<1024xi32, #tpu.memory_space<vmem>>, vector<16xi32>,
      %get3A_208 = vector.shape_cast %get3A_207 : vector<16xi32> to vector<16xi32>
      %swap3A_209 = arith.constant 80 : index
      %swap3A_210 = tpu.vector_load %arg12[%swap3A_209] {strides = array<i32>} : memref<128xi32, #tpu.memory_space<vmem>>, vector<16xi32>,
      %swap3A_211 = vector.shape_cast %swap3A_210 : vector<16xi32> to vector<16xi32>
      %swap3A_212 = vector.shape_cast %get3A_208 : vector<16xi32> to vector<16xi32>
      tpu.vector_store %arg12[%swap3A_209], %swap3A_212 {strides = array<i32>} : memref<128xi32, #tpu.memory_space<vmem>>, vector<16xi32>,
      %get3A_213 = arith.constant 224 : index
      %get3A_214 = tpu.vector_load %arg7[%get3A_213] {strides = array<i32>} : memref<1024xi32, #tpu.memory_space<vmem>>, vector<16xi32>,
      %get3A_215 = vector.shape_cast %get3A_214 : vector<16xi32> to vector<16xi32>
      %swap3A_216 = arith.constant 96 : index
      %swap3A_217 = tpu.vector_load %arg10[%swap3A_216] {strides = array<i32>} : memref<128xi32, #tpu.memory_space<vmem>>, vector<16xi32>,
      %swap3A_218 = vector.shape_cast %swap3A_217 : vector<16xi32> to vector<16xi32>
      %swap3A_219 = vector.shape_cast %get3A_215 : vector<16xi32> to vector<16xi32>
      tpu.vector_store %arg10[%swap3A_216], %swap3A_219 {strides = array<i32>} : memref<128xi32, #tpu.memory_space<vmem>>, vector<16xi32>,
      %get3A_220 = arith.constant 224 : index
      %get3A_221 = tpu.vector_load %arg8[%get3A_220] {strides = array<i32>} : memref<1024xi32, #tpu.memory_space<vmem>>, vector<16xi32>,
      %get3A_222 = vector.shape_cast %get3A_221 : vector<16xi32> to vector<16xi32>
      %swap3A_223 = arith.constant 96 : index
      %swap3A_224 = tpu.vector_load %arg12[%swap3A_223] {strides = array<i32>} : memref<128xi32, #tpu.memory_space<vmem>>, vector<16xi32>,
      %swap3A_225 = vector.shape_cast %swap3A_224 : vector<16xi32> to vector<16xi32>
      %swap3A_226 = vector.shape_cast %get3A_222 : vector<16xi32> to vector<16xi32>
      tpu.vector_store %arg12[%swap3A_223], %swap3A_226 {strides = array<i32>} : memref<128xi32, #tpu.memory_space<vmem>>, vector<16xi32>,
      %get3A_227 = arith.constant 240 : index
      %get3A_228 = tpu.vector_load %arg7[%get3A_227] {strides = array<i32>} : memref<1024xi32, #tpu.memory_space<vmem>>, vector<16xi32>,
      %get3A_229 = vector.shape_cast %get3A_228 : vector<16xi32> to vector<16xi32>
      %swap3A_230 = arith.constant 112 : index
      %swap3A_231 = tpu.vector_load %arg10[%swap3A_230] {strides = array<i32>} : memref<128xi32, #tpu.memory_space<vmem>>, vector<16xi32>,
      %swap3A_232 = vector.shape_cast %swap3A_231 : vector<16xi32> to vector<16xi32>
      %swap3A_233 = vector.shape_cast %get3A_229 : vector<16xi32> to vector<16xi32>
      tpu.vector_store %arg10[%swap3A_230], %swap3A_233 {strides = array<i32>} : memref<128xi32, #tpu.memory_space<vmem>>, vector<16xi32>,
      %get3A_234 = arith.constant 240 : index
      %get3A_235 = tpu.vector_load %arg8[%get3A_234] {strides = array<i32>} : memref<1024xi32, #tpu.memory_space<vmem>>, vector<16xi32>,
      %get3A_236 = vector.shape_cast %get3A_235 : vector<16xi32> to vector<16xi32>
      %swap3A_237 = arith.constant 112 : index
      %swap3A_238 = tpu.vector_load %arg12[%swap3A_237] {strides = array<i32>} : memref<128xi32, #tpu.memory_space<vmem>>, vector<16xi32>,
      %swap3A_239 = vector.shape_cast %swap3A_238 : vector<16xi32> to vector<16xi32>
      %swap3A_240 = vector.shape_cast %get3A_236 : vector<16xi32> to vector<16xi32>
      tpu.vector_store %arg12[%swap3A_237], %swap3A_240 {strides = array<i32>} : memref<128xi32, #tpu.memory_space<vmem>>, vector<16xi32>,
      %dma_start3A_241 = arith.constant 0 : i32
      %dma_start3A_242 = arith.constant 0 : i32
      %dma_start3A_243 = tpu.memref_slice %arg2[%dma_start3A_241, %dma_start3A_242] : memref<50176x16xf32, #tpu.memory_space<hbm>> -> memref<50176x16xf32, #tpu.memory_space<hbm>>
      tpu.enqueue_indirect_dma source(%dma_start3A_243 : memref<50176x16xf32, #tpu.memory_space<hbm>>) target(%arg14 : memref<128x16xf32, #tpu.memory_space<vmem>>) offsets(%arg10 : memref<128xi32, #tpu.memory_space<vmem>>) semaphore(%arg18 : memref<!tpu.dma_semaphore, #tpu.memory_space<semaphore_mem>>)
      %dma_start3A_244 = arith.constant 0 : i32
      %dma_start3A_245 = arith.constant 0 : i32
      %dma_start3A_246 = tpu.memref_slice %arg2[%dma_start3A_244, %dma_start3A_245] : memref<50176x16xf32, #tpu.memory_space<hbm>> -> memref<50176x16xf32, #tpu.memory_space<hbm>>
      tpu.enqueue_indirect_dma source(%dma_start3A_246 : memref<50176x16xf32, #tpu.memory_space<hbm>>) target(%arg16 : memref<128x16xf32, #tpu.memory_space<vmem>>) offsets(%arg12 : memref<128xi32, #tpu.memory_space<vmem>>) semaphore(%arg20 : memref<!tpu.dma_semaphore, #tpu.memory_space<semaphore_mem>>)
      %dma_wait3A = arith.constant 0 : i32
      %dma_wait3A_247 = arith.constant 0 : i32
      %dma_wait3A_248 = tpu.memref_slice %arg2[%dma_wait3A, %dma_wait3A_247] : memref<50176x16xf32, #tpu.memory_space<hbm>> -> memref<50176x16xf32, #tpu.memory_space<hbm>>
      tpu.wait_indirect_dma semaphore(%arg17 : memref<!tpu.dma_semaphore, #tpu.memory_space<semaphore_mem>>) src(%dma_wait3A_248 : memref<50176x16xf32, #tpu.memory_space<hbm>>) dst(%arg13 : memref<128x16xf32, #tpu.memory_space<vmem>>)
      %dma_wait3A_249 = arith.constant 0 : i32
      %dma_wait3A_250 = arith.constant 0 : i32
      %dma_wait3A_251 = tpu.memref_slice %arg2[%dma_wait3A_249, %dma_wait3A_250] : memref<50176x16xf32, #tpu.memory_space<hbm>> -> memref<50176x16xf32, #tpu.memory_space<hbm>>
      tpu.wait_indirect_dma semaphore(%arg19 : memref<!tpu.dma_semaphore, #tpu.memory_space<semaphore_mem>>) src(%dma_wait3A_251 : memref<50176x16xf32, #tpu.memory_space<hbm>>) dst(%arg15 : memref<128x16xf32, #tpu.memory_space<vmem>>)
      %add3A_252 = arith.constant 0 : i32
      %add3A_253 = arith.addi %add3A_13, %add3A_252 : i32
      %dma_start3A_254 = arith.constant 0 : i32
      %dma_start3A_255 = tpu.memref_slice %arg5[%add3A_253, %dma_start3A_254] : memref<819200x16xf32, #tpu.memory_space<hbm>> -> memref<128x16xf32, #tpu.memory_space<hbm>>
      %dma_start3A_256 = arith.constant 0 : i32
      %dma_start3A_257 = tpu.memref_slice %arg5[%add3A_253, %dma_start3A_256] : memref<819200x16xf32, #tpu.memory_space<hbm>> -> memref<128x16xf32, #tpu.memory_space<hbm>>
      tpu.enqueue_dma source(%arg13 : memref<128x16xf32, #tpu.memory_space<vmem>>) target(%dma_start3A_257 : memref<128x16xf32, #tpu.memory_space<hbm>>) target_semaphore(%arg21 : memref<!tpu.dma_semaphore, #tpu.memory_space<semaphore_mem>>)
      %dma_start3A_258 = arith.constant 0 : i32
      %dma_start3A_259 = tpu.memref_slice %arg6[%add3A_253, %dma_start3A_258] : memref<819200x16xf32, #tpu.memory_space<hbm>> -> memref<128x16xf32, #tpu.memory_space<hbm>>
      %dma_start3A_260 = arith.constant 0 : i32
      %dma_start3A_261 = tpu.memref_slice %arg6[%add3A_253, %dma_start3A_260] : memref<819200x16xf32, #tpu.memory_space<hbm>> -> memref<128x16xf32, #tpu.memory_space<hbm>>
      tpu.enqueue_dma source(%arg15 : memref<128x16xf32, #tpu.memory_space<vmem>>) target(%dma_start3A_261 : memref<128x16xf32, #tpu.memory_space<hbm>>) target_semaphore(%arg23 : memref<!tpu.dma_semaphore, #tpu.memory_space<semaphore_mem>>)
      %dma_wait3A_262 = arith.constant 0 : i32
      %dma_wait3A_263 = tpu.memref_slice %arg5[%add3A_253, %dma_wait3A_262] : memref<819200x16xf32, #tpu.memory_space<hbm>> -> memref<128x16xf32, #tpu.memory_space<hbm>>
      %dma_wait3A_264 = arith.constant 0 : i32
      %dma_wait3A_265 = tpu.memref_slice %arg5[%add3A_253, %dma_wait3A_264] : memref<819200x16xf32, #tpu.memory_space<hbm>> -> memref<128x16xf32, #tpu.memory_space<hbm>>
      tpu.wait_dma2 semaphore(%arg21 : memref<!tpu.dma_semaphore, #tpu.memory_space<semaphore_mem>>) src(%arg13 : memref<128x16xf32, #tpu.memory_space<vmem>>) dst(%dma_wait3A_265 : memref<128x16xf32, #tpu.memory_space<hbm>>)
      %dma_wait3A_266 = arith.constant 0 : i32
      %dma_wait3A_267 = tpu.memref_slice %arg6[%add3A_253, %dma_wait3A_266] : memref<819200x16xf32, #tpu.memory_space<hbm>> -> memref<128x16xf32, #tpu.memory_space<hbm>>
      %dma_wait3A_268 = arith.constant 0 : i32
      %dma_wait3A_269 = tpu.memref_slice %arg6[%add3A_253, %dma_wait3A_268] : memref<819200x16xf32, #tpu.memory_space<hbm>> -> memref<128x16xf32, #tpu.memory_space<hbm>>
      tpu.wait_dma2 semaphore(%arg23 : memref<!tpu.dma_semaphore, #tpu.memory_space<semaphore_mem>>) src(%arg15 : memref<128x16xf32, #tpu.memory_space<vmem>>) dst(%dma_wait3A_269 : memref<128x16xf32, #tpu.memory_space<hbm>>)
      %get3A_270 = arith.constant 256 : index
      %get3A_271 = tpu.vector_load %arg7[%get3A_270] {strides = array<i32>} : memref<1024xi32, #tpu.memory_space<vmem>>, vector<16xi32>,
      %get3A_272 = vector.shape_cast %get3A_271 : vector<16xi32> to vector<16xi32>
      %swap3A_273 = arith.constant 0 : index
      %swap3A_274 = tpu.vector_load %arg9[%swap3A_273] {strides = array<i32>} : memref<128xi32, #tpu.memory_space<vmem>>, vector<16xi32>,
      %swap3A_275 = vector.shape_cast %swap3A_274 : vector<16xi32> to vector<16xi32>
      %swap3A_276 = vector.shape_cast %get3A_272 : vector<16xi32> to vector<16xi32>
      tpu.vector_store %arg9[%swap3A_273], %swap3A_276 {strides = array<i32>} : memref<128xi32, #tpu.memory_space<vmem>>, vector<16xi32>,
      %get3A_277 = arith.constant 256 : index
      %get3A_278 = tpu.vector_load %arg8[%get3A_277] {strides = array<i32>} : memref<1024xi32, #tpu.memory_space<vmem>>, vector<16xi32>,
      %get3A_279 = vector.shape_cast %get3A_278 : vector<16xi32> to vector<16xi32>
      %swap3A_280 = arith.constant 0 : index
      %swap3A_281 = tpu.vector_load %arg11[%swap3A_280] {strides = array<i32>} : memref<128xi32, #tpu.memory_space<vmem>>, vector<16xi32>,
      %swap3A_282 = vector.shape_cast %swap3A_281 : vector<16xi32> to vector<16xi32>
      %swap3A_283 = vector.shape_cast %get3A_279 : vector<16xi32> to vector<16xi32>
      tpu.vector_store %arg11[%swap3A_280], %swap3A_283 {strides = array<i32>} : memref<128xi32, #tpu.memory_space<vmem>>, vector<16xi32>,
      %get3A_284 = arith.constant 272 : index
      %get3A_285 = tpu.vector_load %arg7[%get3A_284] {strides = array<i32>} : memref<1024xi32, #tpu.memory_space<vmem>>, vector<16xi32>,
      %get3A_286 = vector.shape_cast %get3A_285 : vector<16xi32> to vector<16xi32>
      %swap3A_287 = arith.constant 16 : index
      %swap3A_288 = tpu.vector_load %arg9[%swap3A_287] {strides = array<i32>} : memref<128xi32, #tpu.memory_space<vmem>>, vector<16xi32>,
      %swap3A_289 = vector.shape_cast %swap3A_288 : vector<16xi32> to vector<16xi32>
      %swap3A_290 = vector.shape_cast %get3A_286 : vector<16xi32> to vector<16xi32>
      tpu.vector_store %arg9[%swap3A_287], %swap3A_290 {strides = array<i32>} : memref<128xi32, #tpu.memory_space<vmem>>, vector<16xi32>,
      %get3A_291 = arith.constant 272 : index
      %get3A_292 = tpu.vector_load %arg8[%get3A_291] {strides = array<i32>} : memref<1024xi32, #tpu.memory_space<vmem>>, vector<16xi32>,
      %get3A_293 = vector.shape_cast %get3A_292 : vector<16xi32> to vector<16xi32>
      %swap3A_294 = arith.constant 16 : index
      %swap3A_295 = tpu.vector_load %arg11[%swap3A_294] {strides = array<i32>} : memref<128xi32, #tpu.memory_space<vmem>>, vector<16xi32>,
      %swap3A_296 = vector.shape_cast %swap3A_295 : vector<16xi32> to vector<16xi32>
      %swap3A_297 = vector.shape_cast %get3A_293 : vector<16xi32> to vector<16xi32>
      tpu.vector_store %arg11[%swap3A_294], %swap3A_297 {strides = array<i32>} : memref<128xi32, #tpu.memory_space<vmem>>, vector<16xi32>,
      %get3A_298 = arith.constant 288 : index
      %get3A_299 = tpu.vector_load %arg7[%get3A_298] {strides = array<i32>} : memref<1024xi32, #tpu.memory_space<vmem>>, vector<16xi32>,
      %get3A_300 = vector.shape_cast %get3A_299 : vector<16xi32> to vector<16xi32>
      %swap3A_301 = arith.constant 32 : index
      %swap3A_302 = tpu.vector_load %arg9[%swap3A_301] {strides = array<i32>} : memref<128xi32, #tpu.memory_space<vmem>>, vector<16xi32>,
      %swap3A_303 = vector.shape_cast %swap3A_302 : vector<16xi32> to vector<16xi32>
      %swap3A_304 = vector.shape_cast %get3A_300 : vector<16xi32> to vector<16xi32>
      tpu.vector_store %arg9[%swap3A_301], %swap3A_304 {strides = array<i32>} : memref<128xi32, #tpu.memory_space<vmem>>, vector<16xi32>,
      %get3A_305 = arith.constant 288 : index
      %get3A_306 = tpu.vector_load %arg8[%get3A_305] {strides = array<i32>} : memref<1024xi32, #tpu.memory_space<vmem>>, vector<16xi32>,
      %get3A_307 = vector.shape_cast %get3A_306 : vector<16xi32> to vector<16xi32>
      %swap3A_308 = arith.constant 32 : index
      %swap3A_309 = tpu.vector_load %arg11[%swap3A_308] {strides = array<i32>} : memref<128xi32, #tpu.memory_space<vmem>>, vector<16xi32>,
      %swap3A_310 = vector.shape_cast %swap3A_309 : vector<16xi32> to vector<16xi32>
      %swap3A_311 = vector.shape_cast %get3A_307 : vector<16xi32> to vector<16xi32>
      tpu.vector_store %arg11[%swap3A_308], %swap3A_311 {strides = array<i32>} : memref<128xi32, #tpu.memory_space<vmem>>, vector<16xi32>,
      %get3A_312 = arith.constant 304 : index
      %get3A_313 = tpu.vector_load %arg7[%get3A_312] {strides = array<i32>} : memref<1024xi32, #tpu.memory_space<vmem>>, vector<16xi32>,
      %get3A_314 = vector.shape_cast %get3A_313 : vector<16xi32> to vector<16xi32>
      %swap3A_315 = arith.constant 48 : index
      %swap3A_316 = tpu.vector_load %arg9[%swap3A_315] {strides = array<i32>} : memref<128xi32, #tpu.memory_space<vmem>>, vector<16xi32>,
      %swap3A_317 = vector.shape_cast %swap3A_316 : vector<16xi32> to vector<16xi32>
      %swap3A_318 = vector.shape_cast %get3A_314 : vector<16xi32> to vector<16xi32>
      tpu.vector_store %arg9[%swap3A_315], %swap3A_318 {strides = array<i32>} : memref<128xi32, #tpu.memory_space<vmem>>, vector<16xi32>,
      %get3A_319 = arith.constant 304 : index
      %get3A_320 = tpu.vector_load %arg8[%get3A_319] {strides = array<i32>} : memref<1024xi32, #tpu.memory_space<vmem>>, vector<16xi32>,
      %get3A_321 = vector.shape_cast %get3A_320 : vector<16xi32> to vector<16xi32>
      %swap3A_322 = arith.constant 48 : index
      %swap3A_323 = tpu.vector_load %arg11[%swap3A_322] {strides = array<i32>} : memref<128xi32, #tpu.memory_space<vmem>>, vector<16xi32>,
      %swap3A_324 = vector.shape_cast %swap3A_323 : vector<16xi32> to vector<16xi32>
      %swap3A_325 = vector.shape_cast %get3A_321 : vector<16xi32> to vector<16xi32>
      tpu.vector_store %arg11[%swap3A_322], %swap3A_325 {strides = array<i32>} : memref<128xi32, #tpu.memory_space<vmem>>, vector<16xi32>,
      %get3A_326 = arith.constant 320 : index
      %get3A_327 = tpu.vector_load %arg7[%get3A_326] {strides = array<i32>} : memref<1024xi32, #tpu.memory_space<vmem>>, vector<16xi32>,
      %get3A_328 = vector.shape_cast %get3A_327 : vector<16xi32> to vector<16xi32>
      %swap3A_329 = arith.constant 64 : index
      %swap3A_330 = tpu.vector_load %arg9[%swap3A_329] {strides = array<i32>} : memref<128xi32, #tpu.memory_space<vmem>>, vector<16xi32>,
      %swap3A_331 = vector.shape_cast %swap3A_330 : vector<16xi32> to vector<16xi32>
      %swap3A_332 = vector.shape_cast %get3A_328 : vector<16xi32> to vector<16xi32>
      tpu.vector_store %arg9[%swap3A_329], %swap3A_332 {strides = array<i32>} : memref<128xi32, #tpu.memory_space<vmem>>, vector<16xi32>,
      %get3A_333 = arith.constant 320 : index
      %get3A_334 = tpu.vector_load %arg8[%get3A_333] {strides = array<i32>} : memref<1024xi32, #tpu.memory_space<vmem>>, vector<16xi32>,
      %get3A_335 = vector.shape_cast %get3A_334 : vector<16xi32> to vector<16xi32>
      %swap3A_336 = arith.constant 64 : index
      %swap3A_337 = tpu.vector_load %arg11[%swap3A_336] {strides = array<i32>} : memref<128xi32, #tpu.memory_space<vmem>>, vector<16xi32>,
      %swap3A_338 = vector.shape_cast %swap3A_337 : vector<16xi32> to vector<16xi32>
      %swap3A_339 = vector.shape_cast %get3A_335 : vector<16xi32> to vector<16xi32>
      tpu.vector_store %arg11[%swap3A_336], %swap3A_339 {strides = array<i32>} : memref<128xi32, #tpu.memory_space<vmem>>, vector<16xi32>,
      %get3A_340 = arith.constant 336 : index
      %get3A_341 = tpu.vector_load %arg7[%get3A_340] {strides = array<i32>} : memref<1024xi32, #tpu.memory_space<vmem>>, vector<16xi32>,
      %get3A_342 = vector.shape_cast %get3A_341 : vector<16xi32> to vector<16xi32>
      %swap3A_343 = arith.constant 80 : index
      %swap3A_344 = tpu.vector_load %arg9[%swap3A_343] {strides = array<i32>} : memref<128xi32, #tpu.memory_space<vmem>>, vector<16xi32>,
      %swap3A_345 = vector.shape_cast %swap3A_344 : vector<16xi32> to vector<16xi32>
      %swap3A_346 = vector.shape_cast %get3A_342 : vector<16xi32> to vector<16xi32>
      tpu.vector_store %arg9[%swap3A_343], %swap3A_346 {strides = array<i32>} : memref<128xi32, #tpu.memory_space<vmem>>, vector<16xi32>,
      %get3A_347 = arith.constant 336 : index
      %get3A_348 = tpu.vector_load %arg8[%get3A_347] {strides = array<i32>} : memref<1024xi32, #tpu.memory_space<vmem>>, vector<16xi32>,
      %get3A_349 = vector.shape_cast %get3A_348 : vector<16xi32> to vector<16xi32>
      %swap3A_350 = arith.constant 80 : index
      %swap3A_351 = tpu.vector_load %arg11[%swap3A_350] {strides = array<i32>} : memref<128xi32, #tpu.memory_space<vmem>>, vector<16xi32>,
      %swap3A_352 = vector.shape_cast %swap3A_351 : vector<16xi32> to vector<16xi32>
      %swap3A_353 = vector.shape_cast %get3A_349 : vector<16xi32> to vector<16xi32>
      tpu.vector_store %arg11[%swap3A_350], %swap3A_353 {strides = array<i32>} : memref<128xi32, #tpu.memory_space<vmem>>, vector<16xi32>,
      %get3A_354 = arith.constant 352 : index
      %get3A_355 = tpu.vector_load %arg7[%get3A_354] {strides = array<i32>} : memref<1024xi32, #tpu.memory_space<vmem>>, vector<16xi32>,
      %get3A_356 = vector.shape_cast %get3A_355 : vector<16xi32> to vector<16xi32>
      %swap3A_357 = arith.constant 96 : index
      %swap3A_358 = tpu.vector_load %arg9[%swap3A_357] {strides = array<i32>} : memref<128xi32, #tpu.memory_space<vmem>>, vector<16xi32>,
      %swap3A_359 = vector.shape_cast %swap3A_358 : vector<16xi32> to vector<16xi32>
      %swap3A_360 = vector.shape_cast %get3A_356 : vector<16xi32> to vector<16xi32>
      tpu.vector_store %arg9[%swap3A_357], %swap3A_360 {strides = array<i32>} : memref<128xi32, #tpu.memory_space<vmem>>, vector<16xi32>,
      %get3A_361 = arith.constant 352 : index
      %get3A_362 = tpu.vector_load %arg8[%get3A_361] {strides = array<i32>} : memref<1024xi32, #tpu.memory_space<vmem>>, vector<16xi32>,
      %get3A_363 = vector.shape_cast %get3A_362 : vector<16xi32> to vector<16xi32>
      %swap3A_364 = arith.constant 96 : index
      %swap3A_365 = tpu.vector_load %arg11[%swap3A_364] {strides = array<i32>} : memref<128xi32, #tpu.memory_space<vmem>>, vector<16xi32>,
      %swap3A_366 = vector.shape_cast %swap3A_365 : vector<16xi32> to vector<16xi32>
      %swap3A_367 = vector.shape_cast %get3A_363 : vector<16xi32> to vector<16xi32>
      tpu.vector_store %arg11[%swap3A_364], %swap3A_367 {strides = array<i32>} : memref<128xi32, #tpu.memory_space<vmem>>, vector<16xi32>,
      %get3A_368 = arith.constant 368 : index
      %get3A_369 = tpu.vector_load %arg7[%get3A_368] {strides = array<i32>} : memref<1024xi32, #tpu.memory_space<vmem>>, vector<16xi32>,
      %get3A_370 = vector.shape_cast %get3A_369 : vector<16xi32> to vector<16xi32>
      %swap3A_371 = arith.constant 112 : index
      %swap3A_372 = tpu.vector_load %arg9[%swap3A_371] {strides = array<i32>} : memref<128xi32, #tpu.memory_space<vmem>>, vector<16xi32>,
      %swap3A_373 = vector.shape_cast %swap3A_372 : vector<16xi32> to vector<16xi32>
      %swap3A_374 = vector.shape_cast %get3A_370 : vector<16xi32> to vector<16xi32>
      tpu.vector_store %arg9[%swap3A_371], %swap3A_374 {strides = array<i32>} : memref<128xi32, #tpu.memory_space<vmem>>, vector<16xi32>,
      %get3A_375 = arith.constant 368 : index
      %get3A_376 = tpu.vector_load %arg8[%get3A_375] {strides = array<i32>} : memref<1024xi32, #tpu.memory_space<vmem>>, vector<16xi32>,
      %get3A_377 = vector.shape_cast %get3A_376 : vector<16xi32> to vector<16xi32>
      %swap3A_378 = arith.constant 112 : index
      %swap3A_379 = tpu.vector_load %arg11[%swap3A_378] {strides = array<i32>} : memref<128xi32, #tpu.memory_space<vmem>>, vector<16xi32>,
      %swap3A_380 = vector.shape_cast %swap3A_379 : vector<16xi32> to vector<16xi32>
      %swap3A_381 = vector.shape_cast %get3A_377 : vector<16xi32> to vector<16xi32>
      tpu.vector_store %arg11[%swap3A_378], %swap3A_381 {strides = array<i32>} : memref<128xi32, #tpu.memory_space<vmem>>, vector<16xi32>,
      %dma_start3A_382 = arith.constant 0 : i32
      %dma_start3A_383 = arith.constant 0 : i32
      %dma_start3A_384 = tpu.memref_slice %arg2[%dma_start3A_382, %dma_start3A_383] : memref<50176x16xf32, #tpu.memory_space<hbm>> -> memref<50176x16xf32, #tpu.memory_space<hbm>>
      tpu.enqueue_indirect_dma source(%dma_start3A_384 : memref<50176x16xf32, #tpu.memory_space<hbm>>) target(%arg13 : memref<128x16xf32, #tpu.memory_space<vmem>>) offsets(%arg9 : memref<128xi32, #tpu.memory_space<vmem>>) semaphore(%arg17 : memref<!tpu.dma_semaphore, #tpu.memory_space<semaphore_mem>>)
      %dma_start3A_385 = arith.constant 0 : i32
      %dma_start3A_386 = arith.constant 0 : i32
      %dma_start3A_387 = tpu.memref_slice %arg2[%dma_start3A_385, %dma_start3A_386] : memref<50176x16xf32, #tpu.memory_space<hbm>> -> memref<50176x16xf32, #tpu.memory_space<hbm>>
      tpu.enqueue_indirect_dma source(%dma_start3A_387 : memref<50176x16xf32, #tpu.memory_space<hbm>>) target(%arg15 : memref<128x16xf32, #tpu.memory_space<vmem>>) offsets(%arg11 : memref<128xi32, #tpu.memory_space<vmem>>) semaphore(%arg19 : memref<!tpu.dma_semaphore, #tpu.memory_space<semaphore_mem>>)
      %dma_wait3A_388 = arith.constant 0 : i32
      %dma_wait3A_389 = arith.constant 0 : i32
      %dma_wait3A_390 = tpu.memref_slice %arg2[%dma_wait3A_388, %dma_wait3A_389] : memref<50176x16xf32, #tpu.memory_space<hbm>> -> memref<50176x16xf32, #tpu.memory_space<hbm>>
      tpu.wait_indirect_dma semaphore(%arg18 : memref<!tpu.dma_semaphore, #tpu.memory_space<semaphore_mem>>) src(%dma_wait3A_390 : memref<50176x16xf32, #tpu.memory_space<hbm>>) dst(%arg14 : memref<128x16xf32, #tpu.memory_space<vmem>>)
      %dma_wait3A_391 = arith.constant 0 : i32
      %dma_wait3A_392 = arith.constant 0 : i32
      %dma_wait3A_393 = tpu.memref_slice %arg2[%dma_wait3A_391, %dma_wait3A_392] : memref<50176x16xf32, #tpu.memory_space<hbm>> -> memref<50176x16xf32, #tpu.memory_space<hbm>>
      tpu.wait_indirect_dma semaphore(%arg20 : memref<!tpu.dma_semaphore, #tpu.memory_space<semaphore_mem>>) src(%dma_wait3A_393 : memref<50176x16xf32, #tpu.memory_space<hbm>>) dst(%arg16 : memref<128x16xf32, #tpu.memory_space<vmem>>)
      %add3A_394 = arith.constant 128 : i32
      %add3A_395 = arith.addi %add3A_13, %add3A_394 : i32
      %dma_start3A_396 = arith.constant 0 : i32
      %dma_start3A_397 = tpu.memref_slice %arg5[%add3A_395, %dma_start3A_396] : memref<819200x16xf32, #tpu.memory_space<hbm>> -> memref<128x16xf32, #tpu.memory_space<hbm>>
      %dma_start3A_398 = arith.constant 0 : i32
      %dma_start3A_399 = tpu.memref_slice %arg5[%add3A_395, %dma_start3A_398] : memref<819200x16xf32, #tpu.memory_space<hbm>> -> memref<128x16xf32, #tpu.memory_space<hbm>>
      tpu.enqueue_dma source(%arg14 : memref<128x16xf32, #tpu.memory_space<vmem>>) target(%dma_start3A_399 : memref<128x16xf32, #tpu.memory_space<hbm>>) target_semaphore(%arg22 : memref<!tpu.dma_semaphore, #tpu.memory_space<semaphore_mem>>)
      %dma_start3A_400 = arith.constant 0 : i32
      %dma_start3A_401 = tpu.memref_slice %arg6[%add3A_395, %dma_start3A_400] : memref<819200x16xf32, #tpu.memory_space<hbm>> -> memref<128x16xf32, #tpu.memory_space<hbm>>
      %dma_start3A_402 = arith.constant 0 : i32
      %dma_start3A_403 = tpu.memref_slice %arg6[%add3A_395, %dma_start3A_402] : memref<819200x16xf32, #tpu.memory_space<hbm>> -> memref<128x16xf32, #tpu.memory_space<hbm>>
      tpu.enqueue_dma source(%arg16 : memref<128x16xf32, #tpu.memory_space<vmem>>) target(%dma_start3A_403 : memref<128x16xf32, #tpu.memory_space<hbm>>) target_semaphore(%arg24 : memref<!tpu.dma_semaphore, #tpu.memory_space<semaphore_mem>>)
      %dma_wait3A_404 = arith.constant 0 : i32
      %dma_wait3A_405 = tpu.memref_slice %arg5[%add3A_395, %dma_wait3A_404] : memref<819200x16xf32, #tpu.memory_space<hbm>> -> memref<128x16xf32, #tpu.memory_space<hbm>>
      %dma_wait3A_406 = arith.constant 0 : i32
      %dma_wait3A_407 = tpu.memref_slice %arg5[%add3A_395, %dma_wait3A_406] : memref<819200x16xf32, #tpu.memory_space<hbm>> -> memref<128x16xf32, #tpu.memory_space<hbm>>
      tpu.wait_dma2 semaphore(%arg22 : memref<!tpu.dma_semaphore, #tpu.memory_space<semaphore_mem>>) src(%arg14 : memref<128x16xf32, #tpu.memory_space<vmem>>) dst(%dma_wait3A_407 : memref<128x16xf32, #tpu.memory_space<hbm>>)
      %dma_wait3A_408 = arith.constant 0 : i32
      %dma_wait3A_409 = tpu.memref_slice %arg6[%add3A_395, %dma_wait3A_408] : memref<819200x16xf32, #tpu.memory_space<hbm>> -> memref<128x16xf32, #tpu.memory_space<hbm>>
      %dma_wait3A_410 = arith.constant 0 : i32
      %dma_wait3A_411 = tpu.memref_slice %arg6[%add3A_395, %dma_wait3A_410] : memref<819200x16xf32, #tpu.memory_space<hbm>> -> memref<128x16xf32, #tpu.memory_space<hbm>>
      tpu.wait_dma2 semaphore(%arg24 : memref<!tpu.dma_semaphore, #tpu.memory_space<semaphore_mem>>) src(%arg16 : memref<128x16xf32, #tpu.memory_space<vmem>>) dst(%dma_wait3A_411 : memref<128x16xf32, #tpu.memory_space<hbm>>)
      %get3A_412 = arith.constant 384 : index
      %get3A_413 = tpu.vector_load %arg7[%get3A_412] {strides = array<i32>} : memref<1024xi32, #tpu.memory_space<vmem>>, vector<16xi32>,
      %get3A_414 = vector.shape_cast %get3A_413 : vector<16xi32> to vector<16xi32>
      %swap3A_415 = arith.constant 0 : index
      %swap3A_416 = tpu.vector_load %arg10[%swap3A_415] {strides = array<i32>} : memref<128xi32, #tpu.memory_space<vmem>>, vector<16xi32>,
      %swap3A_417 = vector.shape_cast %swap3A_416 : vector<16xi32> to vector<16xi32>
      %swap3A_418 = vector.shape_cast %get3A_414 : vector<16xi32> to vector<16xi32>
      tpu.vector_store %arg10[%swap3A_415], %swap3A_418 {strides = array<i32>} : memref<128xi32, #tpu.memory_space<vmem>>, vector<16xi32>,
      %get3A_419 = arith.constant 384 : index
      %get3A_420 = tpu.vector_load %arg8[%get3A_419] {strides = array<i32>} : memref<1024xi32, #tpu.memory_space<vmem>>, vector<16xi32>,
      %get3A_421 = vector.shape_cast %get3A_420 : vector<16xi32> to vector<16xi32>
      %swap3A_422 = arith.constant 0 : index
      %swap3A_423 = tpu.vector_load %arg12[%swap3A_422] {strides = array<i32>} : memref<128xi32, #tpu.memory_space<vmem>>, vector<16xi32>,
      %swap3A_424 = vector.shape_cast %swap3A_423 : vector<16xi32> to vector<16xi32>
      %swap3A_425 = vector.shape_cast %get3A_421 : vector<16xi32> to vector<16xi32>
      tpu.vector_store %arg12[%swap3A_422], %swap3A_425 {strides = array<i32>} : memref<128xi32, #tpu.memory_space<vmem>>, vector<16xi32>,
      %get3A_426 = arith.constant 400 : index
      %get3A_427 = tpu.vector_load %arg7[%get3A_426] {strides = array<i32>} : memref<1024xi32, #tpu.memory_space<vmem>>, vector<16xi32>,
      %get3A_428 = vector.shape_cast %get3A_427 : vector<16xi32> to vector<16xi32>
      %swap3A_429 = arith.constant 16 : index
      %swap3A_430 = tpu.vector_load %arg10[%swap3A_429] {strides = array<i32>} : memref<128xi32, #tpu.memory_space<vmem>>, vector<16xi32>,
      %swap3A_431 = vector.shape_cast %swap3A_430 : vector<16xi32> to vector<16xi32>
      %swap3A_432 = vector.shape_cast %get3A_428 : vector<16xi32> to vector<16xi32>
      tpu.vector_store %arg10[%swap3A_429], %swap3A_432 {strides = array<i32>} : memref<128xi32, #tpu.memory_space<vmem>>, vector<16xi32>,
      %get3A_433 = arith.constant 400 : index
      %get3A_434 = tpu.vector_load %arg8[%get3A_433] {strides = array<i32>} : memref<1024xi32, #tpu.memory_space<vmem>>, vector<16xi32>,
      %get3A_435 = vector.shape_cast %get3A_434 : vector<16xi32> to vector<16xi32>
      %swap3A_436 = arith.constant 16 : index
      %swap3A_437 = tpu.vector_load %arg12[%swap3A_436] {strides = array<i32>} : memref<128xi32, #tpu.memory_space<vmem>>, vector<16xi32>,
      %swap3A_438 = vector.shape_cast %swap3A_437 : vector<16xi32> to vector<16xi32>
      %swap3A_439 = vector.shape_cast %get3A_435 : vector<16xi32> to vector<16xi32>
      tpu.vector_store %arg12[%swap3A_436], %swap3A_439 {strides = array<i32>} : memref<128xi32, #tpu.memory_space<vmem>>, vector<16xi32>,
      %get3A_440 = arith.constant 416 : index
      %get3A_441 = tpu.vector_load %arg7[%get3A_440] {strides = array<i32>} : memref<1024xi32, #tpu.memory_space<vmem>>, vector<16xi32>,
      %get3A_442 = vector.shape_cast %get3A_441 : vector<16xi32> to vector<16xi32>
      %swap3A_443 = arith.constant 32 : index
      %swap3A_444 = tpu.vector_load %arg10[%swap3A_443] {strides = array<i32>} : memref<128xi32, #tpu.memory_space<vmem>>, vector<16xi32>,
      %swap3A_445 = vector.shape_cast %swap3A_444 : vector<16xi32> to vector<16xi32>
      %swap3A_446 = vector.shape_cast %get3A_442 : vector<16xi32> to vector<16xi32>
      tpu.vector_store %arg10[%swap3A_443], %swap3A_446 {strides = array<i32>} : memref<128xi32, #tpu.memory_space<vmem>>, vector<16xi32>,
      %get3A_447 = arith.constant 416 : index
      %get3A_448 = tpu.vector_load %arg8[%get3A_447] {strides = array<i32>} : memref<1024xi32, #tpu.memory_space<vmem>>, vector<16xi32>,
      %get3A_449 = vector.shape_cast %get3A_448 : vector<16xi32> to vector<16xi32>
      %swap3A_450 = arith.constant 32 : index
      %swap3A_451 = tpu.vector_load %arg12[%swap3A_450] {strides = array<i32>} : memref<128xi32, #tpu.memory_space<vmem>>, vector<16xi32>,
      %swap3A_452 = vector.shape_cast %swap3A_451 : vector<16xi32> to vector<16xi32>
      %swap3A_453 = vector.shape_cast %get3A_449 : vector<16xi32> to vector<16xi32>
      tpu.vector_store %arg12[%swap3A_450], %swap3A_453 {strides = array<i32>} : memref<128xi32, #tpu.memory_space<vmem>>, vector<16xi32>,
      %get3A_454 = arith.constant 432 : index
      %get3A_455 = tpu.vector_load %arg7[%get3A_454] {strides = array<i32>} : memref<1024xi32, #tpu.memory_space<vmem>>, vector<16xi32>,
      %get3A_456 = vector.shape_cast %get3A_455 : vector<16xi32> to vector<16xi32>
      %swap3A_457 = arith.constant 48 : index
      %swap3A_458 = tpu.vector_load %arg10[%swap3A_457] {strides = array<i32>} : memref<128xi32, #tpu.memory_space<vmem>>, vector<16xi32>,
      %swap3A_459 = vector.shape_cast %swap3A_458 : vector<16xi32> to vector<16xi32>
      %swap3A_460 = vector.shape_cast %get3A_456 : vector<16xi32> to vector<16xi32>
      tpu.vector_store %arg10[%swap3A_457], %swap3A_460 {strides = array<i32>} : memref<128xi32, #tpu.memory_space<vmem>>, vector<16xi32>,
      %get3A_461 = arith.constant 432 : index
      %get3A_462 = tpu.vector_load %arg8[%get3A_461] {strides = array<i32>} : memref<1024xi32, #tpu.memory_space<vmem>>, vector<16xi32>,
      %get3A_463 = vector.shape_cast %get3A_462 : vector<16xi32> to vector<16xi32>
      %swap3A_464 = arith.constant 48 : index
      %swap3A_465 = tpu.vector_load %arg12[%swap3A_464] {strides = array<i32>} : memref<128xi32, #tpu.memory_space<vmem>>, vector<16xi32>,
      %swap3A_466 = vector.shape_cast %swap3A_465 : vector<16xi32> to vector<16xi32>
      %swap3A_467 = vector.shape_cast %get3A_463 : vector<16xi32> to vector<16xi32>
      tpu.vector_store %arg12[%swap3A_464], %swap3A_467 {strides = array<i32>} : memref<128xi32, #tpu.memory_space<vmem>>, vector<16xi32>,
      %get3A_468 = arith.constant 448 : index
      %get3A_469 = tpu.vector_load %arg7[%get3A_468] {strides = array<i32>} : memref<1024xi32, #tpu.memory_space<vmem>>, vector<16xi32>,
      %get3A_470 = vector.shape_cast %get3A_469 : vector<16xi32> to vector<16xi32>
      %swap3A_471 = arith.constant 64 : index
      %swap3A_472 = tpu.vector_load %arg10[%swap3A_471] {strides = array<i32>} : memref<128xi32, #tpu.memory_space<vmem>>, vector<16xi32>,
      %swap3A_473 = vector.shape_cast %swap3A_472 : vector<16xi32> to vector<16xi32>
      %swap3A_474 = vector.shape_cast %get3A_470 : vector<16xi32> to vector<16xi32>
      tpu.vector_store %arg10[%swap3A_471], %swap3A_474 {strides = array<i32>} : memref<128xi32, #tpu.memory_space<vmem>>, vector<16xi32>,
      %get3A_475 = arith.constant 448 : index
      %get3A_476 = tpu.vector_load %arg8[%get3A_475] {strides = array<i32>} : memref<1024xi32, #tpu.memory_space<vmem>>, vector<16xi32>,
      %get3A_477 = vector.shape_cast %get3A_476 : vector<16xi32> to vector<16xi32>
      %swap3A_478 = arith.constant 64 : index
      %swap3A_479 = tpu.vector_load %arg12[%swap3A_478] {strides = array<i32>} : memref<128xi32, #tpu.memory_space<vmem>>, vector<16xi32>,
      %swap3A_480 = vector.shape_cast %swap3A_479 : vector<16xi32> to vector<16xi32>
      %swap3A_481 = vector.shape_cast %get3A_477 : vector<16xi32> to vector<16xi32>
      tpu.vector_store %arg12[%swap3A_478], %swap3A_481 {strides = array<i32>} : memref<128xi32, #tpu.memory_space<vmem>>, vector<16xi32>,
      %get3A_482 = arith.constant 464 : index
      %get3A_483 = tpu.vector_load %arg7[%get3A_482] {strides = array<i32>} : memref<1024xi32, #tpu.memory_space<vmem>>, vector<16xi32>,
      %get3A_484 = vector.shape_cast %get3A_483 : vector<16xi32> to vector<16xi32>
      %swap3A_485 = arith.constant 80 : index
      %swap3A_486 = tpu.vector_load %arg10[%swap3A_485] {strides = array<i32>} : memref<128xi32, #tpu.memory_space<vmem>>, vector<16xi32>,
      %swap3A_487 = vector.shape_cast %swap3A_486 : vector<16xi32> to vector<16xi32>
      %swap3A_488 = vector.shape_cast %get3A_484 : vector<16xi32> to vector<16xi32>
      tpu.vector_store %arg10[%swap3A_485], %swap3A_488 {strides = array<i32>} : memref<128xi32, #tpu.memory_space<vmem>>, vector<16xi32>,
      %get3A_489 = arith.constant 464 : index
      %get3A_490 = tpu.vector_load %arg8[%get3A_489] {strides = array<i32>} : memref<1024xi32, #tpu.memory_space<vmem>>, vector<16xi32>,
      %get3A_491 = vector.shape_cast %get3A_490 : vector<16xi32> to vector<16xi32>
      %swap3A_492 = arith.constant 80 : index
      %swap3A_493 = tpu.vector_load %arg12[%swap3A_492] {strides = array<i32>} : memref<128xi32, #tpu.memory_space<vmem>>, vector<16xi32>,
      %swap3A_494 = vector.shape_cast %swap3A_493 : vector<16xi32> to vector<16xi32>
      %swap3A_495 = vector.shape_cast %get3A_491 : vector<16xi32> to vector<16xi32>
      tpu.vector_store %arg12[%swap3A_492], %swap3A_495 {strides = array<i32>} : memref<128xi32, #tpu.memory_space<vmem>>, vector<16xi32>,
      %get3A_496 = arith.constant 480 : index
      %get3A_497 = tpu.vector_load %arg7[%get3A_496] {strides = array<i32>} : memref<1024xi32, #tpu.memory_space<vmem>>, vector<16xi32>,
      %get3A_498 = vector.shape_cast %get3A_497 : vector<16xi32> to vector<16xi32>
      %swap3A_499 = arith.constant 96 : index
      %swap3A_500 = tpu.vector_load %arg10[%swap3A_499] {strides = array<i32>} : memref<128xi32, #tpu.memory_space<vmem>>, vector<16xi32>,
      %swap3A_501 = vector.shape_cast %swap3A_500 : vector<16xi32> to vector<16xi32>
      %swap3A_502 = vector.shape_cast %get3A_498 : vector<16xi32> to vector<16xi32>
      tpu.vector_store %arg10[%swap3A_499], %swap3A_502 {strides = array<i32>} : memref<128xi32, #tpu.memory_space<vmem>>, vector<16xi32>,
      %get3A_503 = arith.constant 480 : index
      %get3A_504 = tpu.vector_load %arg8[%get3A_503] {strides = array<i32>} : memref<1024xi32, #tpu.memory_space<vmem>>, vector<16xi32>,
      %get3A_505 = vector.shape_cast %get3A_504 : vector<16xi32> to vector<16xi32>
      %swap3A_506 = arith.constant 96 : index
      %swap3A_507 = tpu.vector_load %arg12[%swap3A_506] {strides = array<i32>} : memref<128xi32, #tpu.memory_space<vmem>>, vector<16xi32>,
      %swap3A_508 = vector.shape_cast %swap3A_507 : vector<16xi32> to vector<16xi32>
      %swap3A_509 = vector.shape_cast %get3A_505 : vector<16xi32> to vector<16xi32>
      tpu.vector_store %arg12[%swap3A_506], %swap3A_509 {strides = array<i32>} : memref<128xi32, #tpu.memory_space<vmem>>, vector<16xi32>,
      %get3A_510 = arith.constant 496 : index
      %get3A_511 = tpu.vector_load %arg7[%get3A_510] {strides = array<i32>} : memref<1024xi32, #tpu.memory_space<vmem>>, vector<16xi32>,
      %get3A_512 = vector.shape_cast %get3A_511 : vector<16xi32> to vector<16xi32>
      %swap3A_513 = arith.constant 112 : index
      %swap3A_514 = tpu.vector_load %arg10[%swap3A_513] {strides = array<i32>} : memref<128xi32, #tpu.memory_space<vmem>>, vector<16xi32>,
      %swap3A_515 = vector.shape_cast %swap3A_514 : vector<16xi32> to vector<16xi32>
      %swap3A_516 = vector.shape_cast %get3A_512 : vector<16xi32> to vector<16xi32>
      tpu.vector_store %arg10[%swap3A_513], %swap3A_516 {strides = array<i32>} : memref<128xi32, #tpu.memory_space<vmem>>, vector<16xi32>,
      %get3A_517 = arith.constant 496 : index
      %get3A_518 = tpu.vector_load %arg8[%get3A_517] {strides = array<i32>} : memref<1024xi32, #tpu.memory_space<vmem>>, vector<16xi32>,
      %get3A_519 = vector.shape_cast %get3A_518 : vector<16xi32> to vector<16xi32>
      %swap3A_520 = arith.constant 112 : index
      %swap3A_521 = tpu.vector_load %arg12[%swap3A_520] {strides = array<i32>} : memref<128xi32, #tpu.memory_space<vmem>>, vector<16xi32>,
      %swap3A_522 = vector.shape_cast %swap3A_521 : vector<16xi32> to vector<16xi32>
      %swap3A_523 = vector.shape_cast %get3A_519 : vector<16xi32> to vector<16xi32>
      tpu.vector_store %arg12[%swap3A_520], %swap3A_523 {strides = array<i32>} : memref<128xi32, #tpu.memory_space<vmem>>, vector<16xi32>,
      %dma_start3A_524 = arith.constant 0 : i32
      %dma_start3A_525 = arith.constant 0 : i32
      %dma_start3A_526 = tpu.memref_slice %arg2[%dma_start3A_524, %dma_start3A_525] : memref<50176x16xf32, #tpu.memory_space<hbm>> -> memref<50176x16xf32, #tpu.memory_space<hbm>>
      tpu.enqueue_indirect_dma source(%dma_start3A_526 : memref<50176x16xf32, #tpu.memory_space<hbm>>) target(%arg14 : memref<128x16xf32, #tpu.memory_space<vmem>>) offsets(%arg10 : memref<128xi32, #tpu.memory_space<vmem>>) semaphore(%arg18 : memref<!tpu.dma_semaphore, #tpu.memory_space<semaphore_mem>>)
      %dma_start3A_527 = arith.constant 0 : i32
      %dma_start3A_528 = arith.constant 0 : i32
      %dma_start3A_529 = tpu.memref_slice %arg2[%dma_start3A_527, %dma_start3A_528] : memref<50176x16xf32, #tpu.memory_space<hbm>> -> memref<50176x16xf32, #tpu.memory_space<hbm>>
      tpu.enqueue_indirect_dma source(%dma_start3A_529 : memref<50176x16xf32, #tpu.memory_space<hbm>>) target(%arg16 : memref<128x16xf32, #tpu.memory_space<vmem>>) offsets(%arg12 : memref<128xi32, #tpu.memory_space<vmem>>) semaphore(%arg20 : memref<!tpu.dma_semaphore, #tpu.memory_space<semaphore_mem>>)
      %dma_wait3A_530 = arith.constant 0 : i32
      %dma_wait3A_531 = arith.constant 0 : i32
      %dma_wait3A_532 = tpu.memref_slice %arg2[%dma_wait3A_530, %dma_wait3A_531] : memref<50176x16xf32, #tpu.memory_space<hbm>> -> memref<50176x16xf32, #tpu.memory_space<hbm>>
      tpu.wait_indirect_dma semaphore(%arg17 : memref<!tpu.dma_semaphore, #tpu.memory_space<semaphore_mem>>) src(%dma_wait3A_532 : memref<50176x16xf32, #tpu.memory_space<hbm>>) dst(%arg13 : memref<128x16xf32, #tpu.memory_space<vmem>>)
      %dma_wait3A_533 = arith.constant 0 : i32
      %dma_wait3A_534 = arith.constant 0 : i32
      %dma_wait3A_535 = tpu.memref_slice %arg2[%dma_wait3A_533, %dma_wait3A_534] : memref<50176x16xf32, #tpu.memory_space<hbm>> -> memref<50176x16xf32, #tpu.memory_space<hbm>>
      tpu.wait_indirect_dma semaphore(%arg19 : memref<!tpu.dma_semaphore, #tpu.memory_space<semaphore_mem>>) src(%dma_wait3A_535 : memref<50176x16xf32, #tpu.memory_space<hbm>>) dst(%arg15 : memref<128x16xf32, #tpu.memory_space<vmem>>)
      %add3A_536 = arith.constant 256 : i32
      %add3A_537 = arith.addi %add3A_13, %add3A_536 : i32
      %dma_start3A_538 = arith.constant 0 : i32
      %dma_start3A_539 = tpu.memref_slice %arg5[%add3A_537, %dma_start3A_538] : memref<819200x16xf32, #tpu.memory_space<hbm>> -> memref<128x16xf32, #tpu.memory_space<hbm>>
      %dma_start3A_540 = arith.constant 0 : i32
      %dma_start3A_541 = tpu.memref_slice %arg5[%add3A_537, %dma_start3A_540] : memref<819200x16xf32, #tpu.memory_space<hbm>> -> memref<128x16xf32, #tpu.memory_space<hbm>>
      tpu.enqueue_dma source(%arg13 : memref<128x16xf32, #tpu.memory_space<vmem>>) target(%dma_start3A_541 : memref<128x16xf32, #tpu.memory_space<hbm>>) target_semaphore(%arg21 : memref<!tpu.dma_semaphore, #tpu.memory_space<semaphore_mem>>)
      %dma_start3A_542 = arith.constant 0 : i32
      %dma_start3A_543 = tpu.memref_slice %arg6[%add3A_537, %dma_start3A_542] : memref<819200x16xf32, #tpu.memory_space<hbm>> -> memref<128x16xf32, #tpu.memory_space<hbm>>
      %dma_start3A_544 = arith.constant 0 : i32
      %dma_start3A_545 = tpu.memref_slice %arg6[%add3A_537, %dma_start3A_544] : memref<819200x16xf32, #tpu.memory_space<hbm>> -> memref<128x16xf32, #tpu.memory_space<hbm>>
      tpu.enqueue_dma source(%arg15 : memref<128x16xf32, #tpu.memory_space<vmem>>) target(%dma_start3A_545 : memref<128x16xf32, #tpu.memory_space<hbm>>) target_semaphore(%arg23 : memref<!tpu.dma_semaphore, #tpu.memory_space<semaphore_mem>>)
      %dma_wait3A_546 = arith.constant 0 : i32
      %dma_wait3A_547 = tpu.memref_slice %arg5[%add3A_537, %dma_wait3A_546] : memref<819200x16xf32, #tpu.memory_space<hbm>> -> memref<128x16xf32, #tpu.memory_space<hbm>>
      %dma_wait3A_548 = arith.constant 0 : i32
      %dma_wait3A_549 = tpu.memref_slice %arg5[%add3A_537, %dma_wait3A_548] : memref<819200x16xf32, #tpu.memory_space<hbm>> -> memref<128x16xf32, #tpu.memory_space<hbm>>
      tpu.wait_dma2 semaphore(%arg21 : memref<!tpu.dma_semaphore, #tpu.memory_space<semaphore_mem>>) src(%arg13 : memref<128x16xf32, #tpu.memory_space<vmem>>) dst(%dma_wait3A_549 : memref<128x16xf32, #tpu.memory_space<hbm>>)
      %dma_wait3A_550 = arith.constant 0 : i32
      %dma_wait3A_551 = tpu.memref_slice %arg6[%add3A_537, %dma_wait3A_550] : memref<819200x16xf32, #tpu.memory_space<hbm>> -> memref<128x16xf32, #tpu.memory_space<hbm>>
      %dma_wait3A_552 = arith.constant 0 : i32
      %dma_wait3A_553 = tpu.memref_slice %arg6[%add3A_537, %dma_wait3A_552] : memref<819200x16xf32, #tpu.memory_space<hbm>> -> memref<128x16xf32, #tpu.memory_space<hbm>>
      tpu.wait_dma2 semaphore(%arg23 : memref<!tpu.dma_semaphore, #tpu.memory_space<semaphore_mem>>) src(%arg15 : memref<128x16xf32, #tpu.memory_space<vmem>>) dst(%dma_wait3A_553 : memref<128x16xf32, #tpu.memory_space<hbm>>)
      %get3A_554 = arith.constant 512 : index
      %get3A_555 = tpu.vector_load %arg7[%get3A_554] {strides = array<i32>} : memref<1024xi32, #tpu.memory_space<vmem>>, vector<16xi32>,
      %get3A_556 = vector.shape_cast %get3A_555 : vector<16xi32> to vector<16xi32>
      %swap3A_557 = arith.constant 0 : index
      %swap3A_558 = tpu.vector_load %arg9[%swap3A_557] {strides = array<i32>} : memref<128xi32, #tpu.memory_space<vmem>>, vector<16xi32>,
      %swap3A_559 = vector.shape_cast %swap3A_558 : vector<16xi32> to vector<16xi32>
      %swap3A_560 = vector.shape_cast %get3A_556 : vector<16xi32> to vector<16xi32>
      tpu.vector_store %arg9[%swap3A_557], %swap3A_560 {strides = array<i32>} : memref<128xi32, #tpu.memory_space<vmem>>, vector<16xi32>,
      %get3A_561 = arith.constant 512 : index
      %get3A_562 = tpu.vector_load %arg8[%get3A_561] {strides = array<i32>} : memref<1024xi32, #tpu.memory_space<vmem>>, vector<16xi32>,
      %get3A_563 = vector.shape_cast %get3A_562 : vector<16xi32> to vector<16xi32>
      %swap3A_564 = arith.constant 0 : index
      %swap3A_565 = tpu.vector_load %arg11[%swap3A_564] {strides = array<i32>} : memref<128xi32, #tpu.memory_space<vmem>>, vector<16xi32>,
      %swap3A_566 = vector.shape_cast %swap3A_565 : vector<16xi32> to vector<16xi32>
      %swap3A_567 = vector.shape_cast %get3A_563 : vector<16xi32> to vector<16xi32>
      tpu.vector_store %arg11[%swap3A_564], %swap3A_567 {strides = array<i32>} : memref<128xi32, #tpu.memory_space<vmem>>, vector<16xi32>,
      %get3A_568 = arith.constant 528 : index
      %get3A_569 = tpu.vector_load %arg7[%get3A_568] {strides = array<i32>} : memref<1024xi32, #tpu.memory_space<vmem>>, vector<16xi32>,
      %get3A_570 = vector.shape_cast %get3A_569 : vector<16xi32> to vector<16xi32>
      %swap3A_571 = arith.constant 16 : index
      %swap3A_572 = tpu.vector_load %arg9[%swap3A_571] {strides = array<i32>} : memref<128xi32, #tpu.memory_space<vmem>>, vector<16xi32>,
      %swap3A_573 = vector.shape_cast %swap3A_572 : vector<16xi32> to vector<16xi32>
      %swap3A_574 = vector.shape_cast %get3A_570 : vector<16xi32> to vector<16xi32>
      tpu.vector_store %arg9[%swap3A_571], %swap3A_574 {strides = array<i32>} : memref<128xi32, #tpu.memory_space<vmem>>, vector<16xi32>,
      %get3A_575 = arith.constant 528 : index
      %get3A_576 = tpu.vector_load %arg8[%get3A_575] {strides = array<i32>} : memref<1024xi32, #tpu.memory_space<vmem>>, vector<16xi32>,
      %get3A_577 = vector.shape_cast %get3A_576 : vector<16xi32> to vector<16xi32>
      %swap3A_578 = arith.constant 16 : index
      %swap3A_579 = tpu.vector_load %arg11[%swap3A_578] {strides = array<i32>} : memref<128xi32, #tpu.memory_space<vmem>>, vector<16xi32>,
      %swap3A_580 = vector.shape_cast %swap3A_579 : vector<16xi32> to vector<16xi32>
      %swap3A_581 = vector.shape_cast %get3A_577 : vector<16xi32> to vector<16xi32>
      tpu.vector_store %arg11[%swap3A_578], %swap3A_581 {strides = array<i32>} : memref<128xi32, #tpu.memory_space<vmem>>, vector<16xi32>,
      %get3A_582 = arith.constant 544 : index
      %get3A_583 = tpu.vector_load %arg7[%get3A_582] {strides = array<i32>} : memref<1024xi32, #tpu.memory_space<vmem>>, vector<16xi32>,
      %get3A_584 = vector.shape_cast %get3A_583 : vector<16xi32> to vector<16xi32>
      %swap3A_585 = arith.constant 32 : index
      %swap3A_586 = tpu.vector_load %arg9[%swap3A_585] {strides = array<i32>} : memref<128xi32, #tpu.memory_space<vmem>>, vector<16xi32>,
      %swap3A_587 = vector.shape_cast %swap3A_586 : vector<16xi32> to vector<16xi32>
      %swap3A_588 = vector.shape_cast %get3A_584 : vector<16xi32> to vector<16xi32>
      tpu.vector_store %arg9[%swap3A_585], %swap3A_588 {strides = array<i32>} : memref<128xi32, #tpu.memory_space<vmem>>, vector<16xi32>,
      %get3A_589 = arith.constant 544 : index
      %get3A_590 = tpu.vector_load %arg8[%get3A_589] {strides = array<i32>} : memref<1024xi32, #tpu.memory_space<vmem>>, vector<16xi32>,
      %get3A_591 = vector.shape_cast %get3A_590 : vector<16xi32> to vector<16xi32>
      %swap3A_592 = arith.constant 32 : index
      %swap3A_593 = tpu.vector_load %arg11[%swap3A_592] {strides = array<i32>} : memref<128xi32, #tpu.memory_space<vmem>>, vector<16xi32>,
      %swap3A_594 = vector.shape_cast %swap3A_593 : vector<16xi32> to vector<16xi32>
      %swap3A_595 = vector.shape_cast %get3A_591 : vector<16xi32> to vector<16xi32>
      tpu.vector_store %arg11[%swap3A_592], %swap3A_595 {strides = array<i32>} : memref<128xi32, #tpu.memory_space<vmem>>, vector<16xi32>,
      %get3A_596 = arith.constant 560 : index
      %get3A_597 = tpu.vector_load %arg7[%get3A_596] {strides = array<i32>} : memref<1024xi32, #tpu.memory_space<vmem>>, vector<16xi32>,
      %get3A_598 = vector.shape_cast %get3A_597 : vector<16xi32> to vector<16xi32>
      %swap3A_599 = arith.constant 48 : index
      %swap3A_600 = tpu.vector_load %arg9[%swap3A_599] {strides = array<i32>} : memref<128xi32, #tpu.memory_space<vmem>>, vector<16xi32>,
      %swap3A_601 = vector.shape_cast %swap3A_600 : vector<16xi32> to vector<16xi32>
      %swap3A_602 = vector.shape_cast %get3A_598 : vector<16xi32> to vector<16xi32>
      tpu.vector_store %arg9[%swap3A_599], %swap3A_602 {strides = array<i32>} : memref<128xi32, #tpu.memory_space<vmem>>, vector<16xi32>,
      %get3A_603 = arith.constant 560 : index
      %get3A_604 = tpu.vector_load %arg8[%get3A_603] {strides = array<i32>} : memref<1024xi32, #tpu.memory_space<vmem>>, vector<16xi32>,
      %get3A_605 = vector.shape_cast %get3A_604 : vector<16xi32> to vector<16xi32>
      %swap3A_606 = arith.constant 48 : index
      %swap3A_607 = tpu.vector_load %arg11[%swap3A_606] {strides = array<i32>} : memref<128xi32, #tpu.memory_space<vmem>>, vector<16xi32>,
      %swap3A_608 = vector.shape_cast %swap3A_607 : vector<16xi32> to vector<16xi32>
      %swap3A_609 = vector.shape_cast %get3A_605 : vector<16xi32> to vector<16xi32>
      tpu.vector_store %arg11[%swap3A_606], %swap3A_609 {strides = array<i32>} : memref<128xi32, #tpu.memory_space<vmem>>, vector<16xi32>,
      %get3A_610 = arith.constant 576 : index
      %get3A_611 = tpu.vector_load %arg7[%get3A_610] {strides = array<i32>} : memref<1024xi32, #tpu.memory_space<vmem>>, vector<16xi32>,
      %get3A_612 = vector.shape_cast %get3A_611 : vector<16xi32> to vector<16xi32>
      %swap3A_613 = arith.constant 64 : index
      %swap3A_614 = tpu.vector_load %arg9[%swap3A_613] {strides = array<i32>} : memref<128xi32, #tpu.memory_space<vmem>>, vector<16xi32>,
      %swap3A_615 = vector.shape_cast %swap3A_614 : vector<16xi32> to vector<16xi32>
      %swap3A_616 = vector.shape_cast %get3A_612 : vector<16xi32> to vector<16xi32>
      tpu.vector_store %arg9[%swap3A_613], %swap3A_616 {strides = array<i32>} : memref<128xi32, #tpu.memory_space<vmem>>, vector<16xi32>,
      %get3A_617 = arith.constant 576 : index
      %get3A_618 = tpu.vector_load %arg8[%get3A_617] {strides = array<i32>} : memref<1024xi32, #tpu.memory_space<vmem>>, vector<16xi32>,
      %get3A_619 = vector.shape_cast %get3A_618 : vector<16xi32> to vector<16xi32>
      %swap3A_620 = arith.constant 64 : index
      %swap3A_621 = tpu.vector_load %arg11[%swap3A_620] {strides = array<i32>} : memref<128xi32, #tpu.memory_space<vmem>>, vector<16xi32>,
      %swap3A_622 = vector.shape_cast %swap3A_621 : vector<16xi32> to vector<16xi32>
      %swap3A_623 = vector.shape_cast %get3A_619 : vector<16xi32> to vector<16xi32>
      tpu.vector_store %arg11[%swap3A_620], %swap3A_623 {strides = array<i32>} : memref<128xi32, #tpu.memory_space<vmem>>, vector<16xi32>,
      %get3A_624 = arith.constant 592 : index
      %get3A_625 = tpu.vector_load %arg7[%get3A_624] {strides = array<i32>} : memref<1024xi32, #tpu.memory_space<vmem>>, vector<16xi32>,
      %get3A_626 = vector.shape_cast %get3A_625 : vector<16xi32> to vector<16xi32>
      %swap3A_627 = arith.constant 80 : index
      %swap3A_628 = tpu.vector_load %arg9[%swap3A_627] {strides = array<i32>} : memref<128xi32, #tpu.memory_space<vmem>>, vector<16xi32>,
      %swap3A_629 = vector.shape_cast %swap3A_628 : vector<16xi32> to vector<16xi32>
      %swap3A_630 = vector.shape_cast %get3A_626 : vector<16xi32> to vector<16xi32>
      tpu.vector_store %arg9[%swap3A_627], %swap3A_630 {strides = array<i32>} : memref<128xi32, #tpu.memory_space<vmem>>, vector<16xi32>,
      %get3A_631 = arith.constant 592 : index
      %get3A_632 = tpu.vector_load %arg8[%get3A_631] {strides = array<i32>} : memref<1024xi32, #tpu.memory_space<vmem>>, vector<16xi32>,
      %get3A_633 = vector.shape_cast %get3A_632 : vector<16xi32> to vector<16xi32>
      %swap3A_634 = arith.constant 80 : index
      %swap3A_635 = tpu.vector_load %arg11[%swap3A_634] {strides = array<i32>} : memref<128xi32, #tpu.memory_space<vmem>>, vector<16xi32>,
      %swap3A_636 = vector.shape_cast %swap3A_635 : vector<16xi32> to vector<16xi32>
      %swap3A_637 = vector.shape_cast %get3A_633 : vector<16xi32> to vector<16xi32>
      tpu.vector_store %arg11[%swap3A_634], %swap3A_637 {strides = array<i32>} : memref<128xi32, #tpu.memory_space<vmem>>, vector<16xi32>,
      %get3A_638 = arith.constant 608 : index
      %get3A_639 = tpu.vector_load %arg7[%get3A_638] {strides = array<i32>} : memref<1024xi32, #tpu.memory_space<vmem>>, vector<16xi32>,
      %get3A_640 = vector.shape_cast %get3A_639 : vector<16xi32> to vector<16xi32>
      %swap3A_641 = arith.constant 96 : index
      %swap3A_642 = tpu.vector_load %arg9[%swap3A_641] {strides = array<i32>} : memref<128xi32, #tpu.memory_space<vmem>>, vector<16xi32>,
      %swap3A_643 = vector.shape_cast %swap3A_642 : vector<16xi32> to vector<16xi32>
      %swap3A_644 = vector.shape_cast %get3A_640 : vector<16xi32> to vector<16xi32>
      tpu.vector_store %arg9[%swap3A_641], %swap3A_644 {strides = array<i32>} : memref<128xi32, #tpu.memory_space<vmem>>, vector<16xi32>,
      %get3A_645 = arith.constant 608 : index
      %get3A_646 = tpu.vector_load %arg8[%get3A_645] {strides = array<i32>} : memref<1024xi32, #tpu.memory_space<vmem>>, vector<16xi32>,
      %get3A_647 = vector.shape_cast %get3A_646 : vector<16xi32> to vector<16xi32>
      %swap3A_648 = arith.constant 96 : index
      %swap3A_649 = tpu.vector_load %arg11[%swap3A_648] {strides = array<i32>} : memref<128xi32, #tpu.memory_space<vmem>>, vector<16xi32>,
      %swap3A_650 = vector.shape_cast %swap3A_649 : vector<16xi32> to vector<16xi32>
      %swap3A_651 = vector.shape_cast %get3A_647 : vector<16xi32> to vector<16xi32>
      tpu.vector_store %arg11[%swap3A_648], %swap3A_651 {strides = array<i32>} : memref<128xi32, #tpu.memory_space<vmem>>, vector<16xi32>,
      %get3A_652 = arith.constant 624 : index
      %get3A_653 = tpu.vector_load %arg7[%get3A_652] {strides = array<i32>} : memref<1024xi32, #tpu.memory_space<vmem>>, vector<16xi32>,
      %get3A_654 = vector.shape_cast %get3A_653 : vector<16xi32> to vector<16xi32>
      %swap3A_655 = arith.constant 112 : index
      %swap3A_656 = tpu.vector_load %arg9[%swap3A_655] {strides = array<i32>} : memref<128xi32, #tpu.memory_space<vmem>>, vector<16xi32>,
      %swap3A_657 = vector.shape_cast %swap3A_656 : vector<16xi32> to vector<16xi32>
      %swap3A_658 = vector.shape_cast %get3A_654 : vector<16xi32> to vector<16xi32>
      tpu.vector_store %arg9[%swap3A_655], %swap3A_658 {strides = array<i32>} : memref<128xi32, #tpu.memory_space<vmem>>, vector<16xi32>,
      %get3A_659 = arith.constant 624 : index
      %get3A_660 = tpu.vector_load %arg8[%get3A_659] {strides = array<i32>} : memref<1024xi32, #tpu.memory_space<vmem>>, vector<16xi32>,
      %get3A_661 = vector.shape_cast %get3A_660 : vector<16xi32> to vector<16xi32>
      %swap3A_662 = arith.constant 112 : index
      %swap3A_663 = tpu.vector_load %arg11[%swap3A_662] {strides = array<i32>} : memref<128xi32, #tpu.memory_space<vmem>>, vector<16xi32>,
      %swap3A_664 = vector.shape_cast %swap3A_663 : vector<16xi32> to vector<16xi32>
      %swap3A_665 = vector.shape_cast %get3A_661 : vector<16xi32> to vector<16xi32>
      tpu.vector_store %arg11[%swap3A_662], %swap3A_665 {strides = array<i32>} : memref<128xi32, #tpu.memory_space<vmem>>, vector<16xi32>,
      %dma_start3A_666 = arith.constant 0 : i32
      %dma_start3A_667 = arith.constant 0 : i32
      %dma_start3A_668 = tpu.memref_slice %arg2[%dma_start3A_666, %dma_start3A_667] : memref<50176x16xf32, #tpu.memory_space<hbm>> -> memref<50176x16xf32, #tpu.memory_space<hbm>>
      tpu.enqueue_indirect_dma source(%dma_start3A_668 : memref<50176x16xf32, #tpu.memory_space<hbm>>) target(%arg13 : memref<128x16xf32, #tpu.memory_space<vmem>>) offsets(%arg9 : memref<128xi32, #tpu.memory_space<vmem>>) semaphore(%arg17 : memref<!tpu.dma_semaphore, #tpu.memory_space<semaphore_mem>>)
      %dma_start3A_669 = arith.constant 0 : i32
      %dma_start3A_670 = arith.constant 0 : i32
      %dma_start3A_671 = tpu.memref_slice %arg2[%dma_start3A_669, %dma_start3A_670] : memref<50176x16xf32, #tpu.memory_space<hbm>> -> memref<50176x16xf32, #tpu.memory_space<hbm>>
      tpu.enqueue_indirect_dma source(%dma_start3A_671 : memref<50176x16xf32, #tpu.memory_space<hbm>>) target(%arg15 : memref<128x16xf32, #tpu.memory_space<vmem>>) offsets(%arg11 : memref<128xi32, #tpu.memory_space<vmem>>) semaphore(%arg19 : memref<!tpu.dma_semaphore, #tpu.memory_space<semaphore_mem>>)
      %dma_wait3A_672 = arith.constant 0 : i32
      %dma_wait3A_673 = arith.constant 0 : i32
      %dma_wait3A_674 = tpu.memref_slice %arg2[%dma_wait3A_672, %dma_wait3A_673] : memref<50176x16xf32, #tpu.memory_space<hbm>> -> memref<50176x16xf32, #tpu.memory_space<hbm>>
      tpu.wait_indirect_dma semaphore(%arg18 : memref<!tpu.dma_semaphore, #tpu.memory_space<semaphore_mem>>) src(%dma_wait3A_674 : memref<50176x16xf32, #tpu.memory_space<hbm>>) dst(%arg14 : memref<128x16xf32, #tpu.memory_space<vmem>>)
      %dma_wait3A_675 = arith.constant 0 : i32
      %dma_wait3A_676 = arith.constant 0 : i32
      %dma_wait3A_677 = tpu.memref_slice %arg2[%dma_wait3A_675, %dma_wait3A_676] : memref<50176x16xf32, #tpu.memory_space<hbm>> -> memref<50176x16xf32, #tpu.memory_space<hbm>>
      tpu.wait_indirect_dma semaphore(%arg20 : memref<!tpu.dma_semaphore, #tpu.memory_space<semaphore_mem>>) src(%dma_wait3A_677 : memref<50176x16xf32, #tpu.memory_space<hbm>>) dst(%arg16 : memref<128x16xf32, #tpu.memory_space<vmem>>)
      %add3A_678 = arith.constant 384 : i32
      %add3A_679 = arith.addi %add3A_13, %add3A_678 : i32
      %dma_start3A_680 = arith.constant 0 : i32
      %dma_start3A_681 = tpu.memref_slice %arg5[%add3A_679, %dma_start3A_680] : memref<819200x16xf32, #tpu.memory_space<hbm>> -> memref<128x16xf32, #tpu.memory_space<hbm>>
      %dma_start3A_682 = arith.constant 0 : i32
      %dma_start3A_683 = tpu.memref_slice %arg5[%add3A_679, %dma_start3A_682] : memref<819200x16xf32, #tpu.memory_space<hbm>> -> memref<128x16xf32, #tpu.memory_space<hbm>>
      tpu.enqueue_dma source(%arg14 : memref<128x16xf32, #tpu.memory_space<vmem>>) target(%dma_start3A_683 : memref<128x16xf32, #tpu.memory_space<hbm>>) target_semaphore(%arg22 : memref<!tpu.dma_semaphore, #tpu.memory_space<semaphore_mem>>)
      %dma_start3A_684 = arith.constant 0 : i32
      %dma_start3A_685 = tpu.memref_slice %arg6[%add3A_679, %dma_start3A_684] : memref<819200x16xf32, #tpu.memory_space<hbm>> -> memref<128x16xf32, #tpu.memory_space<hbm>>
      %dma_start3A_686 = arith.constant 0 : i32
      %dma_start3A_687 = tpu.memref_slice %arg6[%add3A_679, %dma_start3A_686] : memref<819200x16xf32, #tpu.memory_space<hbm>> -> memref<128x16xf32, #tpu.memory_space<hbm>>
      tpu.enqueue_dma source(%arg16 : memref<128x16xf32, #tpu.memory_space<vmem>>) target(%dma_start3A_687 : memref<128x16xf32, #tpu.memory_space<hbm>>) target_semaphore(%arg24 : memref<!tpu.dma_semaphore, #tpu.memory_space<semaphore_mem>>)
      %dma_wait3A_688 = arith.constant 0 : i32
      %dma_wait3A_689 = tpu.memref_slice %arg5[%add3A_679, %dma_wait3A_688] : memref<819200x16xf32, #tpu.memory_space<hbm>> -> memref<128x16xf32, #tpu.memory_space<hbm>>
      %dma_wait3A_690 = arith.constant 0 : i32
      %dma_wait3A_691 = tpu.memref_slice %arg5[%add3A_679, %dma_wait3A_690] : memref<819200x16xf32, #tpu.memory_space<hbm>> -> memref<128x16xf32, #tpu.memory_space<hbm>>
      tpu.wait_dma2 semaphore(%arg22 : memref<!tpu.dma_semaphore, #tpu.memory_space<semaphore_mem>>) src(%arg14 : memref<128x16xf32, #tpu.memory_space<vmem>>) dst(%dma_wait3A_691 : memref<128x16xf32, #tpu.memory_space<hbm>>)
      %dma_wait3A_692 = arith.constant 0 : i32
      %dma_wait3A_693 = tpu.memref_slice %arg6[%add3A_679, %dma_wait3A_692] : memref<819200x16xf32, #tpu.memory_space<hbm>> -> memref<128x16xf32, #tpu.memory_space<hbm>>
      %dma_wait3A_694 = arith.constant 0 : i32
      %dma_wait3A_695 = tpu.memref_slice %arg6[%add3A_679, %dma_wait3A_694] : memref<819200x16xf32, #tpu.memory_space<hbm>> -> memref<128x16xf32, #tpu.memory_space<hbm>>
      tpu.wait_dma2 semaphore(%arg24 : memref<!tpu.dma_semaphore, #tpu.memory_space<semaphore_mem>>) src(%arg16 : memref<128x16xf32, #tpu.memory_space<vmem>>) dst(%dma_wait3A_695 : memref<128x16xf32, #tpu.memory_space<hbm>>)
      %get3A_696 = arith.constant 640 : index
      %get3A_697 = tpu.vector_load %arg7[%get3A_696] {strides = array<i32>} : memref<1024xi32, #tpu.memory_space<vmem>>, vector<16xi32>,
      %get3A_698 = vector.shape_cast %get3A_697 : vector<16xi32> to vector<16xi32>
      %swap3A_699 = arith.constant 0 : index
      %swap3A_700 = tpu.vector_load %arg10[%swap3A_699] {strides = array<i32>} : memref<128xi32, #tpu.memory_space<vmem>>, vector<16xi32>,
      %swap3A_701 = vector.shape_cast %swap3A_700 : vector<16xi32> to vector<16xi32>
      %swap3A_702 = vector.shape_cast %get3A_698 : vector<16xi32> to vector<16xi32>
      tpu.vector_store %arg10[%swap3A_699], %swap3A_702 {strides = array<i32>} : memref<128xi32, #tpu.memory_space<vmem>>, vector<16xi32>,
      %get3A_703 = arith.constant 640 : index
      %get3A_704 = tpu.vector_load %arg8[%get3A_703] {strides = array<i32>} : memref<1024xi32, #tpu.memory_space<vmem>>, vector<16xi32>,
      %get3A_705 = vector.shape_cast %get3A_704 : vector<16xi32> to vector<16xi32>
      %swap3A_706 = arith.constant 0 : index
      %swap3A_707 = tpu.vector_load %arg12[%swap3A_706] {strides = array<i32>} : memref<128xi32, #tpu.memory_space<vmem>>, vector<16xi32>,
      %swap3A_708 = vector.shape_cast %swap3A_707 : vector<16xi32> to vector<16xi32>
      %swap3A_709 = vector.shape_cast %get3A_705 : vector<16xi32> to vector<16xi32>
      tpu.vector_store %arg12[%swap3A_706], %swap3A_709 {strides = array<i32>} : memref<128xi32, #tpu.memory_space<vmem>>, vector<16xi32>,
      %get3A_710 = arith.constant 656 : index
      %get3A_711 = tpu.vector_load %arg7[%get3A_710] {strides = array<i32>} : memref<1024xi32, #tpu.memory_space<vmem>>, vector<16xi32>,
      %get3A_712 = vector.shape_cast %get3A_711 : vector<16xi32> to vector<16xi32>
      %swap3A_713 = arith.constant 16 : index
      %swap3A_714 = tpu.vector_load %arg10[%swap3A_713] {strides = array<i32>} : memref<128xi32, #tpu.memory_space<vmem>>, vector<16xi32>,
      %swap3A_715 = vector.shape_cast %swap3A_714 : vector<16xi32> to vector<16xi32>
      %swap3A_716 = vector.shape_cast %get3A_712 : vector<16xi32> to vector<16xi32>
      tpu.vector_store %arg10[%swap3A_713], %swap3A_716 {strides = array<i32>} : memref<128xi32, #tpu.memory_space<vmem>>, vector<16xi32>,
      %get3A_717 = arith.constant 656 : index
      %get3A_718 = tpu.vector_load %arg8[%get3A_717] {strides = array<i32>} : memref<1024xi32, #tpu.memory_space<vmem>>, vector<16xi32>,
      %get3A_719 = vector.shape_cast %get3A_718 : vector<16xi32> to vector<16xi32>
      %swap3A_720 = arith.constant 16 : index
      %swap3A_721 = tpu.vector_load %arg12[%swap3A_720] {strides = array<i32>} : memref<128xi32, #tpu.memory_space<vmem>>, vector<16xi32>,
      %swap3A_722 = vector.shape_cast %swap3A_721 : vector<16xi32> to vector<16xi32>
      %swap3A_723 = vector.shape_cast %get3A_719 : vector<16xi32> to vector<16xi32>
      tpu.vector_store %arg12[%swap3A_720], %swap3A_723 {strides = array<i32>} : memref<128xi32, #tpu.memory_space<vmem>>, vector<16xi32>,
      %get3A_724 = arith.constant 672 : index
      %get3A_725 = tpu.vector_load %arg7[%get3A_724] {strides = array<i32>} : memref<1024xi32, #tpu.memory_space<vmem>>, vector<16xi32>,
      %get3A_726 = vector.shape_cast %get3A_725 : vector<16xi32> to vector<16xi32>
      %swap3A_727 = arith.constant 32 : index
      %swap3A_728 = tpu.vector_load %arg10[%swap3A_727] {strides = array<i32>} : memref<128xi32, #tpu.memory_space<vmem>>, vector<16xi32>,
      %swap3A_729 = vector.shape_cast %swap3A_728 : vector<16xi32> to vector<16xi32>
      %swap3A_730 = vector.shape_cast %get3A_726 : vector<16xi32> to vector<16xi32>
      tpu.vector_store %arg10[%swap3A_727], %swap3A_730 {strides = array<i32>} : memref<128xi32, #tpu.memory_space<vmem>>, vector<16xi32>,
      %get3A_731 = arith.constant 672 : index
      %get3A_732 = tpu.vector_load %arg8[%get3A_731] {strides = array<i32>} : memref<1024xi32, #tpu.memory_space<vmem>>, vector<16xi32>,
      %get3A_733 = vector.shape_cast %get3A_732 : vector<16xi32> to vector<16xi32>
      %swap3A_734 = arith.constant 32 : index
      %swap3A_735 = tpu.vector_load %arg12[%swap3A_734] {strides = array<i32>} : memref<128xi32, #tpu.memory_space<vmem>>, vector<16xi32>,
      %swap3A_736 = vector.shape_cast %swap3A_735 : vector<16xi32> to vector<16xi32>
      %swap3A_737 = vector.shape_cast %get3A_733 : vector<16xi32> to vector<16xi32>
      tpu.vector_store %arg12[%swap3A_734], %swap3A_737 {strides = array<i32>} : memref<128xi32, #tpu.memory_space<vmem>>, vector<16xi32>,
      %get3A_738 = arith.constant 688 : index
      %get3A_739 = tpu.vector_load %arg7[%get3A_738] {strides = array<i32>} : memref<1024xi32, #tpu.memory_space<vmem>>, vector<16xi32>,
      %get3A_740 = vector.shape_cast %get3A_739 : vector<16xi32> to vector<16xi32>
      %swap3A_741 = arith.constant 48 : index
      %swap3A_742 = tpu.vector_load %arg10[%swap3A_741] {strides = array<i32>} : memref<128xi32, #tpu.memory_space<vmem>>, vector<16xi32>,
      %swap3A_743 = vector.shape_cast %swap3A_742 : vector<16xi32> to vector<16xi32>
      %swap3A_744 = vector.shape_cast %get3A_740 : vector<16xi32> to vector<16xi32>
      tpu.vector_store %arg10[%swap3A_741], %swap3A_744 {strides = array<i32>} : memref<128xi32, #tpu.memory_space<vmem>>, vector<16xi32>,
      %get3A_745 = arith.constant 688 : index
      %get3A_746 = tpu.vector_load %arg8[%get3A_745] {strides = array<i32>} : memref<1024xi32, #tpu.memory_space<vmem>>, vector<16xi32>,
      %get3A_747 = vector.shape_cast %get3A_746 : vector<16xi32> to vector<16xi32>
      %swap3A_748 = arith.constant 48 : index
      %swap3A_749 = tpu.vector_load %arg12[%swap3A_748] {strides = array<i32>} : memref<128xi32, #tpu.memory_space<vmem>>, vector<16xi32>,
      %swap3A_750 = vector.shape_cast %swap3A_749 : vector<16xi32> to vector<16xi32>
      %swap3A_751 = vector.shape_cast %get3A_747 : vector<16xi32> to vector<16xi32>
      tpu.vector_store %arg12[%swap3A_748], %swap3A_751 {strides = array<i32>} : memref<128xi32, #tpu.memory_space<vmem>>, vector<16xi32>,
      %get3A_752 = arith.constant 704 : index
      %get3A_753 = tpu.vector_load %arg7[%get3A_752] {strides = array<i32>} : memref<1024xi32, #tpu.memory_space<vmem>>, vector<16xi32>,
      %get3A_754 = vector.shape_cast %get3A_753 : vector<16xi32> to vector<16xi32>
      %swap3A_755 = arith.constant 64 : index
      %swap3A_756 = tpu.vector_load %arg10[%swap3A_755] {strides = array<i32>} : memref<128xi32, #tpu.memory_space<vmem>>, vector<16xi32>,
      %swap3A_757 = vector.shape_cast %swap3A_756 : vector<16xi32> to vector<16xi32>
      %swap3A_758 = vector.shape_cast %get3A_754 : vector<16xi32> to vector<16xi32>
      tpu.vector_store %arg10[%swap3A_755], %swap3A_758 {strides = array<i32>} : memref<128xi32, #tpu.memory_space<vmem>>, vector<16xi32>,
      %get3A_759 = arith.constant 704 : index
      %get3A_760 = tpu.vector_load %arg8[%get3A_759] {strides = array<i32>} : memref<1024xi32, #tpu.memory_space<vmem>>, vector<16xi32>,
      %get3A_761 = vector.shape_cast %get3A_760 : vector<16xi32> to vector<16xi32>
      %swap3A_762 = arith.constant 64 : index
      %swap3A_763 = tpu.vector_load %arg12[%swap3A_762] {strides = array<i32>} : memref<128xi32, #tpu.memory_space<vmem>>, vector<16xi32>,
      %swap3A_764 = vector.shape_cast %swap3A_763 : vector<16xi32> to vector<16xi32>
      %swap3A_765 = vector.shape_cast %get3A_761 : vector<16xi32> to vector<16xi32>
      tpu.vector_store %arg12[%swap3A_762], %swap3A_765 {strides = array<i32>} : memref<128xi32, #tpu.memory_space<vmem>>, vector<16xi32>,
      %get3A_766 = arith.constant 720 : index
      %get3A_767 = tpu.vector_load %arg7[%get3A_766] {strides = array<i32>} : memref<1024xi32, #tpu.memory_space<vmem>>, vector<16xi32>,
      %get3A_768 = vector.shape_cast %get3A_767 : vector<16xi32> to vector<16xi32>
      %swap3A_769 = arith.constant 80 : index
      %swap3A_770 = tpu.vector_load %arg10[%swap3A_769] {strides = array<i32>} : memref<128xi32, #tpu.memory_space<vmem>>, vector<16xi32>,
      %swap3A_771 = vector.shape_cast %swap3A_770 : vector<16xi32> to vector<16xi32>
      %swap3A_772 = vector.shape_cast %get3A_768 : vector<16xi32> to vector<16xi32>
      tpu.vector_store %arg10[%swap3A_769], %swap3A_772 {strides = array<i32>} : memref<128xi32, #tpu.memory_space<vmem>>, vector<16xi32>,
      %get3A_773 = arith.constant 720 : index
      %get3A_774 = tpu.vector_load %arg8[%get3A_773] {strides = array<i32>} : memref<1024xi32, #tpu.memory_space<vmem>>, vector<16xi32>,
      %get3A_775 = vector.shape_cast %get3A_774 : vector<16xi32> to vector<16xi32>
      %swap3A_776 = arith.constant 80 : index
      %swap3A_777 = tpu.vector_load %arg12[%swap3A_776] {strides = array<i32>} : memref<128xi32, #tpu.memory_space<vmem>>, vector<16xi32>,
      %swap3A_778 = vector.shape_cast %swap3A_777 : vector<16xi32> to vector<16xi32>
      %swap3A_779 = vector.shape_cast %get3A_775 : vector<16xi32> to vector<16xi32>
      tpu.vector_store %arg12[%swap3A_776], %swap3A_779 {strides = array<i32>} : memref<128xi32, #tpu.memory_space<vmem>>, vector<16xi32>,
      %get3A_780 = arith.constant 736 : index
      %get3A_781 = tpu.vector_load %arg7[%get3A_780] {strides = array<i32>} : memref<1024xi32, #tpu.memory_space<vmem>>, vector<16xi32>,
      %get3A_782 = vector.shape_cast %get3A_781 : vector<16xi32> to vector<16xi32>
      %swap3A_783 = arith.constant 96 : index
      %swap3A_784 = tpu.vector_load %arg10[%swap3A_783] {strides = array<i32>} : memref<128xi32, #tpu.memory_space<vmem>>, vector<16xi32>,
      %swap3A_785 = vector.shape_cast %swap3A_784 : vector<16xi32> to vector<16xi32>
      %swap3A_786 = vector.shape_cast %get3A_782 : vector<16xi32> to vector<16xi32>
      tpu.vector_store %arg10[%swap3A_783], %swap3A_786 {strides = array<i32>} : memref<128xi32, #tpu.memory_space<vmem>>, vector<16xi32>,
      %get3A_787 = arith.constant 736 : index
      %get3A_788 = tpu.vector_load %arg8[%get3A_787] {strides = array<i32>} : memref<1024xi32, #tpu.memory_space<vmem>>, vector<16xi32>,
      %get3A_789 = vector.shape_cast %get3A_788 : vector<16xi32> to vector<16xi32>
      %swap3A_790 = arith.constant 96 : index
      %swap3A_791 = tpu.vector_load %arg12[%swap3A_790] {strides = array<i32>} : memref<128xi32, #tpu.memory_space<vmem>>, vector<16xi32>,
      %swap3A_792 = vector.shape_cast %swap3A_791 : vector<16xi32> to vector<16xi32>
      %swap3A_793 = vector.shape_cast %get3A_789 : vector<16xi32> to vector<16xi32>
      tpu.vector_store %arg12[%swap3A_790], %swap3A_793 {strides = array<i32>} : memref<128xi32, #tpu.memory_space<vmem>>, vector<16xi32>,
      %get3A_794 = arith.constant 752 : index
      %get3A_795 = tpu.vector_load %arg7[%get3A_794] {strides = array<i32>} : memref<1024xi32, #tpu.memory_space<vmem>>, vector<16xi32>,
      %get3A_796 = vector.shape_cast %get3A_795 : vector<16xi32> to vector<16xi32>
      %swap3A_797 = arith.constant 112 : index
      %swap3A_798 = tpu.vector_load %arg10[%swap3A_797] {strides = array<i32>} : memref<128xi32, #tpu.memory_space<vmem>>, vector<16xi32>,
      %swap3A_799 = vector.shape_cast %swap3A_798 : vector<16xi32> to vector<16xi32>
      %swap3A_800 = vector.shape_cast %get3A_796 : vector<16xi32> to vector<16xi32>
      tpu.vector_store %arg10[%swap3A_797], %swap3A_800 {strides = array<i32>} : memref<128xi32, #tpu.memory_space<vmem>>, vector<16xi32>,
      %get3A_801 = arith.constant 752 : index
      %get3A_802 = tpu.vector_load %arg8[%get3A_801] {strides = array<i32>} : memref<1024xi32, #tpu.memory_space<vmem>>, vector<16xi32>,
      %get3A_803 = vector.shape_cast %get3A_802 : vector<16xi32> to vector<16xi32>
      %swap3A_804 = arith.constant 112 : index
      %swap3A_805 = tpu.vector_load %arg12[%swap3A_804] {strides = array<i32>} : memref<128xi32, #tpu.memory_space<vmem>>, vector<16xi32>,
      %swap3A_806 = vector.shape_cast %swap3A_805 : vector<16xi32> to vector<16xi32>
      %swap3A_807 = vector.shape_cast %get3A_803 : vector<16xi32> to vector<16xi32>
      tpu.vector_store %arg12[%swap3A_804], %swap3A_807 {strides = array<i32>} : memref<128xi32, #tpu.memory_space<vmem>>, vector<16xi32>,
      %dma_start3A_808 = arith.constant 0 : i32
      %dma_start3A_809 = arith.constant 0 : i32
      %dma_start3A_810 = tpu.memref_slice %arg2[%dma_start3A_808, %dma_start3A_809] : memref<50176x16xf32, #tpu.memory_space<hbm>> -> memref<50176x16xf32, #tpu.memory_space<hbm>>
      tpu.enqueue_indirect_dma source(%dma_start3A_810 : memref<50176x16xf32, #tpu.memory_space<hbm>>) target(%arg14 : memref<128x16xf32, #tpu.memory_space<vmem>>) offsets(%arg10 : memref<128xi32, #tpu.memory_space<vmem>>) semaphore(%arg18 : memref<!tpu.dma_semaphore, #tpu.memory_space<semaphore_mem>>)
      %dma_start3A_811 = arith.constant 0 : i32
      %dma_start3A_812 = arith.constant 0 : i32
      %dma_start3A_813 = tpu.memref_slice %arg2[%dma_start3A_811, %dma_start3A_812] : memref<50176x16xf32, #tpu.memory_space<hbm>> -> memref<50176x16xf32, #tpu.memory_space<hbm>>
      tpu.enqueue_indirect_dma source(%dma_start3A_813 : memref<50176x16xf32, #tpu.memory_space<hbm>>) target(%arg16 : memref<128x16xf32, #tpu.memory_space<vmem>>) offsets(%arg12 : memref<128xi32, #tpu.memory_space<vmem>>) semaphore(%arg20 : memref<!tpu.dma_semaphore, #tpu.memory_space<semaphore_mem>>)
      %dma_wait3A_814 = arith.constant 0 : i32
      %dma_wait3A_815 = arith.constant 0 : i32
      %dma_wait3A_816 = tpu.memref_slice %arg2[%dma_wait3A_814, %dma_wait3A_815] : memref<50176x16xf32, #tpu.memory_space<hbm>> -> memref<50176x16xf32, #tpu.memory_space<hbm>>
      tpu.wait_indirect_dma semaphore(%arg17 : memref<!tpu.dma_semaphore, #tpu.memory_space<semaphore_mem>>) src(%dma_wait3A_816 : memref<50176x16xf32, #tpu.memory_space<hbm>>) dst(%arg13 : memref<128x16xf32, #tpu.memory_space<vmem>>)
      %dma_wait3A_817 = arith.constant 0 : i32
      %dma_wait3A_818 = arith.constant 0 : i32
      %dma_wait3A_819 = tpu.memref_slice %arg2[%dma_wait3A_817, %dma_wait3A_818] : memref<50176x16xf32, #tpu.memory_space<hbm>> -> memref<50176x16xf32, #tpu.memory_space<hbm>>
      tpu.wait_indirect_dma semaphore(%arg19 : memref<!tpu.dma_semaphore, #tpu.memory_space<semaphore_mem>>) src(%dma_wait3A_819 : memref<50176x16xf32, #tpu.memory_space<hbm>>) dst(%arg15 : memref<128x16xf32, #tpu.memory_space<vmem>>)
      %add3A_820 = arith.constant 512 : i32
      %add3A_821 = arith.addi %add3A_13, %add3A_820 : i32
      %dma_start3A_822 = arith.constant 0 : i32
      %dma_start3A_823 = tpu.memref_slice %arg5[%add3A_821, %dma_start3A_822] : memref<819200x16xf32, #tpu.memory_space<hbm>> -> memref<128x16xf32, #tpu.memory_space<hbm>>
      %dma_start3A_824 = arith.constant 0 : i32
      %dma_start3A_825 = tpu.memref_slice %arg5[%add3A_821, %dma_start3A_824] : memref<819200x16xf32, #tpu.memory_space<hbm>> -> memref<128x16xf32, #tpu.memory_space<hbm>>
      tpu.enqueue_dma source(%arg13 : memref<128x16xf32, #tpu.memory_space<vmem>>) target(%dma_start3A_825 : memref<128x16xf32, #tpu.memory_space<hbm>>) target_semaphore(%arg21 : memref<!tpu.dma_semaphore, #tpu.memory_space<semaphore_mem>>)
      %dma_start3A_826 = arith.constant 0 : i32
      %dma_start3A_827 = tpu.memref_slice %arg6[%add3A_821, %dma_start3A_826] : memref<819200x16xf32, #tpu.memory_space<hbm>> -> memref<128x16xf32, #tpu.memory_space<hbm>>
      %dma_start3A_828 = arith.constant 0 : i32
      %dma_start3A_829 = tpu.memref_slice %arg6[%add3A_821, %dma_start3A_828] : memref<819200x16xf32, #tpu.memory_space<hbm>> -> memref<128x16xf32, #tpu.memory_space<hbm>>
      tpu.enqueue_dma source(%arg15 : memref<128x16xf32, #tpu.memory_space<vmem>>) target(%dma_start3A_829 : memref<128x16xf32, #tpu.memory_space<hbm>>) target_semaphore(%arg23 : memref<!tpu.dma_semaphore, #tpu.memory_space<semaphore_mem>>)
      %dma_wait3A_830 = arith.constant 0 : i32
      %dma_wait3A_831 = tpu.memref_slice %arg5[%add3A_821, %dma_wait3A_830] : memref<819200x16xf32, #tpu.memory_space<hbm>> -> memref<128x16xf32, #tpu.memory_space<hbm>>
      %dma_wait3A_832 = arith.constant 0 : i32
      %dma_wait3A_833 = tpu.memref_slice %arg5[%add3A_821, %dma_wait3A_832] : memref<819200x16xf32, #tpu.memory_space<hbm>> -> memref<128x16xf32, #tpu.memory_space<hbm>>
      tpu.wait_dma2 semaphore(%arg21 : memref<!tpu.dma_semaphore, #tpu.memory_space<semaphore_mem>>) src(%arg13 : memref<128x16xf32, #tpu.memory_space<vmem>>) dst(%dma_wait3A_833 : memref<128x16xf32, #tpu.memory_space<hbm>>)
      %dma_wait3A_834 = arith.constant 0 : i32
      %dma_wait3A_835 = tpu.memref_slice %arg6[%add3A_821, %dma_wait3A_834] : memref<819200x16xf32, #tpu.memory_space<hbm>> -> memref<128x16xf32, #tpu.memory_space<hbm>>
      %dma_wait3A_836 = arith.constant 0 : i32
      %dma_wait3A_837 = tpu.memref_slice %arg6[%add3A_821, %dma_wait3A_836] : memref<819200x16xf32, #tpu.memory_space<hbm>> -> memref<128x16xf32, #tpu.memory_space<hbm>>
      tpu.wait_dma2 semaphore(%arg23 : memref<!tpu.dma_semaphore, #tpu.memory_space<semaphore_mem>>) src(%arg15 : memref<128x16xf32, #tpu.memory_space<vmem>>) dst(%dma_wait3A_837 : memref<128x16xf32, #tpu.memory_space<hbm>>)
      %get3A_838 = arith.constant 768 : index
      %get3A_839 = tpu.vector_load %arg7[%get3A_838] {strides = array<i32>} : memref<1024xi32, #tpu.memory_space<vmem>>, vector<16xi32>,
      %get3A_840 = vector.shape_cast %get3A_839 : vector<16xi32> to vector<16xi32>
      %swap3A_841 = arith.constant 0 : index
      %swap3A_842 = tpu.vector_load %arg9[%swap3A_841] {strides = array<i32>} : memref<128xi32, #tpu.memory_space<vmem>>, vector<16xi32>,
      %swap3A_843 = vector.shape_cast %swap3A_842 : vector<16xi32> to vector<16xi32>
      %swap3A_844 = vector.shape_cast %get3A_840 : vector<16xi32> to vector<16xi32>
      tpu.vector_store %arg9[%swap3A_841], %swap3A_844 {strides = array<i32>} : memref<128xi32, #tpu.memory_space<vmem>>, vector<16xi32>,
      %get3A_845 = arith.constant 768 : index
      %get3A_846 = tpu.vector_load %arg8[%get3A_845] {strides = array<i32>} : memref<1024xi32, #tpu.memory_space<vmem>>, vector<16xi32>,
      %get3A_847 = vector.shape_cast %get3A_846 : vector<16xi32> to vector<16xi32>
      %swap3A_848 = arith.constant 0 : index
      %swap3A_849 = tpu.vector_load %arg11[%swap3A_848] {strides = array<i32>} : memref<128xi32, #tpu.memory_space<vmem>>, vector<16xi32>,
      %swap3A_850 = vector.shape_cast %swap3A_849 : vector<16xi32> to vector<16xi32>
      %swap3A_851 = vector.shape_cast %get3A_847 : vector<16xi32> to vector<16xi32>
      tpu.vector_store %arg11[%swap3A_848], %swap3A_851 {strides = array<i32>} : memref<128xi32, #tpu.memory_space<vmem>>, vector<16xi32>,
      %get3A_852 = arith.constant 784 : index
      %get3A_853 = tpu.vector_load %arg7[%get3A_852] {strides = array<i32>} : memref<1024xi32, #tpu.memory_space<vmem>>, vector<16xi32>,
      %get3A_854 = vector.shape_cast %get3A_853 : vector<16xi32> to vector<16xi32>
      %swap3A_855 = arith.constant 16 : index
      %swap3A_856 = tpu.vector_load %arg9[%swap3A_855] {strides = array<i32>} : memref<128xi32, #tpu.memory_space<vmem>>, vector<16xi32>,
      %swap3A_857 = vector.shape_cast %swap3A_856 : vector<16xi32> to vector<16xi32>
      %swap3A_858 = vector.shape_cast %get3A_854 : vector<16xi32> to vector<16xi32>
      tpu.vector_store %arg9[%swap3A_855], %swap3A_858 {strides = array<i32>} : memref<128xi32, #tpu.memory_space<vmem>>, vector<16xi32>,
      %get3A_859 = arith.constant 784 : index
      %get3A_860 = tpu.vector_load %arg8[%get3A_859] {strides = array<i32>} : memref<1024xi32, #tpu.memory_space<vmem>>, vector<16xi32>,
      %get3A_861 = vector.shape_cast %get3A_860 : vector<16xi32> to vector<16xi32>
      %swap3A_862 = arith.constant 16 : index
      %swap3A_863 = tpu.vector_load %arg11[%swap3A_862] {strides = array<i32>} : memref<128xi32, #tpu.memory_space<vmem>>, vector<16xi32>,
      %swap3A_864 = vector.shape_cast %swap3A_863 : vector<16xi32> to vector<16xi32>
      %swap3A_865 = vector.shape_cast %get3A_861 : vector<16xi32> to vector<16xi32>
      tpu.vector_store %arg11[%swap3A_862], %swap3A_865 {strides = array<i32>} : memref<128xi32, #tpu.memory_space<vmem>>, vector<16xi32>,
      %get3A_866 = arith.constant 800 : index
      %get3A_867 = tpu.vector_load %arg7[%get3A_866] {strides = array<i32>} : memref<1024xi32, #tpu.memory_space<vmem>>, vector<16xi32>,
      %get3A_868 = vector.shape_cast %get3A_867 : vector<16xi32> to vector<16xi32>
      %swap3A_869 = arith.constant 32 : index
      %swap3A_870 = tpu.vector_load %arg9[%swap3A_869] {strides = array<i32>} : memref<128xi32, #tpu.memory_space<vmem>>, vector<16xi32>,
      %swap3A_871 = vector.shape_cast %swap3A_870 : vector<16xi32> to vector<16xi32>
      %swap3A_872 = vector.shape_cast %get3A_868 : vector<16xi32> to vector<16xi32>
      tpu.vector_store %arg9[%swap3A_869], %swap3A_872 {strides = array<i32>} : memref<128xi32, #tpu.memory_space<vmem>>, vector<16xi32>,
      %get3A_873 = arith.constant 800 : index
      %get3A_874 = tpu.vector_load %arg8[%get3A_873] {strides = array<i32>} : memref<1024xi32, #tpu.memory_space<vmem>>, vector<16xi32>,
      %get3A_875 = vector.shape_cast %get3A_874 : vector<16xi32> to vector<16xi32>
      %swap3A_876 = arith.constant 32 : index
      %swap3A_877 = tpu.vector_load %arg11[%swap3A_876] {strides = array<i32>} : memref<128xi32, #tpu.memory_space<vmem>>, vector<16xi32>,
      %swap3A_878 = vector.shape_cast %swap3A_877 : vector<16xi32> to vector<16xi32>
      %swap3A_879 = vector.shape_cast %get3A_875 : vector<16xi32> to vector<16xi32>
      tpu.vector_store %arg11[%swap3A_876], %swap3A_879 {strides = array<i32>} : memref<128xi32, #tpu.memory_space<vmem>>, vector<16xi32>,
      %get3A_880 = arith.constant 816 : index
      %get3A_881 = tpu.vector_load %arg7[%get3A_880] {strides = array<i32>} : memref<1024xi32, #tpu.memory_space<vmem>>, vector<16xi32>,
      %get3A_882 = vector.shape_cast %get3A_881 : vector<16xi32> to vector<16xi32>
      %swap3A_883 = arith.constant 48 : index
      %swap3A_884 = tpu.vector_load %arg9[%swap3A_883] {strides = array<i32>} : memref<128xi32, #tpu.memory_space<vmem>>, vector<16xi32>,
      %swap3A_885 = vector.shape_cast %swap3A_884 : vector<16xi32> to vector<16xi32>
      %swap3A_886 = vector.shape_cast %get3A_882 : vector<16xi32> to vector<16xi32>
      tpu.vector_store %arg9[%swap3A_883], %swap3A_886 {strides = array<i32>} : memref<128xi32, #tpu.memory_space<vmem>>, vector<16xi32>,
      %get3A_887 = arith.constant 816 : index
      %get3A_888 = tpu.vector_load %arg8[%get3A_887] {strides = array<i32>} : memref<1024xi32, #tpu.memory_space<vmem>>, vector<16xi32>,
      %get3A_889 = vector.shape_cast %get3A_888 : vector<16xi32> to vector<16xi32>
      %swap3A_890 = arith.constant 48 : index
      %swap3A_891 = tpu.vector_load %arg11[%swap3A_890] {strides = array<i32>} : memref<128xi32, #tpu.memory_space<vmem>>, vector<16xi32>,
      %swap3A_892 = vector.shape_cast %swap3A_891 : vector<16xi32> to vector<16xi32>
      %swap3A_893 = vector.shape_cast %get3A_889 : vector<16xi32> to vector<16xi32>
      tpu.vector_store %arg11[%swap3A_890], %swap3A_893 {strides = array<i32>} : memref<128xi32, #tpu.memory_space<vmem>>, vector<16xi32>,
      %get3A_894 = arith.constant 832 : index
      %get3A_895 = tpu.vector_load %arg7[%get3A_894] {strides = array<i32>} : memref<1024xi32, #tpu.memory_space<vmem>>, vector<16xi32>,
      %get3A_896 = vector.shape_cast %get3A_895 : vector<16xi32> to vector<16xi32>
      %swap3A_897 = arith.constant 64 : index
      %swap3A_898 = tpu.vector_load %arg9[%swap3A_897] {strides = array<i32>} : memref<128xi32, #tpu.memory_space<vmem>>, vector<16xi32>,
      %swap3A_899 = vector.shape_cast %swap3A_898 : vector<16xi32> to vector<16xi32>
      %swap3A_900 = vector.shape_cast %get3A_896 : vector<16xi32> to vector<16xi32>
      tpu.vector_store %arg9[%swap3A_897], %swap3A_900 {strides = array<i32>} : memref<128xi32, #tpu.memory_space<vmem>>, vector<16xi32>,
      %get3A_901 = arith.constant 832 : index
      %get3A_902 = tpu.vector_load %arg8[%get3A_901] {strides = array<i32>} : memref<1024xi32, #tpu.memory_space<vmem>>, vector<16xi32>,
      %get3A_903 = vector.shape_cast %get3A_902 : vector<16xi32> to vector<16xi32>
      %swap3A_904 = arith.constant 64 : index
      %swap3A_905 = tpu.vector_load %arg11[%swap3A_904] {strides = array<i32>} : memref<128xi32, #tpu.memory_space<vmem>>, vector<16xi32>,
      %swap3A_906 = vector.shape_cast %swap3A_905 : vector<16xi32> to vector<16xi32>
      %swap3A_907 = vector.shape_cast %get3A_903 : vector<16xi32> to vector<16xi32>
      tpu.vector_store %arg11[%swap3A_904], %swap3A_907 {strides = array<i32>} : memref<128xi32, #tpu.memory_space<vmem>>, vector<16xi32>,
      %get3A_908 = arith.constant 848 : index
      %get3A_909 = tpu.vector_load %arg7[%get3A_908] {strides = array<i32>} : memref<1024xi32, #tpu.memory_space<vmem>>, vector<16xi32>,
      %get3A_910 = vector.shape_cast %get3A_909 : vector<16xi32> to vector<16xi32>
      %swap3A_911 = arith.constant 80 : index
      %swap3A_912 = tpu.vector_load %arg9[%swap3A_911] {strides = array<i32>} : memref<128xi32, #tpu.memory_space<vmem>>, vector<16xi32>,
      %swap3A_913 = vector.shape_cast %swap3A_912 : vector<16xi32> to vector<16xi32>
      %swap3A_914 = vector.shape_cast %get3A_910 : vector<16xi32> to vector<16xi32>
      tpu.vector_store %arg9[%swap3A_911], %swap3A_914 {strides = array<i32>} : memref<128xi32, #tpu.memory_space<vmem>>, vector<16xi32>,
      %get3A_915 = arith.constant 848 : index
      %get3A_916 = tpu.vector_load %arg8[%get3A_915] {strides = array<i32>} : memref<1024xi32, #tpu.memory_space<vmem>>, vector<16xi32>,
      %get3A_917 = vector.shape_cast %get3A_916 : vector<16xi32> to vector<16xi32>
      %swap3A_918 = arith.constant 80 : index
      %swap3A_919 = tpu.vector_load %arg11[%swap3A_918] {strides = array<i32>} : memref<128xi32, #tpu.memory_space<vmem>>, vector<16xi32>,
      %swap3A_920 = vector.shape_cast %swap3A_919 : vector<16xi32> to vector<16xi32>
      %swap3A_921 = vector.shape_cast %get3A_917 : vector<16xi32> to vector<16xi32>
      tpu.vector_store %arg11[%swap3A_918], %swap3A_921 {strides = array<i32>} : memref<128xi32, #tpu.memory_space<vmem>>, vector<16xi32>,
      %get3A_922 = arith.constant 864 : index
      %get3A_923 = tpu.vector_load %arg7[%get3A_922] {strides = array<i32>} : memref<1024xi32, #tpu.memory_space<vmem>>, vector<16xi32>,
      %get3A_924 = vector.shape_cast %get3A_923 : vector<16xi32> to vector<16xi32>
      %swap3A_925 = arith.constant 96 : index
      %swap3A_926 = tpu.vector_load %arg9[%swap3A_925] {strides = array<i32>} : memref<128xi32, #tpu.memory_space<vmem>>, vector<16xi32>,
      %swap3A_927 = vector.shape_cast %swap3A_926 : vector<16xi32> to vector<16xi32>
      %swap3A_928 = vector.shape_cast %get3A_924 : vector<16xi32> to vector<16xi32>
      tpu.vector_store %arg9[%swap3A_925], %swap3A_928 {strides = array<i32>} : memref<128xi32, #tpu.memory_space<vmem>>, vector<16xi32>,
      %get3A_929 = arith.constant 864 : index
      %get3A_930 = tpu.vector_load %arg8[%get3A_929] {strides = array<i32>} : memref<1024xi32, #tpu.memory_space<vmem>>, vector<16xi32>,
      %get3A_931 = vector.shape_cast %get3A_930 : vector<16xi32> to vector<16xi32>
      %swap3A_932 = arith.constant 96 : index
      %swap3A_933 = tpu.vector_load %arg11[%swap3A_932] {strides = array<i32>} : memref<128xi32, #tpu.memory_space<vmem>>, vector<16xi32>,
      %swap3A_934 = vector.shape_cast %swap3A_933 : vector<16xi32> to vector<16xi32>
      %swap3A_935 = vector.shape_cast %get3A_931 : vector<16xi32> to vector<16xi32>
      tpu.vector_store %arg11[%swap3A_932], %swap3A_935 {strides = array<i32>} : memref<128xi32, #tpu.memory_space<vmem>>, vector<16xi32>,
      %get3A_936 = arith.constant 880 : index
      %get3A_937 = tpu.vector_load %arg7[%get3A_936] {strides = array<i32>} : memref<1024xi32, #tpu.memory_space<vmem>>, vector<16xi32>,
      %get3A_938 = vector.shape_cast %get3A_937 : vector<16xi32> to vector<16xi32>
      %swap3A_939 = arith.constant 112 : index
      %swap3A_940 = tpu.vector_load %arg9[%swap3A_939] {strides = array<i32>} : memref<128xi32, #tpu.memory_space<vmem>>, vector<16xi32>,
      %swap3A_941 = vector.shape_cast %swap3A_940 : vector<16xi32> to vector<16xi32>
      %swap3A_942 = vector.shape_cast %get3A_938 : vector<16xi32> to vector<16xi32>
      tpu.vector_store %arg9[%swap3A_939], %swap3A_942 {strides = array<i32>} : memref<128xi32, #tpu.memory_space<vmem>>, vector<16xi32>,
      %get3A_943 = arith.constant 880 : index
      %get3A_944 = tpu.vector_load %arg8[%get3A_943] {strides = array<i32>} : memref<1024xi32, #tpu.memory_space<vmem>>, vector<16xi32>,
      %get3A_945 = vector.shape_cast %get3A_944 : vector<16xi32> to vector<16xi32>
      %swap3A_946 = arith.constant 112 : index
      %swap3A_947 = tpu.vector_load %arg11[%swap3A_946] {strides = array<i32>} : memref<128xi32, #tpu.memory_space<vmem>>, vector<16xi32>,
      %swap3A_948 = vector.shape_cast %swap3A_947 : vector<16xi32> to vector<16xi32>
      %swap3A_949 = vector.shape_cast %get3A_945 : vector<16xi32> to vector<16xi32>
      tpu.vector_store %arg11[%swap3A_946], %swap3A_949 {strides = array<i32>} : memref<128xi32, #tpu.memory_space<vmem>>, vector<16xi32>,
      %dma_start3A_950 = arith.constant 0 : i32
      %dma_start3A_951 = arith.constant 0 : i32
      %dma_start3A_952 = tpu.memref_slice %arg2[%dma_start3A_950, %dma_start3A_951] : memref<50176x16xf32, #tpu.memory_space<hbm>> -> memref<50176x16xf32, #tpu.memory_space<hbm>>
      tpu.enqueue_indirect_dma source(%dma_start3A_952 : memref<50176x16xf32, #tpu.memory_space<hbm>>) target(%arg13 : memref<128x16xf32, #tpu.memory_space<vmem>>) offsets(%arg9 : memref<128xi32, #tpu.memory_space<vmem>>) semaphore(%arg17 : memref<!tpu.dma_semaphore, #tpu.memory_space<semaphore_mem>>)
      %dma_start3A_953 = arith.constant 0 : i32
      %dma_start3A_954 = arith.constant 0 : i32
      %dma_start3A_955 = tpu.memref_slice %arg2[%dma_start3A_953, %dma_start3A_954] : memref<50176x16xf32, #tpu.memory_space<hbm>> -> memref<50176x16xf32, #tpu.memory_space<hbm>>
      tpu.enqueue_indirect_dma source(%dma_start3A_955 : memref<50176x16xf32, #tpu.memory_space<hbm>>) target(%arg15 : memref<128x16xf32, #tpu.memory_space<vmem>>) offsets(%arg11 : memref<128xi32, #tpu.memory_space<vmem>>) semaphore(%arg19 : memref<!tpu.dma_semaphore, #tpu.memory_space<semaphore_mem>>)
      %dma_wait3A_956 = arith.constant 0 : i32
      %dma_wait3A_957 = arith.constant 0 : i32
      %dma_wait3A_958 = tpu.memref_slice %arg2[%dma_wait3A_956, %dma_wait3A_957] : memref<50176x16xf32, #tpu.memory_space<hbm>> -> memref<50176x16xf32, #tpu.memory_space<hbm>>
      tpu.wait_indirect_dma semaphore(%arg18 : memref<!tpu.dma_semaphore, #tpu.memory_space<semaphore_mem>>) src(%dma_wait3A_958 : memref<50176x16xf32, #tpu.memory_space<hbm>>) dst(%arg14 : memref<128x16xf32, #tpu.memory_space<vmem>>)
      %dma_wait3A_959 = arith.constant 0 : i32
      %dma_wait3A_960 = arith.constant 0 : i32
      %dma_wait3A_961 = tpu.memref_slice %arg2[%dma_wait3A_959, %dma_wait3A_960] : memref<50176x16xf32, #tpu.memory_space<hbm>> -> memref<50176x16xf32, #tpu.memory_space<hbm>>
      tpu.wait_indirect_dma semaphore(%arg20 : memref<!tpu.dma_semaphore, #tpu.memory_space<semaphore_mem>>) src(%dma_wait3A_961 : memref<50176x16xf32, #tpu.memory_space<hbm>>) dst(%arg16 : memref<128x16xf32, #tpu.memory_space<vmem>>)
      %add3A_962 = arith.constant 640 : i32
      %add3A_963 = arith.addi %add3A_13, %add3A_962 : i32
      %dma_start3A_964 = arith.constant 0 : i32
      %dma_start3A_965 = tpu.memref_slice %arg5[%add3A_963, %dma_start3A_964] : memref<819200x16xf32, #tpu.memory_space<hbm>> -> memref<128x16xf32, #tpu.memory_space<hbm>>
      %dma_start3A_966 = arith.constant 0 : i32
      %dma_start3A_967 = tpu.memref_slice %arg5[%add3A_963, %dma_start3A_966] : memref<819200x16xf32, #tpu.memory_space<hbm>> -> memref<128x16xf32, #tpu.memory_space<hbm>>
      tpu.enqueue_dma source(%arg14 : memref<128x16xf32, #tpu.memory_space<vmem>>) target(%dma_start3A_967 : memref<128x16xf32, #tpu.memory_space<hbm>>) target_semaphore(%arg22 : memref<!tpu.dma_semaphore, #tpu.memory_space<semaphore_mem>>)
      %dma_start3A_968 = arith.constant 0 : i32
      %dma_start3A_969 = tpu.memref_slice %arg6[%add3A_963, %dma_start3A_968] : memref<819200x16xf32, #tpu.memory_space<hbm>> -> memref<128x16xf32, #tpu.memory_space<hbm>>
      %dma_start3A_970 = arith.constant 0 : i32
      %dma_start3A_971 = tpu.memref_slice %arg6[%add3A_963, %dma_start3A_970] : memref<819200x16xf32, #tpu.memory_space<hbm>> -> memref<128x16xf32, #tpu.memory_space<hbm>>
      tpu.enqueue_dma source(%arg16 : memref<128x16xf32, #tpu.memory_space<vmem>>) target(%dma_start3A_971 : memref<128x16xf32, #tpu.memory_space<hbm>>) target_semaphore(%arg24 : memref<!tpu.dma_semaphore, #tpu.memory_space<semaphore_mem>>)
      %dma_wait3A_972 = arith.constant 0 : i32
      %dma_wait3A_973 = tpu.memref_slice %arg5[%add3A_963, %dma_wait3A_972] : memref<819200x16xf32, #tpu.memory_space<hbm>> -> memref<128x16xf32, #tpu.memory_space<hbm>>
      %dma_wait3A_974 = arith.constant 0 : i32
      %dma_wait3A_975 = tpu.memref_slice %arg5[%add3A_963, %dma_wait3A_974] : memref<819200x16xf32, #tpu.memory_space<hbm>> -> memref<128x16xf32, #tpu.memory_space<hbm>>
      tpu.wait_dma2 semaphore(%arg22 : memref<!tpu.dma_semaphore, #tpu.memory_space<semaphore_mem>>) src(%arg14 : memref<128x16xf32, #tpu.memory_space<vmem>>) dst(%dma_wait3A_975 : memref<128x16xf32, #tpu.memory_space<hbm>>)
      %dma_wait3A_976 = arith.constant 0 : i32
      %dma_wait3A_977 = tpu.memref_slice %arg6[%add3A_963, %dma_wait3A_976] : memref<819200x16xf32, #tpu.memory_space<hbm>> -> memref<128x16xf32, #tpu.memory_space<hbm>>
      %dma_wait3A_978 = arith.constant 0 : i32
      %dma_wait3A_979 = tpu.memref_slice %arg6[%add3A_963, %dma_wait3A_978] : memref<819200x16xf32, #tpu.memory_space<hbm>> -> memref<128x16xf32, #tpu.memory_space<hbm>>
      tpu.wait_dma2 semaphore(%arg24 : memref<!tpu.dma_semaphore, #tpu.memory_space<semaphore_mem>>) src(%arg16 : memref<128x16xf32, #tpu.memory_space<vmem>>) dst(%dma_wait3A_979 : memref<128x16xf32, #tpu.memory_space<hbm>>)
      %get3A_980 = arith.constant 896 : index
      %get3A_981 = tpu.vector_load %arg7[%get3A_980] {strides = array<i32>} : memref<1024xi32, #tpu.memory_space<vmem>>, vector<16xi32>,
      %get3A_982 = vector.shape_cast %get3A_981 : vector<16xi32> to vector<16xi32>
      %swap3A_983 = arith.constant 0 : index
      %swap3A_984 = tpu.vector_load %arg10[%swap3A_983] {strides = array<i32>} : memref<128xi32, #tpu.memory_space<vmem>>, vector<16xi32>,
      %swap3A_985 = vector.shape_cast %swap3A_984 : vector<16xi32> to vector<16xi32>
      %swap3A_986 = vector.shape_cast %get3A_982 : vector<16xi32> to vector<16xi32>
      tpu.vector_store %arg10[%swap3A_983], %swap3A_986 {strides = array<i32>} : memref<128xi32, #tpu.memory_space<vmem>>, vector<16xi32>,
      %get3A_987 = arith.constant 896 : index
      %get3A_988 = tpu.vector_load %arg8[%get3A_987] {strides = array<i32>} : memref<1024xi32, #tpu.memory_space<vmem>>, vector<16xi32>,
      %get3A_989 = vector.shape_cast %get3A_988 : vector<16xi32> to vector<16xi32>
      %swap3A_990 = arith.constant 0 : index
      %swap3A_991 = tpu.vector_load %arg12[%swap3A_990] {strides = array<i32>} : memref<128xi32, #tpu.memory_space<vmem>>, vector<16xi32>,
      %swap3A_992 = vector.shape_cast %swap3A_991 : vector<16xi32> to vector<16xi32>
      %swap3A_993 = vector.shape_cast %get3A_989 : vector<16xi32> to vector<16xi32>
      tpu.vector_store %arg12[%swap3A_990], %swap3A_993 {strides = array<i32>} : memref<128xi32, #tpu.memory_space<vmem>>, vector<16xi32>,
      %get3A_994 = arith.constant 912 : index
      %get3A_995 = tpu.vector_load %arg7[%get3A_994] {strides = array<i32>} : memref<1024xi32, #tpu.memory_space<vmem>>, vector<16xi32>,
      %get3A_996 = vector.shape_cast %get3A_995 : vector<16xi32> to vector<16xi32>
      %swap3A_997 = arith.constant 16 : index
      %swap3A_998 = tpu.vector_load %arg10[%swap3A_997] {strides = array<i32>} : memref<128xi32, #tpu.memory_space<vmem>>, vector<16xi32>,
      %swap3A_999 = vector.shape_cast %swap3A_998 : vector<16xi32> to vector<16xi32>
      %swap3A_1000 = vector.shape_cast %get3A_996 : vector<16xi32> to vector<16xi32>
      tpu.vector_store %arg10[%swap3A_997], %swap3A_1000 {strides = array<i32>} : memref<128xi32, #tpu.memory_space<vmem>>, vector<16xi32>,
      %get3A_1001 = arith.constant 912 : index
      %get3A_1002 = tpu.vector_load %arg8[%get3A_1001] {strides = array<i32>} : memref<1024xi32, #tpu.memory_space<vmem>>, vector<16xi32>,
      %get3A_1003 = vector.shape_cast %get3A_1002 : vector<16xi32> to vector<16xi32>
      %swap3A_1004 = arith.constant 16 : index
      %swap3A_1005 = tpu.vector_load %arg12[%swap3A_1004] {strides = array<i32>} : memref<128xi32, #tpu.memory_space<vmem>>, vector<16xi32>,
      %swap3A_1006 = vector.shape_cast %swap3A_1005 : vector<16xi32> to vector<16xi32>
      %swap3A_1007 = vector.shape_cast %get3A_1003 : vector<16xi32> to vector<16xi32>
      tpu.vector_store %arg12[%swap3A_1004], %swap3A_1007 {strides = array<i32>} : memref<128xi32, #tpu.memory_space<vmem>>, vector<16xi32>,
      %get3A_1008 = arith.constant 928 : index
      %get3A_1009 = tpu.vector_load %arg7[%get3A_1008] {strides = array<i32>} : memref<1024xi32, #tpu.memory_space<vmem>>, vector<16xi32>,
      %get3A_1010 = vector.shape_cast %get3A_1009 : vector<16xi32> to vector<16xi32>
      %swap3A_1011 = arith.constant 32 : index
      %swap3A_1012 = tpu.vector_load %arg10[%swap3A_1011] {strides = array<i32>} : memref<128xi32, #tpu.memory_space<vmem>>, vector<16xi32>,
      %swap3A_1013 = vector.shape_cast %swap3A_1012 : vector<16xi32> to vector<16xi32>
      %swap3A_1014 = vector.shape_cast %get3A_1010 : vector<16xi32> to vector<16xi32>
      tpu.vector_store %arg10[%swap3A_1011], %swap3A_1014 {strides = array<i32>} : memref<128xi32, #tpu.memory_space<vmem>>, vector<16xi32>,
      %get3A_1015 = arith.constant 928 : index
      %get3A_1016 = tpu.vector_load %arg8[%get3A_1015] {strides = array<i32>} : memref<1024xi32, #tpu.memory_space<vmem>>, vector<16xi32>,
      %get3A_1017 = vector.shape_cast %get3A_1016 : vector<16xi32> to vector<16xi32>
      %swap3A_1018 = arith.constant 32 : index
      %swap3A_1019 = tpu.vector_load %arg12[%swap3A_1018] {strides = array<i32>} : memref<128xi32, #tpu.memory_space<vmem>>, vector<16xi32>,
      %swap3A_1020 = vector.shape_cast %swap3A_1019 : vector<16xi32> to vector<16xi32>
      %swap3A_1021 = vector.shape_cast %get3A_1017 : vector<16xi32> to vector<16xi32>
      tpu.vector_store %arg12[%swap3A_1018], %swap3A_1021 {strides = array<i32>} : memref<128xi32, #tpu.memory_space<vmem>>, vector<16xi32>,
      %get3A_1022 = arith.constant 944 : index
      %get3A_1023 = tpu.vector_load %arg7[%get3A_1022] {strides = array<i32>} : memref<1024xi32, #tpu.memory_space<vmem>>, vector<16xi32>,
      %get3A_1024 = vector.shape_cast %get3A_1023 : vector<16xi32> to vector<16xi32>
      %swap3A_1025 = arith.constant 48 : index
      %swap3A_1026 = tpu.vector_load %arg10[%swap3A_1025] {strides = array<i32>} : memref<128xi32, #tpu.memory_space<vmem>>, vector<16xi32>,
      %swap3A_1027 = vector.shape_cast %swap3A_1026 : vector<16xi32> to vector<16xi32>
      %swap3A_1028 = vector.shape_cast %get3A_1024 : vector<16xi32> to vector<16xi32>
      tpu.vector_store %arg10[%swap3A_1025], %swap3A_1028 {strides = array<i32>} : memref<128xi32, #tpu.memory_space<vmem>>, vector<16xi32>,
      %get3A_1029 = arith.constant 944 : index
      %get3A_1030 = tpu.vector_load %arg8[%get3A_1029] {strides = array<i32>} : memref<1024xi32, #tpu.memory_space<vmem>>, vector<16xi32>,
      %get3A_1031 = vector.shape_cast %get3A_1030 : vector<16xi32> to vector<16xi32>
      %swap3A_1032 = arith.constant 48 : index
      %swap3A_1033 = tpu.vector_load %arg12[%swap3A_1032] {strides = array<i32>} : memref<128xi32, #tpu.memory_space<vmem>>, vector<16xi32>,
      %swap3A_1034 = vector.shape_cast %swap3A_1033 : vector<16xi32> to vector<16xi32>
      %swap3A_1035 = vector.shape_cast %get3A_1031 : vector<16xi32> to vector<16xi32>
      tpu.vector_store %arg12[%swap3A_1032], %swap3A_1035 {strides = array<i32>} : memref<128xi32, #tpu.memory_space<vmem>>, vector<16xi32>,
      %get3A_1036 = arith.constant 960 : index
      %get3A_1037 = tpu.vector_load %arg7[%get3A_1036] {strides = array<i32>} : memref<1024xi32, #tpu.memory_space<vmem>>, vector<16xi32>,
      %get3A_1038 = vector.shape_cast %get3A_1037 : vector<16xi32> to vector<16xi32>
      %swap3A_1039 = arith.constant 64 : index
      %swap3A_1040 = tpu.vector_load %arg10[%swap3A_1039] {strides = array<i32>} : memref<128xi32, #tpu.memory_space<vmem>>, vector<16xi32>,
      %swap3A_1041 = vector.shape_cast %swap3A_1040 : vector<16xi32> to vector<16xi32>
      %swap3A_1042 = vector.shape_cast %get3A_1038 : vector<16xi32> to vector<16xi32>
      tpu.vector_store %arg10[%swap3A_1039], %swap3A_1042 {strides = array<i32>} : memref<128xi32, #tpu.memory_space<vmem>>, vector<16xi32>,
      %get3A_1043 = arith.constant 960 : index
      %get3A_1044 = tpu.vector_load %arg8[%get3A_1043] {strides = array<i32>} : memref<1024xi32, #tpu.memory_space<vmem>>, vector<16xi32>,
      %get3A_1045 = vector.shape_cast %get3A_1044 : vector<16xi32> to vector<16xi32>
      %swap3A_1046 = arith.constant 64 : index
      %swap3A_1047 = tpu.vector_load %arg12[%swap3A_1046] {strides = array<i32>} : memref<128xi32, #tpu.memory_space<vmem>>, vector<16xi32>,
      %swap3A_1048 = vector.shape_cast %swap3A_1047 : vector<16xi32> to vector<16xi32>
      %swap3A_1049 = vector.shape_cast %get3A_1045 : vector<16xi32> to vector<16xi32>
      tpu.vector_store %arg12[%swap3A_1046], %swap3A_1049 {strides = array<i32>} : memref<128xi32, #tpu.memory_space<vmem>>, vector<16xi32>,
      %get3A_1050 = arith.constant 976 : index
      %get3A_1051 = tpu.vector_load %arg7[%get3A_1050] {strides = array<i32>} : memref<1024xi32, #tpu.memory_space<vmem>>, vector<16xi32>,
      %get3A_1052 = vector.shape_cast %get3A_1051 : vector<16xi32> to vector<16xi32>
      %swap3A_1053 = arith.constant 80 : index
      %swap3A_1054 = tpu.vector_load %arg10[%swap3A_1053] {strides = array<i32>} : memref<128xi32, #tpu.memory_space<vmem>>, vector<16xi32>,
      %swap3A_1055 = vector.shape_cast %swap3A_1054 : vector<16xi32> to vector<16xi32>
      %swap3A_1056 = vector.shape_cast %get3A_1052 : vector<16xi32> to vector<16xi32>
      tpu.vector_store %arg10[%swap3A_1053], %swap3A_1056 {strides = array<i32>} : memref<128xi32, #tpu.memory_space<vmem>>, vector<16xi32>,
      %get3A_1057 = arith.constant 976 : index
      %get3A_1058 = tpu.vector_load %arg8[%get3A_1057] {strides = array<i32>} : memref<1024xi32, #tpu.memory_space<vmem>>, vector<16xi32>,
      %get3A_1059 = vector.shape_cast %get3A_1058 : vector<16xi32> to vector<16xi32>
      %swap3A_1060 = arith.constant 80 : index
      %swap3A_1061 = tpu.vector_load %arg12[%swap3A_1060] {strides = array<i32>} : memref<128xi32, #tpu.memory_space<vmem>>, vector<16xi32>,
      %swap3A_1062 = vector.shape_cast %swap3A_1061 : vector<16xi32> to vector<16xi32>
      %swap3A_1063 = vector.shape_cast %get3A_1059 : vector<16xi32> to vector<16xi32>
      tpu.vector_store %arg12[%swap3A_1060], %swap3A_1063 {strides = array<i32>} : memref<128xi32, #tpu.memory_space<vmem>>, vector<16xi32>,
      %get3A_1064 = arith.constant 992 : index
      %get3A_1065 = tpu.vector_load %arg7[%get3A_1064] {strides = array<i32>} : memref<1024xi32, #tpu.memory_space<vmem>>, vector<16xi32>,
      %get3A_1066 = vector.shape_cast %get3A_1065 : vector<16xi32> to vector<16xi32>
      %swap3A_1067 = arith.constant 96 : index
      %swap3A_1068 = tpu.vector_load %arg10[%swap3A_1067] {strides = array<i32>} : memref<128xi32, #tpu.memory_space<vmem>>, vector<16xi32>,
      %swap3A_1069 = vector.shape_cast %swap3A_1068 : vector<16xi32> to vector<16xi32>
      %swap3A_1070 = vector.shape_cast %get3A_1066 : vector<16xi32> to vector<16xi32>
      tpu.vector_store %arg10[%swap3A_1067], %swap3A_1070 {strides = array<i32>} : memref<128xi32, #tpu.memory_space<vmem>>, vector<16xi32>,
      %get3A_1071 = arith.constant 992 : index
      %get3A_1072 = tpu.vector_load %arg8[%get3A_1071] {strides = array<i32>} : memref<1024xi32, #tpu.memory_space<vmem>>, vector<16xi32>,
      %get3A_1073 = vector.shape_cast %get3A_1072 : vector<16xi32> to vector<16xi32>
      %swap3A_1074 = arith.constant 96 : index
      %swap3A_1075 = tpu.vector_load %arg12[%swap3A_1074] {strides = array<i32>} : memref<128xi32, #tpu.memory_space<vmem>>, vector<16xi32>,
      %swap3A_1076 = vector.shape_cast %swap3A_1075 : vector<16xi32> to vector<16xi32>
      %swap3A_1077 = vector.shape_cast %get3A_1073 : vector<16xi32> to vector<16xi32>
      tpu.vector_store %arg12[%swap3A_1074], %swap3A_1077 {strides = array<i32>} : memref<128xi32, #tpu.memory_space<vmem>>, vector<16xi32>,
      %get3A_1078 = arith.constant 1008 : index
      %get3A_1079 = tpu.vector_load %arg7[%get3A_1078] {strides = array<i32>} : memref<1024xi32, #tpu.memory_space<vmem>>, vector<16xi32>,
      %get3A_1080 = vector.shape_cast %get3A_1079 : vector<16xi32> to vector<16xi32>
      %swap3A_1081 = arith.constant 112 : index
      %swap3A_1082 = tpu.vector_load %arg10[%swap3A_1081] {strides = array<i32>} : memref<128xi32, #tpu.memory_space<vmem>>, vector<16xi32>,
      %swap3A_1083 = vector.shape_cast %swap3A_1082 : vector<16xi32> to vector<16xi32>
      %swap3A_1084 = vector.shape_cast %get3A_1080 : vector<16xi32> to vector<16xi32>
      tpu.vector_store %arg10[%swap3A_1081], %swap3A_1084 {strides = array<i32>} : memref<128xi32, #tpu.memory_space<vmem>>, vector<16xi32>,
      %get3A_1085 = arith.constant 1008 : index
      %get3A_1086 = tpu.vector_load %arg8[%get3A_1085] {strides = array<i32>} : memref<1024xi32, #tpu.memory_space<vmem>>, vector<16xi32>,
      %get3A_1087 = vector.shape_cast %get3A_1086 : vector<16xi32> to vector<16xi32>
      %swap3A_1088 = arith.constant 112 : index
      %swap3A_1089 = tpu.vector_load %arg12[%swap3A_1088] {strides = array<i32>} : memref<128xi32, #tpu.memory_space<vmem>>, vector<16xi32>,
      %swap3A_1090 = vector.shape_cast %swap3A_1089 : vector<16xi32> to vector<16xi32>
      %swap3A_1091 = vector.shape_cast %get3A_1087 : vector<16xi32> to vector<16xi32>
      tpu.vector_store %arg12[%swap3A_1088], %swap3A_1091 {strides = array<i32>} : memref<128xi32, #tpu.memory_space<vmem>>, vector<16xi32>,
      %dma_start3A_1092 = arith.constant 0 : i32
      %dma_start3A_1093 = arith.constant 0 : i32
      %dma_start3A_1094 = tpu.memref_slice %arg2[%dma_start3A_1092, %dma_start3A_1093] : memref<50176x16xf32, #tpu.memory_space<hbm>> -> memref<50176x16xf32, #tpu.memory_space<hbm>>
      tpu.enqueue_indirect_dma source(%dma_start3A_1094 : memref<50176x16xf32, #tpu.memory_space<hbm>>) target(%arg14 : memref<128x16xf32, #tpu.memory_space<vmem>>) offsets(%arg10 : memref<128xi32, #tpu.memory_space<vmem>>) semaphore(%arg18 : memref<!tpu.dma_semaphore, #tpu.memory_space<semaphore_mem>>)
      %dma_start3A_1095 = arith.constant 0 : i32
      %dma_start3A_1096 = arith.constant 0 : i32
      %dma_start3A_1097 = tpu.memref_slice %arg2[%dma_start3A_1095, %dma_start3A_1096] : memref<50176x16xf32, #tpu.memory_space<hbm>> -> memref<50176x16xf32, #tpu.memory_space<hbm>>
      tpu.enqueue_indirect_dma source(%dma_start3A_1097 : memref<50176x16xf32, #tpu.memory_space<hbm>>) target(%arg16 : memref<128x16xf32, #tpu.memory_space<vmem>>) offsets(%arg12 : memref<128xi32, #tpu.memory_space<vmem>>) semaphore(%arg20 : memref<!tpu.dma_semaphore, #tpu.memory_space<semaphore_mem>>)
      %dma_wait3A_1098 = arith.constant 0 : i32
      %dma_wait3A_1099 = arith.constant 0 : i32
      %dma_wait3A_1100 = tpu.memref_slice %arg2[%dma_wait3A_1098, %dma_wait3A_1099] : memref<50176x16xf32, #tpu.memory_space<hbm>> -> memref<50176x16xf32, #tpu.memory_space<hbm>>
      tpu.wait_indirect_dma semaphore(%arg17 : memref<!tpu.dma_semaphore, #tpu.memory_space<semaphore_mem>>) src(%dma_wait3A_1100 : memref<50176x16xf32, #tpu.memory_space<hbm>>) dst(%arg13 : memref<128x16xf32, #tpu.memory_space<vmem>>)
      %dma_wait3A_1101 = arith.constant 0 : i32
      %dma_wait3A_1102 = arith.constant 0 : i32
      %dma_wait3A_1103 = tpu.memref_slice %arg2[%dma_wait3A_1101, %dma_wait3A_1102] : memref<50176x16xf32, #tpu.memory_space<hbm>> -> memref<50176x16xf32, #tpu.memory_space<hbm>>
      tpu.wait_indirect_dma semaphore(%arg19 : memref<!tpu.dma_semaphore, #tpu.memory_space<semaphore_mem>>) src(%dma_wait3A_1103 : memref<50176x16xf32, #tpu.memory_space<hbm>>) dst(%arg15 : memref<128x16xf32, #tpu.memory_space<vmem>>)
      %add3A_1104 = arith.constant 768 : i32
      %add3A_1105 = arith.addi %add3A_13, %add3A_1104 : i32
      %dma_start3A_1106 = arith.constant 0 : i32
      %dma_start3A_1107 = tpu.memref_slice %arg5[%add3A_1105, %dma_start3A_1106] : memref<819200x16xf32, #tpu.memory_space<hbm>> -> memref<128x16xf32, #tpu.memory_space<hbm>>
      %dma_start3A_1108 = arith.constant 0 : i32
      %dma_start3A_1109 = tpu.memref_slice %arg5[%add3A_1105, %dma_start3A_1108] : memref<819200x16xf32, #tpu.memory_space<hbm>> -> memref<128x16xf32, #tpu.memory_space<hbm>>
      tpu.enqueue_dma source(%arg13 : memref<128x16xf32, #tpu.memory_space<vmem>>) target(%dma_start3A_1109 : memref<128x16xf32, #tpu.memory_space<hbm>>) target_semaphore(%arg21 : memref<!tpu.dma_semaphore, #tpu.memory_space<semaphore_mem>>)
      %dma_start3A_1110 = arith.constant 0 : i32
      %dma_start3A_1111 = tpu.memref_slice %arg6[%add3A_1105, %dma_start3A_1110] : memref<819200x16xf32, #tpu.memory_space<hbm>> -> memref<128x16xf32, #tpu.memory_space<hbm>>
      %dma_start3A_1112 = arith.constant 0 : i32
      %dma_start3A_1113 = tpu.memref_slice %arg6[%add3A_1105, %dma_start3A_1112] : memref<819200x16xf32, #tpu.memory_space<hbm>> -> memref<128x16xf32, #tpu.memory_space<hbm>>
      tpu.enqueue_dma source(%arg15 : memref<128x16xf32, #tpu.memory_space<vmem>>) target(%dma_start3A_1113 : memref<128x16xf32, #tpu.memory_space<hbm>>) target_semaphore(%arg23 : memref<!tpu.dma_semaphore, #tpu.memory_space<semaphore_mem>>)
      %dma_wait3A_1114 = arith.constant 0 : i32
      %dma_wait3A_1115 = arith.constant 0 : i32
      %dma_wait3A_1116 = tpu.memref_slice %arg2[%dma_wait3A_1114, %dma_wait3A_1115] : memref<50176x16xf32, #tpu.memory_space<hbm>> -> memref<50176x16xf32, #tpu.memory_space<hbm>>
      tpu.wait_indirect_dma semaphore(%arg18 : memref<!tpu.dma_semaphore, #tpu.memory_space<semaphore_mem>>) src(%dma_wait3A_1116 : memref<50176x16xf32, #tpu.memory_space<hbm>>) dst(%arg14 : memref<128x16xf32, #tpu.memory_space<vmem>>)
      %dma_wait3A_1117 = arith.constant 0 : i32
      %dma_wait3A_1118 = arith.constant 0 : i32
      %dma_wait3A_1119 = tpu.memref_slice %arg2[%dma_wait3A_1117, %dma_wait3A_1118] : memref<50176x16xf32, #tpu.memory_space<hbm>> -> memref<50176x16xf32, #tpu.memory_space<hbm>>
      tpu.wait_indirect_dma semaphore(%arg20 : memref<!tpu.dma_semaphore, #tpu.memory_space<semaphore_mem>>) src(%dma_wait3A_1119 : memref<50176x16xf32, #tpu.memory_space<hbm>>) dst(%arg16 : memref<128x16xf32, #tpu.memory_space<vmem>>)
      %add3A_1120 = arith.constant 896 : i32
      %add3A_1121 = arith.addi %add3A_13, %add3A_1120 : i32
      %dma_start3A_1122 = arith.constant 0 : i32
      %dma_start3A_1123 = tpu.memref_slice %arg5[%add3A_1121, %dma_start3A_1122] : memref<819200x16xf32, #tpu.memory_space<hbm>> -> memref<128x16xf32, #tpu.memory_space<hbm>>
      %dma_start3A_1124 = arith.constant 0 : i32
      %dma_start3A_1125 = tpu.memref_slice %arg5[%add3A_1121, %dma_start3A_1124] : memref<819200x16xf32, #tpu.memory_space<hbm>> -> memref<128x16xf32, #tpu.memory_space<hbm>>
      tpu.enqueue_dma source(%arg14 : memref<128x16xf32, #tpu.memory_space<vmem>>) target(%dma_start3A_1125 : memref<128x16xf32, #tpu.memory_space<hbm>>) target_semaphore(%arg22 : memref<!tpu.dma_semaphore, #tpu.memory_space<semaphore_mem>>)
      %dma_start3A_1126 = arith.constant 0 : i32
      %dma_start3A_1127 = tpu.memref_slice %arg6[%add3A_1121, %dma_start3A_1126] : memref<819200x16xf32, #tpu.memory_space<hbm>> -> memref<128x16xf32, #tpu.memory_space<hbm>>
      %dma_start3A_1128 = arith.constant 0 : i32
      %dma_start3A_1129 = tpu.memref_slice %arg6[%add3A_1121, %dma_start3A_1128] : memref<819200x16xf32, #tpu.memory_space<hbm>> -> memref<128x16xf32, #tpu.memory_space<hbm>>
      tpu.enqueue_dma source(%arg16 : memref<128x16xf32, #tpu.memory_space<vmem>>) target(%dma_start3A_1129 : memref<128x16xf32, #tpu.memory_space<hbm>>) target_semaphore(%arg24 : memref<!tpu.dma_semaphore, #tpu.memory_space<semaphore_mem>>)
      %dma_wait3A_1130 = arith.constant 0 : i32
      %dma_wait3A_1131 = tpu.memref_slice %arg5[%add3A_1105, %dma_wait3A_1130] : memref<819200x16xf32, #tpu.memory_space<hbm>> -> memref<128x16xf32, #tpu.memory_space<hbm>>
      %dma_wait3A_1132 = arith.constant 0 : i32
      %dma_wait3A_1133 = tpu.memref_slice %arg5[%add3A_1105, %dma_wait3A_1132] : memref<819200x16xf32, #tpu.memory_space<hbm>> -> memref<128x16xf32, #tpu.memory_space<hbm>>
      tpu.wait_dma2 semaphore(%arg21 : memref<!tpu.dma_semaphore, #tpu.memory_space<semaphore_mem>>) src(%arg13 : memref<128x16xf32, #tpu.memory_space<vmem>>) dst(%dma_wait3A_1133 : memref<128x16xf32, #tpu.memory_space<hbm>>)
      %dma_wait3A_1134 = arith.constant 0 : i32
      %dma_wait3A_1135 = tpu.memref_slice %arg6[%add3A_1105, %dma_wait3A_1134] : memref<819200x16xf32, #tpu.memory_space<hbm>> -> memref<128x16xf32, #tpu.memory_space<hbm>>
      %dma_wait3A_1136 = arith.constant 0 : i32
      %dma_wait3A_1137 = tpu.memref_slice %arg6[%add3A_1105, %dma_wait3A_1136] : memref<819200x16xf32, #tpu.memory_space<hbm>> -> memref<128x16xf32, #tpu.memory_space<hbm>>
      tpu.wait_dma2 semaphore(%arg23 : memref<!tpu.dma_semaphore, #tpu.memory_space<semaphore_mem>>) src(%arg15 : memref<128x16xf32, #tpu.memory_space<vmem>>) dst(%dma_wait3A_1137 : memref<128x16xf32, #tpu.memory_space<hbm>>)
      %dma_wait3A_1138 = arith.constant 0 : i32
      %dma_wait3A_1139 = tpu.memref_slice %arg5[%add3A_1121, %dma_wait3A_1138] : memref<819200x16xf32, #tpu.memory_space<hbm>> -> memref<128x16xf32, #tpu.memory_space<hbm>>
      %dma_wait3A_1140 = arith.constant 0 : i32
      %dma_wait3A_1141 = tpu.memref_slice %arg5[%add3A_1121, %dma_wait3A_1140] : memref<819200x16xf32, #tpu.memory_space<hbm>> -> memref<128x16xf32, #tpu.memory_space<hbm>>
      tpu.wait_dma2 semaphore(%arg22 : memref<!tpu.dma_semaphore, #tpu.memory_space<semaphore_mem>>) src(%arg14 : memref<128x16xf32, #tpu.memory_space<vmem>>) dst(%dma_wait3A_1141 : memref<128x16xf32, #tpu.memory_space<hbm>>)
      %dma_wait3A_1142 = arith.constant 0 : i32
      %dma_wait3A_1143 = tpu.memref_slice %arg6[%add3A_1121, %dma_wait3A_1142] : memref<819200x16xf32, #tpu.memory_space<hbm>> -> memref<128x16xf32, #tpu.memory_space<hbm>>
      %dma_wait3A_1144 = arith.constant 0 : i32
      %dma_wait3A_1145 = tpu.memref_slice %arg6[%add3A_1121, %dma_wait3A_1144] : memref<819200x16xf32, #tpu.memory_space<hbm>> -> memref<128x16xf32, #tpu.memory_space<hbm>>
      tpu.wait_dma2 semaphore(%arg24 : memref<!tpu.dma_semaphore, #tpu.memory_space<semaphore_mem>>) src(%arg16 : memref<128x16xf32, #tpu.memory_space<vmem>>) dst(%dma_wait3A_1145 : memref<128x16xf32, #tpu.memory_space<hbm>>)
      %scan3A_1146 = arith.constant 0 : i32
      scf.yield %scan3A_1146 : i32
    }
    %scan3A_8 = arith.constant 25 : i32
    return
  }
}

</mosaic_0001>

<sc_bundles>
// kernel: _edge_gather.3.cloned.1.call-start
scs
__scs_entry_jumppad:
0x0: {  	(pc) =	sbr.rel $0x88, $3  }
0x1: {  	(tag) =	ssettag $0x0;
	lr =	simm.s32 $0x1  }
0x2: {  	[smem:$0x3F9E] =	sst lr;
	_ =	strace $0xD0000000  }
0x3: {  	_ = 	snop  }
0x4: {  	_ = 	snop  }
0x5: {  	_ = 	snop  }
0x6: {  	_ = 	snop  }
0x7: {  	_ = 	snop  }
__scs_overlays_trampoline_lowered:
0x8: {  	[smem:$0x3FAD] =	sst s0  }
0x9: {  	[smem:$0x3FAE] =	sst s1  }
0xa: {  	[smem:$0x3FAF] =	sst s2  }
0xb: {  	[smem:$0x3FB0] =	sst s3  }
0xc: {  	[smem:$0x3FB1] =	sst s4  }
0xd: {  	[smem:$0x3FB2] =	sst s5  }
0xe: {  	[smem:$0x3FB3] =	sst s6  }
0xf: {  	[smem:$0x3FB4] =	sst s7  }
0x10: {  	[smem:$0x3FB5] =	sst s8  }
0x11: {  	[smem:$0x3FB6] =	sst s9;
	s0 =	simm.s32 @!p0 $0x0  }
0x12: {  	s1 =	sld [smem:$0x3F9C];
	s0 =	simm.s32 @p0 $0x1  }
0x13: {  	[smem:$0x3FB7] =	sst s0;
	s0 =	simm.s32 @!p1 $0x0  }
0x14: {  	s2 =	sld [smem:$0x3F9B];
	s0 =	simm.s32 @p1 $0x1  }
0x15: {  	[smem:$0x3FB8] =	sst s0;
	s0 =	simm.s32 @!p2 $0x0  }
0x16: {  	s3 =	sld [smem:$0x3FDB];
	s0 =	simm.s32 @p2 $0x1  }
0x17: {  	s4 =	simm.s32 $0x1BF5;
	[smem:$0x3FBA] =	sst s0  }
0x18: {  	s0 =	sld [smem:$0x3F9D];
	_ =	swait.ge [sflag:s4], $0x0  }
0x19: {  	s7 =	sld [smem:$0x3F9E]  }
0x1a: {  	s8 =	sadd.s32 $0xFFFFE003, lr  }
0x1b: {  	s9 =	sadd.s32 $0xFFFFFEF7, lr;
	s5 =	simm.s32 $0xFFFFFFFF;
	p2 =	slt.u32 s8, $0xFFFFF086  }
0x1c: {  	p1 =	slt.u32 s9, $0xF7A;
	s5 =	simm.s32 @!p2 $0x0  }
0x1d: {  	s5 =	simm.s32 @p1 $0x1;
	p0 =	seq.s32 s7, s2  }
0x1e: {  	s7 =	smul.u32 @!p0 $0xF7A, s2;
	p2 =	seq.s32 @!p0 s5, $0x0  }
0x1f: {  	s9 =	smul.u32 $0xF7A, s1;
	s8 =	simm.s32 @!p0 $0x1BF5;
	p2 =	por !p2, p0  }
0x20: {  	[sflag:s8] =	ssyncset.s32 @!p0 $0xFFFFF086;
	s6 =	sadd.s32 @!p0 s3, s7;
	s7 =	simm.s32 @!p0 $0x108  }
0x21: {  	s3 =	sadd.s32 s3, s9;
	s6 =	sadd.s32 @!p0 $0x88, s6;
	s7 =	simm.s32 @p2 $0x1082  }
0x22: {  	[simem:s7], [sflag:s8] =	dma.local @!p0 [hbm:s6], $0xF7A  }
0x23: {  	s9 =	sor.u32 $0xD0000000, s2;
	s6 =	simm.s32 $0x108;
	_ =	swait.ge @!p0 [sflag:s8], $0x0  }
0x24: {  	s3 =	sadd.s32 $0x88, s3;
	s6 =	simm.s32 @!p1 $0x1082;
	[sflag:s4] =	ssyncset.s32 $0xFFFFF086  }
0x25: {  	[simem:s6], [sflag:s4] =	dma.local [hbm:s3], $0xF7A  }
0x26: {  	[smem:$0x3F9E] =	sst s1;
	(tag) =	ssettag s2;
	_ =	strace s9  }
0x27: {  	s1 =	sld [smem:$0x3FAE]  }
0x28: {  	s2 =	sld [smem:$0x3FAF]  }
0x29: {  	s4 =	sld [smem:$0x3FB1]  }
0x2a: {  	p0 =	seq.s32 s5, $0x0;
	s5 =	sld [smem:$0x3FB2]  }
0x2b: {  	s6 =	sld [smem:$0x3FB3]  }
0x2c: {  	s7 =	sld [smem:$0x3FB4]  }
0x2d: {  	s3 =	simm.s32 $0x108;
	s8 =	sld [smem:$0x3FB5]  }
0x2e: {  	s3 =	simm.s32 @!p0 $0x1082;
	s9 =	sld [smem:$0x3FB6]  }
0x2f: {  	lr =	sadd.s32 s0, s3;
	s0 =	sld [smem:$0x3FAD]  }
0x30: {  	s3 =	sld [smem:$0x3FB0]  }
0x31: {  	[smem:$0x3FB9] =	sst s10  }
0x32: {  	s10 =	sld [smem:$0x3FB7];
	_ =	sdelay $0x3  }
0x33: {  	p0 =	seq.s32 s10, $0x1;
	s10 =	sld [smem:$0x3FB9];
	_ =	sdelay $0x3  }
0x34: {  	[smem:$0x3FB9] =	sst s10  }
0x35: {  	s10 =	sld [smem:$0x3FB8];
	_ =	sdelay $0x3  }
0x36: {  	p1 =	seq.s32 s10, $0x1;
	s10 =	sld [smem:$0x3FB9];
	_ =	sdelay $0x3  }
0x37: {  	[smem:$0x3FB9] =	sst s10  }
0x38: {  	s10 =	sld [smem:$0x3FBA]  }
0x39: {  	_ = 	snop;
	(pc) =	sbr.ind lr, $3  }
0x3a: {  	_ = 	snop  }
0x3b: {  	_ = 	snop  }
0x3c: {  	p2 =	seq.s32 s10, $0x1;
	s10 =	sld [smem:$0x3FB9]  }
0x3d: {  	_ =	shalt  }
0x3e: {  	_ =	shalt  }
0x3f: {  	_ =	shalt  }
0x40: {  	_ =	shalt  }
0x41: {  	_ =	shalt  }
0x42: {  	_ =	shalt  }
0x43: {  	_ =	shalt  }
0x44: {  	_ =	shalt  }
0x45: {  	_ =	shalt  }
0x46: {  	_ =	shalt  }
0x47: {  	_ =	shalt  }
0x48: {  	_ =	shalt  }
0x49: {  	_ =	shalt  }
0x4a: {  	_ =	shalt  }
0x4b: {  	_ =	shalt  }
0x4c: {  	_ =	shalt  }
0x4d: {  	_ =	shalt  }
0x4e: {  	_ =	shalt  }
0x4f: {  	_ =	shalt  }
0x50: {  	_ =	shalt  }
0x51: {  	_ =	shalt  }
0x52: {  	_ =	shalt  }
0x53: {  	_ =	shalt  }
0x54: {  	_ =	shalt  }
0x55: {  	_ =	shalt  }
0x56: {  	_ =	shalt  }
0x57: {  	_ =	shalt  }
0x58: {  	_ =	shalt  }
0x59: {  	_ =	shalt  }
0x5a: {  	_ =	shalt  }
0x5b: {  	_ =	shalt  }
0x5c: {  	_ =	shalt  }
0x5d: {  	_ =	shalt  }
0x5e: {  	_ =	shalt  }
0x5f: {  	_ =	shalt  }
0x60: {  	_ =	shalt  }
0x61: {  	_ =	shalt  }
0x62: {  	_ =	shalt  }
0x63: {  	_ =	shalt  }
0x64: {  	_ =	shalt  }
0x65: {  	_ =	shalt  }
0x66: {  	_ =	shalt  }
0x67: {  	_ =	shalt  }
0x68: {  	_ =	shalt  }
0x69: {  	_ =	shalt  }
0x6a: {  	_ =	shalt  }
0x6b: {  	_ =	shalt  }
0x6c: {  	_ =	shalt  }
0x6d: {  	_ =	shalt  }
0x6e: {  	_ =	shalt  }
0x6f: {  	_ =	shalt  }
0x70: {  	_ =	shalt  }
0x71: {  	_ =	shalt  }
0x72: {  	_ =	shalt  }
0x73: {  	_ =	shalt  }
0x74: {  	_ =	shalt  }
0x75: {  	_ =	shalt  }
0x76: {  	_ =	shalt  }
0x77: {  	_ =	shalt  }
0x78: {  	_ =	shalt  }
0x79: {  	_ =	shalt  }
0x7a: {  	_ =	shalt  }
0x7b: {  	_ =	shalt  }
0x7c: {  	_ =	shalt  }
0x7d: {  	_ =	shalt  }
0x7e: {  	_ =	shalt  }
0x7f: {  	_ =	shalt  }
0x80: {  	_ =	shalt  }
0x81: {  	_ =	shalt  }
0x82: {  	_ =	shalt  }
0x83: {  	_ =	shalt  }
0x84: {  	_ =	shalt  }
0x85: {  	_ =	shalt  }
0x86: {  	_ =	shalt  }
0x87: {  	_ =	shalt  }
.Lfunc_end0:
.L_simem_size_0:
called_computation.2_lowered:
.L_overlay_start_0:
0x88: {  	s2 =	sld [smem:$0x3FD9]  }
0x89: {  	s3 =	sld [smem:$0x3FFE];
	_ =	sdelay $0x1  }
0x8a: {  	s1 =	srdreg.scid  }
0x8b: {  	s0 =	sand.u32 $0x1, s1  }
0x8c: {  	s14 =	sshll.u32 s0, $0xA;
	s2 =	sadd.s32 s3, s2  }
0x8d: {  	s2 =	sadd.s32 s2, s14  }
0x8e: {  	[smem:$0x3FC5] =	sst s2  }
0x8f: {  	_ = 	snop  }
0x90: {  	s2 =	sld [smem:$0x3FD0];
	_ =	sdelay $0x1  }
0x91: {  	s15 =	sld [smem:$0x3FC8]  }
0x92: {  	s5 =	simm.s32 $0xB;
	s6 =	simm.s32 $0x10;
	s4 =	sld [smem:$0x3FC7]  }
0x93: {  	[smem:s6], [sflag:s5] =	dma.local [hbm:s2], $0x1  }
0x94: {  	_ =	swait.eq [sflag:s5], $0x1  }
0x95: {  	[sflag:s5] =	ssyncset.done $0x0  }
0x96: {  	s16 =	sld [smem:$0x10];
	[sflag:s5] =	ssyncadd.s32 $0xFFFFFFFF  }
0x97: {  	s17 =	sld [smem:$0x11];
	(tm) =	ssettm $0x1  }
0x98: {  	s18 =	sld [smem:$0x3FFB];
	_ =	sdelay $0x3  }
0x99: {  	_ =	strace s18  }
0x9a: {  	s6 =	sld [smem:$0x3FFC];
	_ =	sdelay $0x3  }
0x9b: {  	_ =	strace s6  }
0x9c: {  	s6 =	sld [smem:$0x3FFD];
	_ =	sdelay $0x3  }
0x9d: {  	_ =	strace s6  }
0x9e: {  	_ =	strace $0x8FFFFFFF  }
0x9f: {  	s19 =	sld [smem:$0x3FDB];
	_ =	sdelay $0x1  }
0xa0: {  	s7 =	simm.s32 $_scs_section_size  }
0xa1: {  	s8 =	simm.s32 $_size__tile_overlayer_lowered;
	s9 =	simm.s32 $_tile_overlayer_lowered  }
0xa2: {  	s22 =	simm.s32 $0x1BFF;
	s21 =	sshll.u32 s9, $0x1;
	s6 =	sadd.s32 s7, s19  }
0xa3: {  	s10 =	simm.s32 $0x0;
	s20 =	sshll.u32 s8, $0x1;
	s8 =	sadd.s32 s21, s6  }
0xa4: {  	[timem:s10], [sflag:s22] =	dma.local [hbm:s8], s20  }
0xa5: {  	_ =	swait.ge [sflag:s22], s20  }
0xa6: {  	s7 =	ssub.s32 $0x0, s20;
	[sflag:s22] =	ssyncset.done $0x0  }
0xa7: {  	[sflag:s22] =	ssyncadd.s32 s7;
	_ =	sdelay $0x1  }
0xa8: {  	s23 =	simm.s32 $0x1B8B  }
0xa9: {  	_ =	swait.ge [sflag:s23], $0x1  }
0xaa: {  	[sflag:s23] =	ssyncset.done $0x0  }
0xab: {  	s25 =	simm.s32 $0x1B8E;
	s24 =	sld [smem:$0x3FFE];
	[sflag:s23] =	ssyncadd.s32 $0xFFFFFFFF  }
0xac: {  	s26 =	simm.s32 $execute0_lowered;
	[smem:$0x3FD2] =	sst s25  }
0xad: {  	s8 =	sshll.u32 s26, $0x1;
	_ =	strace $0x80000046;
	[dreg:$0x1] =	wrdreg $0xFFFFFFFF  }
0xae: {  	s28 =	simm.s32 $_size_execute0_lowered;
	s6 =	sadd.s32 s6, s8;
	[dreg:$0x0] =	wrdreg $0x0  }
0xaf: {  	s8 =	sshll.u32 s28, $0x1;
	[dreg:$0x2] =	wrdreg s6  }
0xb0: {  	[dreg:$0x3] =	wrdreg s8  }
0xb1: {  	[dreg:$0x4] =	wrdreg $0xC0  }
0xb2: {  	_ =	task [dreg:s10], $0x5FFFF  }
0xb3: {  	[dreg:$0x1] =	wrdreg $0xFFFFFFFF  }
0xb4: {  	[dreg:$0x0] =	wrdreg $0x60  }
0xb5: {  	[dreg:$0x2] =	wrdreg s24  }
0xb6: {  	[dreg:$0x3] =	wrdreg s15  }
0xb7: {  	[dreg:$0x4] =	wrdreg s4  }
0xb8: {  	[dreg:$0x5] =	wrdreg s16  }
0xb9: {  	[dreg:$0x6] =	wrdreg s17  }
0xba: {  	[dreg:$0x7] =	wrdreg $0x9  }
0xbb: {  	_ =	task.clear_ibuf [dreg:s10], $0x8FFFF;
	_ =	strace $0x90000046  }
0xbc: {  	s29 =	simm.s32 $0x9;
	_ =	strace $0x80000048  }
0xbd: {  	_ =	swait.ge [sflag:s29], $0x1  }
0xbe: {  	[sflag:s29] =	ssyncadd.s32 $0xFFFFFFFF  }
0xbf: {  	_ =	strace $0x90000048  }
0xc0: {  	_ =	sfence  }
0xc1: {  	s30 =	sld [smem:$0x0];
	_ =	sdelay $0x2  }
0xc2: {  	s31 =	sshll.u32 s1, $0xD;
	s1 =	sshrl.u32 s1, $0x2  }
0xc3: {  	s3 =	sand.u32 $0x4000, s31;
	s1 =	sadd.s32 s1, s30  }
0xc4: {  	s0 =	sor.u32 s3, s0;
	s1 =	sshll.u32 s1, $0x11  }
0xc5: {  	s0 =	sor.u32 s1, s0  }
0xc6: {  	s0 =	sadd.s32 $0x8F2B, s0  }
0xc7: {  	[sflag:s0] =	ssyncadd.remote.s32 $0x1  }
0xc8: {  	_ =	sfence.sel $0xFFFF  }
0xc9: {  	[dreg:$0x0] =	wrdreg $0xFFFFFFFF;
	(pc) =	sbr.abs _section_cstart, $3  }
0xca: {  	[dreg:$0x1] =	wrdreg $0xFFFFFFFF  }
0xcb: {  	_ =	task.clear_ibuf [dreg:s10], $0x2FFFF;
	_ =	strace $0x9FFFFFFF  }
0xcc: {  	(tm) =	ssettm $0x7FFFFFFF  }
0xcd: {  	_ =	shalt  }
tec
execute0_lowered:
.L_overlay_start_1:
0x0: {  	(tag) =	ssettag $0x1  }
0x1: {  	s3 =	rddreg [dreg:$0x0]  }
0x2: {  	s6 =	rddreg [dreg:$0x1]  }
0x3: {  	s5 =	rddreg [dreg:$0x2]  }
0x4: {  	s7 =	rddreg [dreg:$0x3]  }
0x5: {  	s8 =	rddreg [dreg:$0x4];
	s2 =	srdreg.scid  }
0x6: {  	s1 =	stileid.u32;
	s31 =	simm.s32 $0x400;
	s14 =	simm.s32 $0x1200  }
0x7: {  	s15 =	simm.s32 $0x980;
	s16 =	simm.s32 $0x2200;
	s17 =	simm.s32 $0x1  }
0x8: {  	s18 =	simm.s32 $0x3;
	s19 =	simm.s32 $0x5;
	s20 =	simm.s32 $0x7  }
0x9: {  	s21 =	simm.s32 $0x2;
	s22 =	simm.s32 $0x4;
	s23 =	simm.s32 $0x6  }
0xa: {  	s24 =	simm.s32 $0x8;
	s25 =	simm.s32 $0x0;
	s9 =	smul.u32 $0x19000, s1  }
0xb: {  	s4 =	sand.u32 $0x1, s2;
	s2 =	simm.s32 $0x0;
	s13 =	smul.u32 $0xC800, s1  }
0xc: {  	s3 =	sadd.s32 $0x1000, s3;
	s10 =	ssub.s32 $0x2, s4;
	s11 =	smul.u32 $0xC800, s4  }
0xd: {  	[smem:$0x7FF] =	sst s2;
	s28 =	smul.u32 $0x6400, s4;
	s12 =	sshrl.u32 s10, $0x1  }
0xe: {  	_ =	strace $0x80000047;
	s8 =	sadd.s32 s9, s8;
	s7 =	sadd.s32 s9, s7  }
0xf: {  	[dreg:$0x8] =	wrdreg s31;
	s9 =	simm.s32 $0x800;
	s10 =	ssub.s32 s10, s12  }
0x10: {  	s8 =	sadd.s32 s11, s8;
	s29 =	sadd.s32 s28, s13;
	s7 =	sadd.s32 s11, s7  }
0x11: {  	s11 =	simm.s32 $0x900;
	s12 =	simm.s32 $0x1A00;
	s13 =	simm.s32 $0x880  }
0x12: {  	s4 =	smax.u32 s10, $0x1;
	[dreg:$0x6] =	wrdreg s8;
	s30 =	sshrl.u32 s29, $0x3  }
0x13: {  	[dreg:$0x7] =	wrdreg s7;
	s7 =	simm.s32 $0x9;
	s8 =	simm.s32 $0x80  }
0x14: {  	s10 =	simm.s32 $0xA00;
	s5 =	sadd.s32 s30, s5;
	s6 =	sadd.s32 s30, s6  }
.LBB2_1:
0x15: {  	s26 =	smov.u32 s6;
	s28 =	smov.u32 s5;
	s29 =	simm.s32 $0x0  }
.LBB2_2:
0x16: {  	[tilespmem:s2], [sflag:$0x9] =	stream.linear.gather [hbm4b:s26+s2], $0x400, $0x38;
	[tilespmem:$0x2A00] =	vst v63  }
0x17: {  	_ =	swait.ge [sflag:s7], $0x400  }
0x18: {  	[sflag:s7] =	ssyncset.done $0x0  }
0x19: {  	s30 =	rddreg [dreg:$0x8];
	[sflag:s7] =	ssyncadd.s32 $0xFFFFFC00  }
0x1a: {  	[tilespmem:s30], [sflag:$0x9] =	stream.linear.gather [hbm4b:s28+s2], $0x400, $0x38;
	[tilespmem:$0x2A00] =	vst v63  }
0x1b: {  	_ =	swait.ge [sflag:s7], $0x400  }
0x1c: {  	[sflag:s7] =	ssyncset.done $0x0  }
0x1d: {  	[sflag:s7] =	ssyncadd.s32 $0xFFFFFC00  }
0x1e: {  	v0 =	vld [tilespmem:$0x0]  }
0x1f: {  	v1 =	vld [tilespmem:$0x400]  }
0x20: {  	v2 =	vld [tilespmem:$0x10]  }
0x21: {  	v3 =	vld [tilespmem:$0x410]  }
0x22: {  	v4 =	vld [tilespmem:$0x20]  }
0x23: {  	v54 =	vld [tilespmem:$0x420];
	[tilespmem:$0x800] =	vst v0  }
0x24: {  	v55 =	vld [tilespmem:$0x30];
	[tilespmem:$0x900] =	vst v1  }
0x25: {  	v56 =	vld [tilespmem:$0x430];
	[tilespmem:$0x810] =	vst v2  }
0x26: {  	v57 =	vld [tilespmem:$0x40];
	[tilespmem:$0x910] =	vst v3  }
0x27: {  	v58 =	vld [tilespmem:$0x440];
	[tilespmem:$0x820] =	vst v4  }
0x28: {  	v59 =	vld [tilespmem:$0x50];
	[tilespmem:$0x920] =	vst v54  }
0x29: {  	v60 =	vld [tilespmem:$0x450];
	[tilespmem:$0x830] =	vst v55  }
0x2a: {  	v61 =	vld [tilespmem:$0x60];
	[tilespmem:$0x930] =	vst v56  }
0x2b: {  	v62 =	vld [tilespmem:$0x460];
	[tilespmem:$0x840] =	vst v57  }
0x2c: {  	v63 =	vld [tilespmem:$0x70];
	[tilespmem:$0x940] =	vst v58  }
0x2d: {  	v7 =	vld [tilespmem:$0x470];
	[tilespmem:$0x850] =	vst v59  }
0x2e: {  	[tilespmem:$0x950] =	vst v60  }
0x2f: {  	[tilespmem:$0x860] =	vst v61  }
0x30: {  	[tilespmem:$0x960] =	vst v62  }
0x31: {  	[tilespmem:$0x870] =	vst v63  }
0x32: {  	[tilespmem:$0x970] =	vst v7  }
0x33: {  	[tilespmem:s10], [sflag:$0x1] =	stream.indirect.gather [hbm4b:s3+s8], $0x10, s9, s8, $0xb8;
	[tilespmem:$0x2A00] =	vst v63  }
0x34: {  	_ = 	snop  }
0x35: {  	[tilespmem:s12], [sflag:$0x3] =	stream.indirect.gather [hbm4b:s3+s8], $0x10, s11, s8, $0xb8;
	[tilespmem:$0x2A00] =	vst v63  }
0x36: {  	v8 =	vld [tilespmem:$0x80]  }
0x37: {  	v9 =	vld [tilespmem:$0x480]  }
0x38: {  	v10 =	vld [tilespmem:$0x90]  }
0x39: {  	v11 =	vld [tilespmem:$0x490]  }
0x3a: {  	v12 =	vld [tilespmem:$0xA0]  }
0x3b: {  	v13 =	vld [tilespmem:$0x4A0];
	[tilespmem:$0x880] =	vst v8  }
0x3c: {  	v14 =	vld [tilespmem:$0xB0];
	[tilespmem:$0x980] =	vst v9  }
0x3d: {  	v15 =	vld [tilespmem:$0x4B0];
	[tilespmem:$0x890] =	vst v10  }
0x3e: {  	v16 =	vld [tilespmem:$0xC0];
	[tilespmem:$0x990] =	vst v11  }
0x3f: {  	v17 =	vld [tilespmem:$0x4C0];
	[tilespmem:$0x8A0] =	vst v12  }
0x40: {  	v18 =	vld [tilespmem:$0xD0];
	[tilespmem:$0x9A0] =	vst v13  }
0x41: {  	v19 =	vld [tilespmem:$0x4D0];
	[tilespmem:$0x8B0] =	vst v14  }
0x42: {  	v20 =	vld [tilespmem:$0xE0];
	[tilespmem:$0x9B0] =	vst v15  }
0x43: {  	v21 =	vld [tilespmem:$0x4E0];
	[tilespmem:$0x8C0] =	vst v16  }
0x44: {  	v22 =	vld [tilespmem:$0xF0];
	[tilespmem:$0x9C0] =	vst v17  }
0x45: {  	v23 =	vld [tilespmem:$0x4F0];
	[tilespmem:$0x8D0] =	vst v18  }
0x46: {  	[tilespmem:$0x9D0] =	vst v19  }
0x47: {  	[tilespmem:$0x8E0] =	vst v20  }
0x48: {  	[tilespmem:$0x9E0] =	vst v21  }
0x49: {  	[tilespmem:$0x8F0] =	vst v22  }
0x4a: {  	[tilespmem:$0x9F0] =	vst v23  }
0x4b: {  	[tilespmem:s14], [sflag:$0x2] =	stream.indirect.gather [hbm4b:s3+s8], $0x10, s13, s8, $0xb8;
	[tilespmem:$0x2A00] =	vst v63  }
0x4c: {  	_ = 	snop  }
0x4d: {  	[tilespmem:s16], [sflag:$0x4] =	stream.indirect.gather [hbm4b:s3+s8], $0x10, s15, s8, $0xb8;
	[tilespmem:$0x2A00] =	vst v63  }
0x4e: {  	_ =	swait.ge [sflag:s17], $0x800  }
0x4f: {  	[sflag:s17] =	ssyncset.done $0x0  }
0x50: {  	[sflag:s17] =	ssyncadd.s32 $0xFFFFF800  }
0x51: {  	_ =	swait.ge [sflag:s18], $0x800  }
0x52: {  	s0 =	rddreg [dreg:$0x7];
	[sflag:s18] =	ssyncset.done $0x0  }
0x53: {  	s31 =	rddreg [dreg:$0x6];
	[sflag:s18] =	ssyncadd.s32 $0xFFFFF800;
	s30 =	sadd.s32 s29, s0  }
0x54: {  	[hbm4b:s30+s2] =	stream.linear.scatter [tilespmem:s10], [sflag:$0x5], $0x800, $0x38;
	[tilespmem:$0x2A00] =	vst v63  }
0x55: {  	s31 =	sadd.s32 s29, s31  }
0x56: {  	[hbm4b:s31+s2] =	stream.linear.scatter [tilespmem:s12], [sflag:$0x7], $0x800, $0x38;
	[tilespmem:$0x2A00] =	vst v63  }
0x57: {  	_ =	swait.ge [sflag:s19], $0x800  }
0x58: {  	[sflag:s19] =	ssyncset.done $0x0  }
0x59: {  	[sflag:s19] =	ssyncadd.s32 $0xFFFFF800  }
0x5a: {  	_ =	swait.ge [sflag:s20], $0x800  }
0x5b: {  	[sflag:s20] =	ssyncset.done $0x0  }
0x5c: {  	[sflag:s20] =	ssyncadd.s32 $0xFFFFF800  }
0x5d: {  	v24 =	vld [tilespmem:$0x100]  }
0x5e: {  	v25 =	vld [tilespmem:$0x500]  }
0x5f: {  	v26 =	vld [tilespmem:$0x110]  }
0x60: {  	v27 =	vld [tilespmem:$0x510]  }
0x61: {  	v28 =	vld [tilespmem:$0x120]  }
0x62: {  	v29 =	vld [tilespmem:$0x520];
	[tilespmem:$0x800] =	vst v24  }
0x63: {  	v30 =	vld [tilespmem:$0x130];
	[tilespmem:$0x900] =	vst v25  }
0x64: {  	v31 =	vld [tilespmem:$0x530];
	[tilespmem:$0x810] =	vst v26  }
0x65: {  	v32 =	vld [tilespmem:$0x140];
	[tilespmem:$0x910] =	vst v27  }
0x66: {  	v33 =	vld [tilespmem:$0x540];
	[tilespmem:$0x820] =	vst v28  }
0x67: {  	v34 =	vld [tilespmem:$0x150];
	[tilespmem:$0x920] =	vst v29  }
0x68: {  	v35 =	vld [tilespmem:$0x550];
	[tilespmem:$0x830] =	vst v30  }
0x69: {  	v36 =	vld [tilespmem:$0x160];
	[tilespmem:$0x930] =	vst v31  }
0x6a: {  	v37 =	vld [tilespmem:$0x560];
	[tilespmem:$0x840] =	vst v32  }
0x6b: {  	v38 =	vld [tilespmem:$0x170];
	[tilespmem:$0x940] =	vst v33  }
0x6c: {  	v39 =	vld [tilespmem:$0x570];
	[tilespmem:$0x850] =	vst v34  }
0x6d: {  	[tilespmem:$0x950] =	vst v35  }
0x6e: {  	[tilespmem:$0x860] =	vst v36  }
0x6f: {  	[tilespmem:$0x960] =	vst v37  }
0x70: {  	[tilespmem:$0x870] =	vst v38  }
0x71: {  	[tilespmem:$0x970] =	vst v39  }
0x72: {  	[tilespmem:s10], [sflag:$0x1] =	stream.indirect.gather [hbm4b:s3+s8], $0x10, s9, s8, $0xb8;
	[tilespmem:$0x2A00] =	vst v63  }
0x73: {  	_ = 	snop  }
0x74: {  	[tilespmem:s12], [sflag:$0x3] =	stream.indirect.gather [hbm4b:s3+s8], $0x10, s11, s8, $0xb8;
	[tilespmem:$0x2A00] =	vst v63  }
0x75: {  	_ =	swait.ge [sflag:s21], $0x800  }
0x76: {  	[sflag:s21] =	ssyncset.done $0x0  }
0x77: {  	[sflag:s21] =	ssyncadd.s32 $0xFFFFF800  }
0x78: {  	_ =	swait.ge [sflag:s22], $0x800  }
0x79: {  	[sflag:s22] =	ssyncset.done $0x0  }
0x7a: {  	s0 =	sadd.s32 $0x100, s30;
	[sflag:s22] =	ssyncadd.s32 $0xFFFFF800  }
0x7b: {  	[hbm4b:s0+s2] =	stream.linear.scatter [tilespmem:s14], [sflag:$0x6], $0x800, $0x38;
	[tilespmem:$0x2A00] =	vst v63  }
0x7c: {  	s0 =	sadd.s32 $0x100, s31  }
0x7d: {  	[hbm4b:s0+s2] =	stream.linear.scatter [tilespmem:s16], [sflag:$0x8], $0x800, $0x38;
	[tilespmem:$0x2A00] =	vst v63  }
0x7e: {  	_ =	swait.ge [sflag:s23], $0x800  }
0x7f: {  	[sflag:s23] =	ssyncset.done $0x0  }
0x80: {  	[sflag:s23] =	ssyncadd.s32 $0xFFFFF800  }
0x81: {  	_ =	swait.ge [sflag:s24], $0x800  }
0x82: {  	[sflag:s24] =	ssyncset.done $0x0  }
0x83: {  	[sflag:s24] =	ssyncadd.s32 $0xFFFFF800  }
0x84: {  	v40 =	vld [tilespmem:$0x180]  }
0x85: {  	v41 =	vld [tilespmem:$0x580]  }
0x86: {  	v42 =	vld [tilespmem:$0x190]  }
0x87: {  	v43 =	vld [tilespmem:$0x590]  }
0x88: {  	v44 =	vld [tilespmem:$0x1A0]  }
0x89: {  	v45 =	vld [tilespmem:$0x5A0];
	[tilespmem:$0x880] =	vst v40  }
0x8a: {  	v46 =	vld [tilespmem:$0x1B0];
	[tilespmem:$0x980] =	vst v41  }
0x8b: {  	v47 =	vld [tilespmem:$0x5B0];
	[tilespmem:$0x890] =	vst v42  }
0x8c: {  	v48 =	vld [tilespmem:$0x1C0];
	[tilespmem:$0x990] =	vst v43  }
0x8d: {  	v49 =	vld [tilespmem:$0x5C0];
	[tilespmem:$0x8A0] =	vst v44  }
0x8e: {  	v50 =	vld [tilespmem:$0x1D0];
	[tilespmem:$0x9A0] =	vst v45  }
0x8f: {  	v51 =	vld [tilespmem:$0x5D0];
	[tilespmem:$0x8B0] =	vst v46  }
0x90: {  	v52 =	vld [tilespmem:$0x1E0];
	[tilespmem:$0x9B0] =	vst v47  }
0x91: {  	v53 =	vld [tilespmem:$0x5E0];
	[tilespmem:$0x8C0] =	vst v48  }
0x92: {  	v54 =	vld [tilespmem:$0x1F0];
	[tilespmem:$0x9C0] =	vst v49  }
0x93: {  	v55 =	vld [tilespmem:$0x5F0];
	[tilespmem:$0x8D0] =	vst v50  }
0x94: {  	[tilespmem:$0x9D0] =	vst v51  }
0x95: {  	[tilespmem:$0x8E0] =	vst v52  }
0x96: {  	[tilespmem:$0x9E0] =	vst v53  }
0x97: {  	[tilespmem:$0x8F0] =	vst v54  }
0x98: {  	[tilespmem:$0x9F0] =	vst v55  }
0x99: {  	[tilespmem:s14], [sflag:$0x2] =	stream.indirect.gather [hbm4b:s3+s8], $0x10, s13, s8, $0xb8;
	[tilespmem:$0x2A00] =	vst v63  }
0x9a: {  	_ = 	snop  }
0x9b: {  	[tilespmem:s16], [sflag:$0x4] =	stream.indirect.gather [hbm4b:s3+s8], $0x10, s15, s8, $0xb8;
	[tilespmem:$0x2A00] =	vst v63  }
0x9c: {  	_ =	swait.ge [sflag:s17], $0x800  }
0x9d: {  	[sflag:s17] =	ssyncset.done $0x0  }
0x9e: {  	[sflag:s17] =	ssyncadd.s32 $0xFFFFF800  }
0x9f: {  	_ =	swait.ge [sflag:s18], $0x800  }
0xa0: {  	[sflag:s18] =	ssyncset.done $0x0  }
0xa1: {  	s0 =	sadd.s32 $0x200, s30;
	[sflag:s18] =	ssyncadd.s32 $0xFFFFF800  }
0xa2: {  	[hbm4b:s0+s2] =	stream.linear.scatter [tilespmem:s10], [sflag:$0x5], $0x800, $0x38;
	[tilespmem:$0x2A00] =	vst v63  }
0xa3: {  	s0 =	sadd.s32 $0x200, s31  }
0xa4: {  	[hbm4b:s0+s2] =	stream.linear.scatter [tilespmem:s12], [sflag:$0x7], $0x800, $0x38;
	[tilespmem:$0x2A00] =	vst v63  }
0xa5: {  	_ =	swait.ge [sflag:s19], $0x800  }
0xa6: {  	[sflag:s19] =	ssyncset.done $0x0  }
0xa7: {  	[sflag:s19] =	ssyncadd.s32 $0xFFFFF800  }
0xa8: {  	_ =	swait.ge [sflag:s20], $0x800  }
0xa9: {  	[sflag:s20] =	ssyncset.done $0x0  }
0xaa: {  	[sflag:s20] =	ssyncadd.s32 $0xFFFFF800  }
0xab: {  	v56 =	vld [tilespmem:$0x200]  }
0xac: {  	v57 =	vld [tilespmem:$0x600]  }
0xad: {  	v58 =	vld [tilespmem:$0x210]  }
0xae: {  	v59 =	vld [tilespmem:$0x610]  }
0xaf: {  	v60 =	vld [tilespmem:$0x220]  }
0xb0: {  	v61 =	vld [tilespmem:$0x620];
	[tilespmem:$0x800] =	vst v56  }
0xb1: {  	v62 =	vld [tilespmem:$0x230];
	[tilespmem:$0x900] =	vst v57  }
0xb2: {  	v63 =	vld [tilespmem:$0x630];
	[tilespmem:$0x810] =	vst v58  }
0xb3: {  	v8 =	vld [tilespmem:$0x240];
	[tilespmem:$0x910] =	vst v59  }
0xb4: {  	v9 =	vld [tilespmem:$0x640];
	[tilespmem:$0x820] =	vst v60  }
0xb5: {  	v10 =	vld [tilespmem:$0x250];
	[tilespmem:$0x920] =	vst v61  }
0xb6: {  	v11 =	vld [tilespmem:$0x650];
	[tilespmem:$0x830] =	vst v62  }
0xb7: {  	v12 =	vld [tilespmem:$0x260];
	[tilespmem:$0x930] =	vst v63  }
0xb8: {  	v13 =	vld [tilespmem:$0x660];
	[tilespmem:$0x840] =	vst v8  }
0xb9: {  	v14 =	vld [tilespmem:$0x270];
	[tilespmem:$0x940] =	vst v9  }
0xba: {  	v15 =	vld [tilespmem:$0x670];
	[tilespmem:$0x850] =	vst v10  }
0xbb: {  	[tilespmem:$0x950] =	vst v11  }
0xbc: {  	[tilespmem:$0x860] =	vst v12  }
0xbd: {  	[tilespmem:$0x960] =	vst v13  }
0xbe: {  	[tilespmem:$0x870] =	vst v14  }
0xbf: {  	[tilespmem:$0x970] =	vst v15  }
0xc0: {  	[tilespmem:s10], [sflag:$0x1] =	stream.indirect.gather [hbm4b:s3+s8], $0x10, s9, s8, $0xb8;
	[tilespmem:$0x2A00] =	vst v63  }
0xc1: {  	_ = 	snop  }
0xc2: {  	[tilespmem:s12], [sflag:$0x3] =	stream.indirect.gather [hbm4b:s3+s8], $0x10, s11, s8, $0xb8;
	[tilespmem:$0x2A00] =	vst v63  }
0xc3: {  	_ =	swait.ge [sflag:s21], $0x800  }
0xc4: {  	[sflag:s21] =	ssyncset.done $0x0  }
0xc5: {  	[sflag:s21] =	ssyncadd.s32 $0xFFFFF800  }
0xc6: {  	_ =	swait.ge [sflag:s22], $0x800  }
0xc7: {  	[sflag:s22] =	ssyncset.done $0x0  }
0xc8: {  	s0 =	sadd.s32 $0x300, s30;
	[sflag:s22] =	ssyncadd.s32 $0xFFFFF800  }
0xc9: {  	[hbm4b:s0+s2] =	stream.linear.scatter [tilespmem:s14], [sflag:$0x6], $0x800, $0x38;
	[tilespmem:$0x2A00] =	vst v63  }
0xca: {  	s0 =	sadd.s32 $0x300, s31  }
0xcb: {  	[hbm4b:s0+s2] =	stream.linear.scatter [tilespmem:s16], [sflag:$0x8], $0x800, $0x38;
	[tilespmem:$0x2A00] =	vst v63  }
0xcc: {  	_ =	swait.ge [sflag:s23], $0x800  }
0xcd: {  	[sflag:s23] =	ssyncset.done $0x0  }
0xce: {  	[sflag:s23] =	ssyncadd.s32 $0xFFFFF800  }
0xcf: {  	_ =	swait.ge [sflag:s24], $0x800  }
0xd0: {  	[sflag:s24] =	ssyncset.done $0x0  }
0xd1: {  	[sflag:s24] =	ssyncadd.s32 $0xFFFFF800  }
0xd2: {  	v16 =	vld [tilespmem:$0x280]  }
0xd3: {  	v17 =	vld [tilespmem:$0x680]  }
0xd4: {  	v18 =	vld [tilespmem:$0x290]  }
0xd5: {  	v19 =	vld [tilespmem:$0x690]  }
0xd6: {  	v20 =	vld [tilespmem:$0x2A0]  }
0xd7: {  	v21 =	vld [tilespmem:$0x6A0];
	[tilespmem:$0x880] =	vst v16  }
0xd8: {  	v22 =	vld [tilespmem:$0x2B0];
	[tilespmem:$0x980] =	vst v17  }
0xd9: {  	v23 =	vld [tilespmem:$0x6B0];
	[tilespmem:$0x890] =	vst v18  }
0xda: {  	v24 =	vld [tilespmem:$0x2C0];
	[tilespmem:$0x990] =	vst v19  }
0xdb: {  	v25 =	vld [tilespmem:$0x6C0];
	[tilespmem:$0x8A0] =	vst v20  }
0xdc: {  	v26 =	vld [tilespmem:$0x2D0];
	[tilespmem:$0x9A0] =	vst v21  }
0xdd: {  	v27 =	vld [tilespmem:$0x6D0];
	[tilespmem:$0x8B0] =	vst v22  }
0xde: {  	v28 =	vld [tilespmem:$0x2E0];
	[tilespmem:$0x9B0] =	vst v23  }
0xdf: {  	v29 =	vld [tilespmem:$0x6E0];
	[tilespmem:$0x8C0] =	vst v24  }
0xe0: {  	v30 =	vld [tilespmem:$0x2F0];
	[tilespmem:$0x9C0] =	vst v25  }
0xe1: {  	v31 =	vld [tilespmem:$0x6F0];
	[tilespmem:$0x8D0] =	vst v26  }
0xe2: {  	[tilespmem:$0x9D0] =	vst v27  }
0xe3: {  	[tilespmem:$0x8E0] =	vst v28  }
0xe4: {  	[tilespmem:$0x9E0] =	vst v29  }
0xe5: {  	[tilespmem:$0x8F0] =	vst v30  }
0xe6: {  	[tilespmem:$0x9F0] =	vst v31  }
0xe7: {  	[tilespmem:s14], [sflag:$0x2] =	stream.indirect.gather [hbm4b:s3+s8], $0x10, s13, s8, $0xb8;
	[tilespmem:$0x2A00] =	vst v63  }
0xe8: {  	_ = 	snop  }
0xe9: {  	[tilespmem:s16], [sflag:$0x4] =	stream.indirect.gather [hbm4b:s3+s8], $0x10, s15, s8, $0xb8;
	[tilespmem:$0x2A00] =	vst v63  }
0xea: {  	_ =	swait.ge [sflag:s17], $0x800  }
0xeb: {  	[sflag:s17] =	ssyncset.done $0x0  }
0xec: {  	[sflag:s17] =	ssyncadd.s32 $0xFFFFF800  }
0xed: {  	_ =	swait.ge [sflag:s18], $0x800  }
0xee: {  	[sflag:s18] =	ssyncset.done $0x0  }
0xef: {  	s0 =	sadd.s32 $0x400, s30;
	[sflag:s18] =	ssyncadd.s32 $0xFFFFF800  }
0xf0: {  	[hbm4b:s0+s2] =	stream.linear.scatter [tilespmem:s10], [sflag:$0x5], $0x800, $0x38;
	[tilespmem:$0x2A00] =	vst v63  }
0xf1: {  	s0 =	sadd.s32 $0x400, s31  }
0xf2: {  	[hbm4b:s0+s2] =	stream.linear.scatter [tilespmem:s12], [sflag:$0x7], $0x800, $0x38;
	[tilespmem:$0x2A00] =	vst v63  }
0xf3: {  	_ =	swait.ge [sflag:s19], $0x800  }
0xf4: {  	[sflag:s19] =	ssyncset.done $0x0  }
0xf5: {  	[sflag:s19] =	ssyncadd.s32 $0xFFFFF800  }
0xf6: {  	_ =	swait.ge [sflag:s20], $0x800  }
0xf7: {  	[sflag:s20] =	ssyncset.done $0x0  }
0xf8: {  	[sflag:s20] =	ssyncadd.s32 $0xFFFFF800  }
0xf9: {  	v32 =	vld [tilespmem:$0x300]  }
0xfa: {  	v33 =	vld [tilespmem:$0x700]  }
0xfb: {  	v34 =	vld [tilespmem:$0x310]  }
0xfc: {  	v35 =	vld [tilespmem:$0x710]  }
0xfd: {  	v36 =	vld [tilespmem:$0x320]  }
0xfe: {  	v37 =	vld [tilespmem:$0x720];
	[tilespmem:$0x800] =	vst v32  }
0xff: {  	v38 =	vld [tilespmem:$0x330];
	[tilespmem:$0x900] =	vst v33  }
0x100: {  	v39 =	vld [tilespmem:$0x730];
	[tilespmem:$0x810] =	vst v34  }
0x101: {  	v40 =	vld [tilespmem:$0x340];
	[tilespmem:$0x910] =	vst v35  }
0x102: {  	v41 =	vld [tilespmem:$0x740];
	[tilespmem:$0x820] =	vst v36  }
0x103: {  	v42 =	vld [tilespmem:$0x350];
	[tilespmem:$0x920] =	vst v37  }
0x104: {  	v43 =	vld [tilespmem:$0x750];
	[tilespmem:$0x830] =	vst v38  }
0x105: {  	v44 =	vld [tilespmem:$0x360];
	[tilespmem:$0x930] =	vst v39  }
0x106: {  	v45 =	vld [tilespmem:$0x760];
	[tilespmem:$0x840] =	vst v40  }
0x107: {  	v46 =	vld [tilespmem:$0x370];
	[tilespmem:$0x940] =	vst v41  }
0x108: {  	v47 =	vld [tilespmem:$0x770];
	[tilespmem:$0x850] =	vst v42  }
0x109: {  	[tilespmem:$0x950] =	vst v43  }
0x10a: {  	[tilespmem:$0x860] =	vst v44  }
0x10b: {  	[tilespmem:$0x960] =	vst v45  }
0x10c: {  	[tilespmem:$0x870] =	vst v46  }
0x10d: {  	[tilespmem:$0x970] =	vst v47  }
0x10e: {  	[tilespmem:s10], [sflag:$0x1] =	stream.indirect.gather [hbm4b:s3+s8], $0x10, s9, s8, $0xb8;
	[tilespmem:$0x2A00] =	vst v63  }
0x10f: {  	_ = 	snop  }
0x110: {  	[tilespmem:s12], [sflag:$0x3] =	stream.indirect.gather [hbm4b:s3+s8], $0x10, s11, s8, $0xb8;
	[tilespmem:$0x2A00] =	vst v63  }
0x111: {  	_ =	swait.ge [sflag:s21], $0x800  }
0x112: {  	[sflag:s21] =	ssyncset.done $0x0  }
0x113: {  	[sflag:s21] =	ssyncadd.s32 $0xFFFFF800  }
0x114: {  	_ =	swait.ge [sflag:s22], $0x800  }
0x115: {  	[sflag:s22] =	ssyncset.done $0x0  }
0x116: {  	s0 =	sadd.s32 $0x500, s30;
	[sflag:s22] =	ssyncadd.s32 $0xFFFFF800  }
0x117: {  	[hbm4b:s0+s2] =	stream.linear.scatter [tilespmem:s14], [sflag:$0x6], $0x800, $0x38;
	[tilespmem:$0x2A00] =	vst v63  }
0x118: {  	s0 =	sadd.s32 $0x500, s31  }
0x119: {  	[hbm4b:s0+s2] =	stream.linear.scatter [tilespmem:s16], [sflag:$0x8], $0x800, $0x38;
	[tilespmem:$0x2A00] =	vst v63  }
0x11a: {  	_ =	swait.ge [sflag:s23], $0x800  }
0x11b: {  	[sflag:s23] =	ssyncset.done $0x0  }
0x11c: {  	[sflag:s23] =	ssyncadd.s32 $0xFFFFF800  }
0x11d: {  	_ =	swait.ge [sflag:s24], $0x800  }
0x11e: {  	[sflag:s24] =	ssyncset.done $0x0  }
0x11f: {  	[sflag:s24] =	ssyncadd.s32 $0xFFFFF800  }
0x120: {  	v48 =	vld [tilespmem:$0x380]  }
0x121: {  	v49 =	vld [tilespmem:$0x780]  }
0x122: {  	v50 =	vld [tilespmem:$0x390]  }
0x123: {  	v51 =	vld [tilespmem:$0x790]  }
0x124: {  	v52 =	vld [tilespmem:$0x3A0]  }
0x125: {  	v53 =	vld [tilespmem:$0x7A0];
	[tilespmem:$0x880] =	vst v48  }
0x126: {  	v54 =	vld [tilespmem:$0x3B0];
	[tilespmem:$0x980] =	vst v49  }
0x127: {  	v55 =	vld [tilespmem:$0x7B0];
	[tilespmem:$0x890] =	vst v50  }
0x128: {  	v56 =	vld [tilespmem:$0x3C0];
	[tilespmem:$0x990] =	vst v51  }
0x129: {  	v57 =	vld [tilespmem:$0x7C0];
	[tilespmem:$0x8A0] =	vst v52  }
0x12a: {  	v58 =	vld [tilespmem:$0x3D0];
	[tilespmem:$0x9A0] =	vst v53  }
0x12b: {  	v59 =	vld [tilespmem:$0x7D0];
	[tilespmem:$0x8B0] =	vst v54  }
0x12c: {  	v60 =	vld [tilespmem:$0x3E0];
	[tilespmem:$0x9B0] =	vst v55  }
0x12d: {  	v61 =	vld [tilespmem:$0x7E0];
	[tilespmem:$0x8C0] =	vst v56  }
0x12e: {  	v62 =	vld [tilespmem:$0x3F0];
	[tilespmem:$0x9C0] =	vst v57  }
0x12f: {  	v63 =	vld [tilespmem:$0x7F0];
	[tilespmem:$0x8D0] =	vst v58  }
0x130: {  	[tilespmem:$0x9D0] =	vst v59  }
0x131: {  	[tilespmem:$0x8E0] =	vst v60  }
0x132: {  	[tilespmem:$0x9E0] =	vst v61  }
0x133: {  	[tilespmem:$0x8F0] =	vst v62  }
0x134: {  	[tilespmem:$0x9F0] =	vst v63  }
0x135: {  	[tilespmem:s14], [sflag:$0x2] =	stream.indirect.gather [hbm4b:s3+s8], $0x10, s13, s8, $0xb8;
	[tilespmem:$0x2A00] =	vst v63  }
0x136: {  	_ = 	snop  }
0x137: {  	[tilespmem:s16], [sflag:$0x4] =	stream.indirect.gather [hbm4b:s3+s8], $0x10, s15, s8, $0xb8;
	[tilespmem:$0x2A00] =	vst v63  }
0x138: {  	_ =	swait.ge [sflag:s17], $0x800  }
0x139: {  	[sflag:s17] =	ssyncset.done $0x0  }
0x13a: {  	[sflag:s17] =	ssyncadd.s32 $0xFFFFF800  }
0x13b: {  	_ =	swait.ge [sflag:s18], $0x800  }
0x13c: {  	[sflag:s18] =	ssyncset.done $0x0  }
0x13d: {  	s0 =	sadd.s32 $0x600, s30;
	[sflag:s18] =	ssyncadd.s32 $0xFFFFF800  }
0x13e: {  	[hbm4b:s0+s2] =	stream.linear.scatter [tilespmem:s10], [sflag:$0x5], $0x800, $0x38;
	[tilespmem:$0x2A00] =	vst v63  }
0x13f: {  	s0 =	sadd.s32 $0x600, s31  }
0x140: {  	[hbm4b:s0+s2] =	stream.linear.scatter [tilespmem:s12], [sflag:$0x7], $0x800, $0x38;
	[tilespmem:$0x2A00] =	vst v63  }
0x141: {  	_ =	swait.ge [sflag:s21], $0x800  }
0x142: {  	[sflag:s21] =	ssyncset.done $0x0  }
0x143: {  	[sflag:s21] =	ssyncadd.s32 $0xFFFFF800  }
0x144: {  	_ =	swait.ge [sflag:s22], $0x800  }
0x145: {  	[sflag:s22] =	ssyncset.done $0x0  }
0x146: {  	s30 =	sadd.s32 $0x700, s30;
	[sflag:s22] =	ssyncadd.s32 $0xFFFFF800  }
0x147: {  	[hbm4b:s30+s2] =	stream.linear.scatter [tilespmem:s14], [sflag:$0x6], $0x800, $0x38;
	[tilespmem:$0x2A00] =	vst v63  }
0x148: {  	s31 =	sadd.s32 $0x700, s31  }
0x149: {  	[hbm4b:s31+s2] =	stream.linear.scatter [tilespmem:s16], [sflag:$0x8], $0x800, $0x38;
	[tilespmem:$0x2A00] =	vst v63  }
0x14a: {  	_ =	swait.ge [sflag:s19], $0x800  }
0x14b: {  	[sflag:s19] =	ssyncset.done $0x0  }
0x14c: {  	[sflag:s19] =	ssyncadd.s32 $0xFFFFF800  }
0x14d: {  	_ =	swait.ge [sflag:s20], $0x800  }
0x14e: {  	[sflag:s20] =	ssyncset.done $0x0  }
0x14f: {  	[sflag:s20] =	ssyncadd.s32 $0xFFFFF800  }
0x150: {  	p0 =	sne.s32 s29, $0xC000;
	_ =	swait.ge [sflag:s23], $0x800  }
.Ltmp0:
0x151: {  	[sflag:s23] =	ssyncset.done $0x0;
	(pc) =	sbr.rel @p0 .LBB2_2-.Ltmp0, $4  }
0x152: {  	[sflag:s23] =	ssyncadd.s32 $0xFFFFF800  }
0x153: {  	_ =	swait.ge [sflag:s24], $0x800  }
0x154: {  	s26 =	sadd.s32 $0x80, s26;
	[sflag:s24] =	ssyncset.done $0x0  }
0x155: {  	s28 =	sadd.s32 $0x80, s28;
	s29 =	sadd.s32 $0x800, s29;
	[sflag:s24] =	ssyncadd.s32 $0xFFFFF800  }
0x156: {  	s25 =	sadd.s32 $0x1, s25  }
0x157: {  	p0 =	sne.s32 s25, s4  }
.Ltmp1:
0x158: {  	_ = 	snop;
	(pc) =	sbr.rel @p0 .LBB2_1-.Ltmp1, $1  }
0x159: {  	_ =	sdelay $0x3  }
0x15a: {  	_ =	sfence.sel $0x180000  }
0x15b: {  	[bflag:$0x0] =	sbarrier.arrive $0xFFFF  }
0x15c: {  	_ =	strace $0x90000047  }
0x15d: {  	[bflag:$0x2] =	sbarrier.arrive $0xFFFF  }
0x15e: {  	p0 =	sne.s32 s1, $0x0;
	s0 =	rddreg [dreg:$0x5]  }
0x15f: {  	s0 =	sadd.s32 @!p0 $0x100000, s0  }
0x160: {  	[sflag:s0] =	ssyncadd.tile.s32 @!p0 $0x1;
	_ =	shalt  }
.Lfunc_end2:
_tile_overlayer_lowered:
.L_overlay_start_2:
0x161: {  	(tag) =	ssettag $0x2  }
0x162: {  	s0 =	rddreg [dreg:$0x0];
	s2 =	stileid.u32  }
0x163: {  	s1 =	rddreg [dreg:$0x1];
	p0 =	sne.s32 s2, $0x0  }
0x164: {  	s3 =	rddreg [dreg:$0x2];
	[bflag:$0x3] =	sbarrier.arrive $0xFFFF;
	s2 =	simm.s32 @!p0 $0x1C09  }
0x165: {  	[timem:s3], [sflag:s2] =	dma.local @!p0 [hbm:s0], s1  }
0x166: {  	s0 =	simm.s32 @!p0 $0x9  }
0x167: {  	_ =	swait.ge @!p0 [sflag:s0], s1  }
0x168: {  	s1 =	ssub.s32 @!p0 $0x0, s1;
	[sflag:s0] =	ssyncset.done @!p0 $0x0  }
0x169: {  	[sflag:s0] =	ssyncadd.s32 @!p0 s1  }
0x16a: {  	[bflag:$0x3] =	sbarrier.arrive $0xFFFF  }
0x16b: {  	_ =	shalt  }

// kernel: sparse-core-data-format-call.1.cloned.1.call-start
scs
called_computation.1_lowered:
.L_overlay_start_0:
0x0: {  	s2 =	sld [smem:$0x3FD9]  }
0x1: {  	s3 =	sld [smem:$0x3FFE];
	_ =	sdelay $0x1  }
0x2: {  	s1 =	srdreg.scid  }
0x3: {  	s0 =	sand.u32 $0x1, s1  }
0x4: {  	s16 =	sshll.u32 s0, $0xA;
	s2 =	sadd.s32 s3, s2  }
0x5: {  	s2 =	sadd.s32 s2, s16  }
0x6: {  	[smem:$0x3FC5] =	sst s2  }
0x7: {  	_ = 	snop  }
0x8: {  	s2 =	sld [smem:$0x3FD0];
	_ =	sdelay $0x2  }
0x9: {  	s17 =	simm.s32 $0xB;
	s4 =	simm.s32 $0x10  }
0xa: {  	[smem:s4], [sflag:s17] =	dma.local [hbm:s2], $0x1  }
0xb: {  	_ =	swait.eq [sflag:s17], $0x1  }
0xc: {  	[sflag:s17] =	ssyncset.done $0x0  }
0xd: {  	[sflag:s17] =	ssyncadd.s32 $0xFFFFFFFF  }
0xe: {  	s18 =	sld [smem:$0x10];
	(tm) =	ssettm $0x1  }
0xf: {  	s19 =	sld [smem:$0x3FFB];
	_ =	sdelay $0x3  }
0x10: {  	_ =	strace s19  }
0x11: {  	s2 =	sld [smem:$0x3FFC];
	_ =	sdelay $0x3  }
0x12: {  	_ =	strace s2  }
0x13: {  	s2 =	sld [smem:$0x3FFD];
	_ =	sdelay $0x3  }
0x14: {  	_ =	strace s2  }
0x15: {  	_ =	strace $0x8FFFFFFF  }
0x16: {  	s20 =	sld [smem:$0x3FDB];
	_ =	sdelay $0x1  }
0x17: {  	s21 =	simm.s32 $_scs_section_size  }
0x18: {  	s5 =	simm.s32 $_size__tile_overlayer_lowered;
	s6 =	simm.s32 $_tile_overlayer_lowered  }
0x19: {  	s7 =	simm.s32 $0x1BFF;
	s22 =	sshll.u32 s6, $0x1;
	s4 =	sadd.s32 s21, s20  }
0x1a: {  	s23 =	simm.s32 $0x0;
	s5 =	sshll.u32 s5, $0x1;
	s6 =	sadd.s32 s22, s4  }
0x1b: {  	[timem:s23], [sflag:s7] =	dma.local [hbm:s6], s5  }
0x1c: {  	_ =	swait.ge [sflag:s7], s5  }
0x1d: {  	s5 =	ssub.s32 $0x0, s5;
	[sflag:s7] =	ssyncset.done $0x0  }
0x1e: {  	[sflag:s7] =	ssyncadd.s32 s5;
	_ =	sdelay $0x1  }
0x1f: {  	s24 =	simm.s32 $0x1B8B  }
0x20: {  	_ =	swait.ge [sflag:s24], $0x1  }
0x21: {  	[sflag:s24] =	ssyncset.done $0x0  }
0x22: {  	[sflag:s24] =	ssyncadd.s32 $0xFFFFFFFF  }
0x23: {  	s5 =	sld [smem:$0x0]  }
0x24: {  	s6 =	sand.u32 $0xFFFFFFFE, s1  }
0x25: {  	p0 =	sne.s32 s1, s6  }
0x26: {  	s6 =	sshll.u32 @p0 s6, $0xE  }
0x27: {  	s6 =	sadd.s32 @p0 $0x11B8D, s6;
	s7 =	sshll.u32 @p0 s5, $0x11  }
0x28: {  	s6 =	sor.u32 @p0 s7, s6  }
0x29: {  	[sflag:s6] =	ssyncadd.remote.s32 @p0 $0x1;
	_ =	sdelay $0x1  }
0x2a: {  	s6 =	simm.s32 @p0 $0x1B8D  }
0x2b: {  	_ =	swait.eq @p0 [sflag:s6], $0x1  }
0x2c: {  	[sflag:s6] =	ssyncadd.s32 @p0 $0xFFFFFFFF  }
0x2d: {  	s7 =	sshll.u32 @!p0 s1, $0xE  }
0x2e: {  	s7 =	sor.u32 @!p0 $0x4000, s7;
	s6 =	simm.s32 @!p0 $0x1B8D  }
0x2f: {  	s5 =	sshll.u32 @!p0 s5, $0x11;
	s7 =	sadd.s32 @!p0 $0x11B8D, s7;
	_ =	swait.eq @!p0 [sflag:s6], $0x1  }
0x30: {  	s5 =	sor.u32 @!p0 s5, s7;
	[sflag:s6] =	ssyncadd.s32 @!p0 $0xFFFFFFFF  }
0x31: {  	s26 =	simm.s32 $0x1B8E;
	s25 =	sld [smem:$0x3FFE];
	[sflag:s5] =	ssyncadd.remote.s32 @!p0 $0x1  }
0x32: {  	s27 =	simm.s32 $execute0_lowered;
	[smem:$0x3FD2] =	sst s26  }
0x33: {  	s6 =	sshll.u32 s27, $0x1;
	_ =	strace $0x8000004C;
	[dreg:$0x1] =	wrdreg $0xFFFFFFFF  }
0x34: {  	s28 =	simm.s32 $_size_execute0_lowered;
	s4 =	sadd.s32 s4, s6;
	[dreg:$0x0] =	wrdreg $0x0  }
0x35: {  	s6 =	sshll.u32 s28, $0x1;
	[dreg:$0x2] =	wrdreg s4  }
0x36: {  	[dreg:$0x3] =	wrdreg s6  }
0x37: {  	[dreg:$0x4] =	wrdreg $0xC0  }
0x38: {  	_ =	task [dreg:s23], $0x5FFFF  }
0x39: {  	[dreg:$0x1] =	wrdreg $0xFFFFFFFF  }
0x3a: {  	[dreg:$0x0] =	wrdreg $0x60  }
0x3b: {  	[dreg:$0x2] =	wrdreg s25  }
0x3c: {  	[dreg:$0x3] =	wrdreg s18  }
0x3d: {  	[dreg:$0x4] =	wrdreg $0xA  }
0x3e: {  	_ =	task.clear_ibuf [dreg:s23], $0x5FFFF;
	_ =	strace $0x9000004C  }
0x3f: {  	s29 =	simm.s32 $0xA;
	_ =	strace $0x8000004E  }
0x40: {  	_ =	swait.ge [sflag:s29], $0x1  }
0x41: {  	[sflag:s29] =	ssyncadd.s32 $0xFFFFFFFF  }
0x42: {  	_ =	strace $0x9000004E  }
0x43: {  	_ =	sfence  }
0x44: {  	s30 =	sld [smem:$0x0];
	_ =	sdelay $0x2  }
0x45: {  	s31 =	sshll.u32 s1, $0xD;
	s1 =	sshrl.u32 s1, $0x2  }
0x46: {  	s4 =	sand.u32 $0x4000, s31;
	s1 =	sadd.s32 s1, s30  }
0x47: {  	s0 =	sor.u32 s4, s0;
	s1 =	sshll.u32 s1, $0x11  }
0x48: {  	s0 =	sor.u32 s1, s0  }
0x49: {  	s0 =	sadd.s32 $0x8F2B, s0  }
0x4a: {  	[sflag:s0] =	ssyncadd.remote.s32 $0x1  }
0x4b: {  	_ =	sfence.sel $0xFFFF  }
0x4c: {  	[dreg:$0x0] =	wrdreg $0xFFFFFFFF;
	(pc) =	sbr.abs _section_cstart, $3  }
0x4d: {  	[dreg:$0x1] =	wrdreg $0xFFFFFFFF  }
0x4e: {  	_ =	task.clear_ibuf [dreg:s23], $0x2FFFF;
	_ =	strace $0x9FFFFFFF  }
0x4f: {  	(tm) =	ssettm $0x7FFFFFFF  }
tec
execute0_lowered:
.L_overlay_start_1:
0x0: {  	(tag) =	ssettag $0x1  }
0x1: {  	s0 =	srdreg.scid  }
0x2: {  	s1 =	sshll.u32 s0, $0x4  }
0x3: {  	s4 =	rddreg [dreg:$0x0];
	s0 =	stileid.u32;
	s1 =	sand.u32 $0x10, s1  }
0x4: {  	s2 =	rddreg [dreg:$0x1];
	s7 =	simm.s32 $0x1;
	s1 =	sor.u32 s0, s1  }
0x5: {  	s8 =	simm.s32 $0x2;
	s11 =	simm.s32 $0x0;
	s3 =	sshll.u32 s1, $0x7  }
0x6: {  	s10 =	simm.s32 $0x0;
	s4 =	sadd.s32 $0xC81000, s4;
	s6 =	ssub.s32 $0xC8000, s3  }
.Ltmp0:
0x7: {  	s1 =	rddreg [dreg:$0x2];
	s5 =	sand.u32 $0xF80, s6;
	(pc) =	sbr.rel .LBB1_1-.Ltmp0, $4  }
0x8: {  	_ =	strace $0x8000004D;
	s9 =	smov.u32 s3;
	p0 =	sne.s32 s5, $0x0  }
0x9: {  	s6 =	sshrl.u32 s6, $0xC;
	s5 =	simm.s32 $0x1;
	s7 =	simm.s32 @!p0 $0x0  }
0xa: {  	[sflag:s5] =	ssyncpa.u1 $0x0;
	p0 =	por $0x0, $0x0;
	s6 =	sadd.s32 s7, s6  }
0xb: {  	[sflag:s8] =	ssyncpa.u1 $0x0;
	s8 =	simm.s32 $0x640000;
	s7 =	sadd.s32 $0x1, s6  }
.LBB1_4:
0xc: {  	s14 =	sshll.u32 s11, $0x3  }
0xd: {  	s30 =	sand.u32 $0x7F, s11;
	s15 =	sand.u32 $0xFFFFFC00, s14  }
0xe: {  	s11 =	sor.u32 s30, s15  }
0xf: {  	s15 =	smulhi.u32 $0x51EB851F, s11  }
0x10: {  	s14 =	smulhi.u32 $0x51EB851F, s14  }
0x11: {  	s15 =	sshrl.u32 s15, $0x12  }
0x12: {  	s14 =	sshrl.u32 s14, $0x12;
	s15 =	smul.u32 $0xC8000, s15  }
0x13: {  	[tilespmem:s12+$0xFFFFFFFC ss:$0x81] =	vst.msk $0xffff, v1;
	s14 =	sand.u32 $0xF, s14  }
0x14: {  	[tilespmem:s12+$0xFFFFFFFD ss:$0x81] =	vst.msk $0xffff, v2;
	s14 =	smul.u32 $0x19000, s14;
	s11 =	ssub.s32 s11, s15  }
0x15: {  	[tilespmem:s12+$0xFFFFFFFE ss:$0x81] =	vst.msk $0xffff, v0;
	s15 =	sand.u32 $0x7, s11  }
0x16: {  	[tilespmem:s12+$0xFFFFFFFF ss:$0x81] =	vst.msk $0xffff, v4;
	s14 =	sadd.s32 s2, s14;
	s11 =	sshrl.u32 s11, $0x3;
	s15 =	sshll.u32 s15, $0x12  }
0x17: {  	[tilespmem:s12+$0xFFFFFFF9 ss:$0x81] =	vst.msk $0xffff, v3;
	s11 =	sadd.s32 s11, s14;
	s31 =	sor.u32 $0x400, s15  }
0x18: {  	[hbm4b:s11+s31] =	stream.strided.scatter [tilespmem:s13], [sflag:$0x2], $0x800, s8, s31, $0x20;
	[tilespmem:$0x2020] =	vst v63  }
.LBB1_5:
0x19: {  	s13 =	sadd.s32 $0x1000, s9  }
0x1a: {  	p2 =	sgt.s32 s13, $0xC7FFF  }
0x1b: {  	s13 =	smov.u32 @p2 s3;
	p2 =	sne.s32 s10, s7  }
.Ltmp1:
0x1c: {  	p1 =	slt.u32 s10, $0x2;
	(pc) =	sbr.rel @!p2 .LBB1_6-.Ltmp1, $4  }
0x1d: {  	s12 =	simm.s32 @!p1 $0x2  }
0x1e: {  	s14 =	sadd.s32 $0x1, s10;
	_ =	swait.ge @!p1 [sflag:s12], $0x800  }
0x1f: {  	s11 =	smov.u32 s9;
	p0 =	por !p0, !p0;
	[sflag:s12] =	ssyncset.done @!p1 $0x0  }
0x20: {  	s10 =	smov.u32 s14;
	s9 =	smov.u32 s13;
	[sflag:s12] =	ssyncadd.s32 @!p1 $0xFFFFF800  }
.LBB1_1:
0x21: {  	p1 =	sge.u32 s10, s6  }
0x22: {  	s12 =	sand.u32 @!p1 $0x1FFFFFF, s9  }
0x23: {  	s13 =	smulhi.u32 @!p1 $0x147AE15, s12;
	_ =	sdelay $0x1  }
0x24: {  	s13 =	sshrl.u32 @!p1 s13, $0xC  }
0x25: {  	s13 =	smul.u32 @!p1 $0xC8000, s13;
	_ =	sdelay $0x1  }
0x26: {  	s31 =	sadd.s32 $0xFFFFFFFF, s10;
	s14 =	sxor.u32 @!p1 $0xFFFFFFFF, s10;
	s12 =	ssub.s32 @!p1 s12, s13  }
0x27: {  	s15 =	simm.s32 @!p1 $0x80;
	s14 =	sshll.u32 @!p1 s14, $0xB;
	s12 =	sshll.u32 @!p1 s12, $0x4  }
0x28: {  	s13 =	sand.u32 @!p1 $0x800, s14;
	s14 =	simm.s32 @!p1 $0x10;
	s12 =	sadd.s32 @!p1 s4, s12  }
0x29: {  	[tilespmem:s13], [sflag:$0x1] =	stream.strided.gather @!p1 [hbm4b:s12+s14], $0x800, s15, s14, $0x38;
	[tilespmem:$0x2020] =	vst v63  }
0x2a: {  	p1 =	sge.u32 s31, s6  }
.Ltmp2:
0x2b: {  	_ = 	snop;
	(pc) =	sbr.rel @p1 .LBB1_5-.Ltmp2, $1  }
0x2c: {  	_ =	sdelay $0x3  }
0x2d: {  	s12 =	simm.s32 $0x1  }
0x2e: {  	_ =	swait.ge [sflag:s5], $0x800;
	s12 =	simm.s32 @!p0 $0x0  }
0x2f: {  	[sflag:s5] =	ssyncset.done $0x0;
	s13 =	sshll.u32 s12, $0xB  }
0x30: {  	[sflag:s5] =	ssyncadd.s32 $0xFFFFF800;
	s15 =	sor.u32 $0x40, s13  }
0x31: {  	v3 =	vld [tilespmem:s15+$0x30]  }
0x32: {  	s12 =	smul.u32 $0x2040, s12;
	v4 =	vld [tilespmem:s15+$0xFFFFFFD0]  }
0x33: {  	v5 =	vld [tilespmem:s15+$0xFFFFFFE0]  }
0x34: {  	s31 =	sand.u32 $0x1, s10;
	s12 =	sshrl.u32 s12, $0x2;
	v1 =	vld [tilespmem:s15+$0xFFFFFFF0]  }
0x35: {  	s13 =	smul.u32 $0x2040, s31;
	v2 =	vld [tilespmem:s15+$0x0];
	s12 =	sor.u32 $0x1007, s12  }
0x36: {  	v0 =	vld [tilespmem:s15+$0x10];
	[tilespmem:s12+$0x0 ss:$0x81] =	vst.msk $0xffff, v3  }
0x37: {  	s13 =	sshrl.u32 s13, $0x2;
	[tilespmem:s12+$0xFFFFFFFA ss:$0x81] =	vst.msk $0xffff, v4;
	v4 =	vld [tilespmem:s15+$0x20]  }
0x38: {  	s14 =	simm.s32 $0x0;
	s13 =	sor.u32 $0x1000, s13;
	v3 =	vld [tilespmem:s15+$0xFFFFFFC0];
	[tilespmem:s12+$0xFFFFFFFB ss:$0x81] =	vst.msk $0xffff, v5;
	s15 =	sadd.s32 $0x80, s15  }
.LBB1_3:
0x39: {  	v5 =	vld [tilespmem:s15+$0x30];
	s14 =	sadd.s32 $0x8, s14;
	[tilespmem:s12+$0xFFFFFFFC ss:$0x81] =	vst.msk $0xffff, v1  }
0x3a: {  	v6 =	vld [tilespmem:s15+$0xFFFFFFD0];
	p1 =	slt.u32 s14, $0x78;
	[tilespmem:s12+$0xFFFFFFFD ss:$0x81] =	vst.msk $0xffff, v2  }
0x3b: {  	v7 =	vld [tilespmem:s15+$0xFFFFFFE0];
	[tilespmem:s12+$0xFFFFFFFE ss:$0x81] =	vst.msk $0xffff, v0  }
.Ltmp3:
0x3c: {  	v1 =	vld [tilespmem:s15+$0xFFFFFFF0];
	[tilespmem:s12+$0xFFFFFFFF ss:$0x81] =	vst.msk $0xffff, v4;
	(pc) =	sbr.rel @p1 .LBB1_3-.Ltmp3, $4  }
0x3d: {  	v2 =	vld [tilespmem:s15+$0x0];
	[tilespmem:s12+$0xFFFFFFF9 ss:$0x81] =	vst.msk $0xffff, v3;
	s12 =	sadd.s32 $0x8, s12  }
0x3e: {  	v0 =	vld [tilespmem:s15+$0x10];
	[tilespmem:s12+$0x0 ss:$0x81] =	vst.msk $0xffff, v5  }
0x3f: {  	[tilespmem:s12+$0xFFFFFFFA ss:$0x81] =	vst.msk $0xffff, v6;
	v4 =	vld [tilespmem:s15+$0x20]  }
0x40: {  	v3 =	vld [tilespmem:s15+$0xFFFFFFC0];
	[tilespmem:s12+$0xFFFFFFFB ss:$0x81] =	vst.msk $0xffff, v7;
	s15 =	sadd.s32 $0x80, s15  }
.Ltmp4:
0x41: {  	_ = 	snop;
	(pc) =	sbr.rel .LBB1_4-.Ltmp4, $1  }
0x42: {  	_ =	sdelay $0x3  }
.LBB1_6:
0x43: {  	_ =	sfence.sel $0x180000  }
0x44: {  	s2 =	simm.s32 $0x1;
	[bflag:$0x0] =	sbarrier.arrive $0xFFFF  }
0x45: {  	s31 =	simm.s32 $0x2;
	[sflag:s2] =	ssyncpa.u1 $0x1  }
0x46: {  	[sflag:s31] =	ssyncpa.u1 $0x1  }
0x47: {  	p0 =	sne.s32 s0, $0x0;
	_ =	strace $0x9000004D  }
0x48: {  	s0 =	sadd.s32 @!p0 $0x100000, s1;
	[bflag:$0x2] =	sbarrier.arrive $0xFFFF  }
0x49: {  	[sflag:s0] =	ssyncadd.tile.s32 @!p0 $0x1;
	_ =	shalt  }
.Lfunc_end1:
_tile_overlayer_lowered:
.L_overlay_start_2:
0x4a: {  	(tag) =	ssettag $0x2  }
0x4b: {  	s0 =	rddreg [dreg:$0x0];
	s2 =	stileid.u32  }
0x4c: {  	s1 =	rddreg [dreg:$0x1];
	p0 =	sne.s32 s2, $0x0  }
0x4d: {  	s3 =	rddreg [dreg:$0x2];
	[bflag:$0x3] =	sbarrier.arrive $0xFFFF;
	s2 =	simm.s32 @!p0 $0x1C01  }
0x4e: {  	[timem:s3], [sflag:s2] =	dma.local @!p0 [hbm:s0], s1  }
0x4f: {  	s0 =	simm.s32 @!p0 $0x1  }
0x50: {  	_ =	swait.ge @!p0 [sflag:s0], s1  }
0x51: {  	s1 =	ssub.s32 @!p0 $0x0, s1;
	[sflag:s0] =	ssyncset.done @!p0 $0x0  }
0x52: {  	[sflag:s0] =	ssyncadd.s32 @!p0 s1  }
0x53: {  	[bflag:$0x3] =	sbarrier.arrive $0xFFFF  }
0x54: {  	_ =	shalt  }

// kernel: sparse-core-data-format-call.cloned.1.call-start
scs
called_computation_lowered:
.L_overlay_start_0:
0x0: {  	s2 =	sld [smem:$0x3FD9]  }
0x1: {  	s3 =	sld [smem:$0x3FFE];
	_ =	sdelay $0x1  }
0x2: {  	s1 =	srdreg.scid  }
0x3: {  	s0 =	sand.u32 $0x1, s1  }
0x4: {  	s15 =	sshll.u32 s0, $0xA;
	s2 =	sadd.s32 s3, s2  }
0x5: {  	s2 =	sadd.s32 s2, s15  }
0x6: {  	[smem:$0x3FC5] =	sst s2  }
0x7: {  	_ = 	snop  }
0x8: {  	s2 =	sld [smem:$0x3FD0];
	_ =	sdelay $0x2  }
0x9: {  	s16 =	simm.s32 $0xB;
	s4 =	simm.s32 $0x10  }
0xa: {  	[smem:s4], [sflag:s16] =	dma.local [hbm:s2], $0x1  }
0xb: {  	_ =	swait.eq [sflag:s16], $0x1  }
0xc: {  	[sflag:s16] =	ssyncset.done $0x0  }
0xd: {  	[sflag:s16] =	ssyncadd.s32 $0xFFFFFFFF  }
0xe: {  	s17 =	sld [smem:$0x11];
	(tm) =	ssettm $0x1  }
0xf: {  	s18 =	sld [smem:$0x3FFB];
	_ =	sdelay $0x3  }
0x10: {  	_ =	strace s18  }
0x11: {  	s3 =	sld [smem:$0x3FFC];
	_ =	sdelay $0x3  }
0x12: {  	_ =	strace s3  }
0x13: {  	s3 =	sld [smem:$0x3FFD];
	_ =	sdelay $0x3  }
0x14: {  	_ =	strace s3  }
0x15: {  	_ =	strace $0x8FFFFFFF  }
0x16: {  	s19 =	sld [smem:$0x3FDB];
	_ =	sdelay $0x1  }
0x17: {  	s20 =	simm.s32 $_scs_section_size  }
0x18: {  	s5 =	simm.s32 $_size__tile_overlayer_lowered;
	s6 =	simm.s32 $_tile_overlayer_lowered  }
0x19: {  	s23 =	simm.s32 $0x1BFF;
	s22 =	sshll.u32 s6, $0x1;
	s3 =	sadd.s32 s20, s19  }
0x1a: {  	s7 =	simm.s32 $0x0;
	s21 =	sshll.u32 s5, $0x1;
	s5 =	sadd.s32 s22, s3  }
0x1b: {  	[timem:s7], [sflag:s23] =	dma.local [hbm:s5], s21  }
0x1c: {  	_ =	swait.ge [sflag:s23], s21  }
0x1d: {  	s4 =	ssub.s32 $0x0, s21;
	[sflag:s23] =	ssyncset.done $0x0  }
0x1e: {  	[sflag:s23] =	ssyncadd.s32 s4;
	_ =	sdelay $0x1  }
0x1f: {  	s24 =	simm.s32 $0x1B8B  }
0x20: {  	_ =	swait.ge [sflag:s24], $0x1  }
0x21: {  	[sflag:s24] =	ssyncset.done $0x0  }
0x22: {  	s26 =	simm.s32 $0x1B8E;
	s25 =	sld [smem:$0x3FFE];
	[sflag:s24] =	ssyncadd.s32 $0xFFFFFFFF  }
0x23: {  	s27 =	simm.s32 $execute0_lowered;
	[smem:$0x3FD2] =	sst s26  }
0x24: {  	s5 =	sshll.u32 s27, $0x1;
	_ =	strace $0x80000049;
	[dreg:$0x1] =	wrdreg $0xFFFFFFFF  }
0x25: {  	s28 =	simm.s32 $_size_execute0_lowered;
	s3 =	sadd.s32 s3, s5;
	[dreg:$0x0] =	wrdreg $0x0  }
0x26: {  	s5 =	sshll.u32 s28, $0x1;
	[dreg:$0x2] =	wrdreg s3  }
0x27: {  	[dreg:$0x3] =	wrdreg s5  }
0x28: {  	[dreg:$0x4] =	wrdreg $0xC0  }
0x29: {  	_ =	task [dreg:s7], $0x5FFFF  }
0x2a: {  	[dreg:$0x1] =	wrdreg $0xFFFFFFFF  }
0x2b: {  	[dreg:$0x0] =	wrdreg $0x60  }
0x2c: {  	[dreg:$0x2] =	wrdreg s25  }
0x2d: {  	[dreg:$0x3] =	wrdreg s17  }
0x2e: {  	[dreg:$0x4] =	wrdreg $0x9  }
0x2f: {  	_ =	task.clear_ibuf [dreg:s7], $0x5FFFF;
	_ =	strace $0x90000049  }
0x30: {  	s29 =	simm.s32 $0x9;
	_ =	strace $0x8000004B  }
0x31: {  	_ =	swait.ge [sflag:s29], $0x1  }
0x32: {  	[sflag:s29] =	ssyncadd.s32 $0xFFFFFFFF  }
0x33: {  	_ =	strace $0x9000004B  }
0x34: {  	_ =	sfence  }
0x35: {  	s30 =	sld [smem:$0x0];
	_ =	sdelay $0x2  }
0x36: {  	s31 =	sshll.u32 s1, $0xD;
	s1 =	sshrl.u32 s1, $0x2  }
0x37: {  	s3 =	sand.u32 $0x4000, s31;
	s1 =	sadd.s32 s1, s30  }
0x38: {  	s0 =	sor.u32 s3, s0;
	s1 =	sshll.u32 s1, $0x11  }
0x39: {  	s0 =	sor.u32 s1, s0  }
0x3a: {  	s0 =	sadd.s32 $0x8F2B, s0  }
0x3b: {  	[sflag:s0] =	ssyncadd.remote.s32 $0x1  }
0x3c: {  	_ =	sfence.sel $0xFFFF  }
0x3d: {  	[dreg:$0x0] =	wrdreg $0xFFFFFFFF;
	(pc) =	sbr.abs _section_cstart, $3  }
0x3e: {  	[dreg:$0x1] =	wrdreg $0xFFFFFFFF  }
0x3f: {  	_ =	task.clear_ibuf [dreg:s7], $0x2FFFF;
	_ =	strace $0x9FFFFFFF  }
0x40: {  	(tm) =	ssettm $0x7FFFFFFF  }
0x41: {  	_ =	shalt  }
tec
execute0_lowered:
.L_overlay_start_1:
0x0: {  	(tag) =	ssettag $0x1  }
0x1: {  	s0 =	srdreg.scid  }
0x2: {  	s1 =	sshll.u32 s0, $0x4  }
0x3: {  	s4 =	rddreg [dreg:$0x0];
	s0 =	stileid.u32;
	s1 =	sand.u32 $0x10, s1  }
0x4: {  	s2 =	rddreg [dreg:$0x1];
	s7 =	simm.s32 $0x1;
	s1 =	sor.u32 s0, s1  }
0x5: {  	s8 =	simm.s32 $0x2;
	s11 =	simm.s32 $0x0;
	s3 =	sshll.u32 s1, $0x7  }
0x6: {  	s10 =	simm.s32 $0x0;
	s4 =	sadd.s32 $0x1000, s4;
	s6 =	ssub.s32 $0xC8000, s3  }
.Ltmp0:
0x7: {  	s1 =	rddreg [dreg:$0x2];
	s5 =	sand.u32 $0xF80, s6;
	(pc) =	sbr.rel .LBB1_1-.Ltmp0, $4  }
0x8: {  	_ =	strace $0x8000004A;
	s9 =	smov.u32 s3;
	p0 =	sne.s32 s5, $0x0  }
0x9: {  	s6 =	sshrl.u32 s6, $0xC;
	s5 =	simm.s32 $0x1;
	s7 =	simm.s32 @!p0 $0x0  }
0xa: {  	[sflag:s5] =	ssyncpa.u1 $0x0;
	p0 =	por $0x0, $0x0;
	s6 =	sadd.s32 s7, s6  }
0xb: {  	[sflag:s8] =	ssyncpa.u1 $0x0;
	s8 =	simm.s32 $0x640000;
	s7 =	sadd.s32 $0x1, s6  }
.LBB1_4:
0xc: {  	s14 =	sshll.u32 s11, $0x3  }
0xd: {  	s30 =	sand.u32 $0x7F, s11;
	s15 =	sand.u32 $0xFFFFFC00, s14  }
0xe: {  	s11 =	sor.u32 s30, s15  }
0xf: {  	s15 =	smulhi.u32 $0x51EB851F, s11  }
0x10: {  	s14 =	smulhi.u32 $0x51EB851F, s14  }
0x11: {  	s15 =	sshrl.u32 s15, $0x12  }
0x12: {  	s14 =	sshrl.u32 s14, $0x12;
	s15 =	smul.u32 $0xC8000, s15  }
0x13: {  	[tilespmem:s12+$0xFFFFFFFC ss:$0x81] =	vst.msk $0xffff, v1;
	s14 =	sand.u32 $0xF, s14  }
0x14: {  	[tilespmem:s12+$0xFFFFFFFD ss:$0x81] =	vst.msk $0xffff, v2;
	s14 =	smul.u32 $0x19000, s14;
	s11 =	ssub.s32 s11, s15  }
0x15: {  	[tilespmem:s12+$0xFFFFFFFE ss:$0x81] =	vst.msk $0xffff, v0;
	s15 =	sand.u32 $0x7, s11  }
0x16: {  	[tilespmem:s12+$0xFFFFFFFF ss:$0x81] =	vst.msk $0xffff, v4;
	s14 =	sadd.s32 s2, s14;
	s11 =	sshrl.u32 s11, $0x3;
	s15 =	sshll.u32 s15, $0x12  }
0x17: {  	[tilespmem:s12+$0xFFFFFFF9 ss:$0x81] =	vst.msk $0xffff, v3;
	s11 =	sadd.s32 s11, s14;
	s31 =	sor.u32 $0x400, s15  }
0x18: {  	[hbm4b:s11+s31] =	stream.strided.scatter [tilespmem:s13], [sflag:$0x2], $0x800, s8, s31, $0x20;
	[tilespmem:$0x2020] =	vst v63  }
.LBB1_5:
0x19: {  	s13 =	sadd.s32 $0x1000, s9  }
0x1a: {  	p2 =	sgt.s32 s13, $0xC7FFF  }
0x1b: {  	s13 =	smov.u32 @p2 s3;
	p2 =	sne.s32 s10, s7  }
.Ltmp1:
0x1c: {  	p1 =	slt.u32 s10, $0x2;
	(pc) =	sbr.rel @!p2 .LBB1_6-.Ltmp1, $4  }
0x1d: {  	s12 =	simm.s32 @!p1 $0x2  }
0x1e: {  	s14 =	sadd.s32 $0x1, s10;
	_ =	swait.ge @!p1 [sflag:s12], $0x800  }
0x1f: {  	s11 =	smov.u32 s9;
	p0 =	por !p0, !p0;
	[sflag:s12] =	ssyncset.done @!p1 $0x0  }
0x20: {  	s10 =	smov.u32 s14;
	s9 =	smov.u32 s13;
	[sflag:s12] =	ssyncadd.s32 @!p1 $0xFFFFF800  }
.LBB1_1:
0x21: {  	p1 =	sge.u32 s10, s6  }
0x22: {  	s12 =	sand.u32 @!p1 $0x1FFFFFF, s9  }
0x23: {  	s13 =	smulhi.u32 @!p1 $0x147AE15, s12;
	_ =	sdelay $0x1  }
0x24: {  	s13 =	sshrl.u32 @!p1 s13, $0xC  }
0x25: {  	s13 =	smul.u32 @!p1 $0xC8000, s13;
	_ =	sdelay $0x1  }
0x26: {  	s31 =	sadd.s32 $0xFFFFFFFF, s10;
	s14 =	sxor.u32 @!p1 $0xFFFFFFFF, s10;
	s12 =	ssub.s32 @!p1 s12, s13  }
0x27: {  	s15 =	simm.s32 @!p1 $0x80;
	s14 =	sshll.u32 @!p1 s14, $0xB;
	s12 =	sshll.u32 @!p1 s12, $0x4  }
0x28: {  	s13 =	sand.u32 @!p1 $0x800, s14;
	s14 =	simm.s32 @!p1 $0x10;
	s12 =	sadd.s32 @!p1 s4, s12  }
0x29: {  	[tilespmem:s13], [sflag:$0x1] =	stream.strided.gather @!p1 [hbm4b:s12+s14], $0x800, s15, s14, $0x38;
	[tilespmem:$0x2020] =	vst v63  }
0x2a: {  	p1 =	sge.u32 s31, s6  }
.Ltmp2:
0x2b: {  	_ = 	snop;
	(pc) =	sbr.rel @p1 .LBB1_5-.Ltmp2, $1  }
0x2c: {  	_ =	sdelay $0x3  }
0x2d: {  	s12 =	simm.s32 $0x1  }
0x2e: {  	_ =	swait.ge [sflag:s5], $0x800;
	s12 =	simm.s32 @!p0 $0x0  }
0x2f: {  	[sflag:s5] =	ssyncset.done $0x0;
	s13 =	sshll.u32 s12, $0xB  }
0x30: {  	[sflag:s5] =	ssyncadd.s32 $0xFFFFF800;
	s15 =	sor.u32 $0x40, s13  }
0x31: {  	v3 =	vld [tilespmem:s15+$0x30]  }
0x32: {  	s12 =	smul.u32 $0x2040, s12;
	v4 =	vld [tilespmem:s15+$0xFFFFFFD0]  }
0x33: {  	v5 =	vld [tilespmem:s15+$0xFFFFFFE0]  }
0x34: {  	s31 =	sand.u32 $0x1, s10;
	s12 =	sshrl.u32 s12, $0x2;
	v1 =	vld [tilespmem:s15+$0xFFFFFFF0]  }
0x35: {  	s13 =	smul.u32 $0x2040, s31;
	v2 =	vld [tilespmem:s15+$0x0];
	s12 =	sor.u32 $0x1007, s12  }
0x36: {  	v0 =	vld [tilespmem:s15+$0x10];
	[tilespmem:s12+$0x0 ss:$0x81] =	vst.msk $0xffff, v3  }
0x37: {  	s13 =	sshrl.u32 s13, $0x2;
	[tilespmem:s12+$0xFFFFFFFA ss:$0x81] =	vst.msk $0xffff, v4;
	v4 =	vld [tilespmem:s15+$0x20]  }
0x38: {  	s14 =	simm.s32 $0x0;
	s13 =	sor.u32 $0x1000, s13;
	v3 =	vld [tilespmem:s15+$0xFFFFFFC0];
	[tilespmem:s12+$0xFFFFFFFB ss:$0x81] =	vst.msk $0xffff, v5;
	s15 =	sadd.s32 $0x80, s15  }
.LBB1_3:
0x39: {  	v5 =	vld [tilespmem:s15+$0x30];
	s14 =	sadd.s32 $0x8, s14;
	[tilespmem:s12+$0xFFFFFFFC ss:$0x81] =	vst.msk $0xffff, v1  }
0x3a: {  	v6 =	vld [tilespmem:s15+$0xFFFFFFD0];
	p1 =	slt.u32 s14, $0x78;
	[tilespmem:s12+$0xFFFFFFFD ss:$0x81] =	vst.msk $0xffff, v2  }
0x3b: {  	v7 =	vld [tilespmem:s15+$0xFFFFFFE0];
	[tilespmem:s12+$0xFFFFFFFE ss:$0x81] =	vst.msk $0xffff, v0  }
.Ltmp3:
0x3c: {  	v1 =	vld [tilespmem:s15+$0xFFFFFFF0];
	[tilespmem:s12+$0xFFFFFFFF ss:$0x81] =	vst.msk $0xffff, v4;
	(pc) =	sbr.rel @p1 .LBB1_3-.Ltmp3, $4  }
0x3d: {  	v2 =	vld [tilespmem:s15+$0x0];
	[tilespmem:s12+$0xFFFFFFF9 ss:$0x81] =	vst.msk $0xffff, v3;
	s12 =	sadd.s32 $0x8, s12  }
0x3e: {  	v0 =	vld [tilespmem:s15+$0x10];
	[tilespmem:s12+$0x0 ss:$0x81] =	vst.msk $0xffff, v5  }
0x3f: {  	[tilespmem:s12+$0xFFFFFFFA ss:$0x81] =	vst.msk $0xffff, v6;
	v4 =	vld [tilespmem:s15+$0x20]  }
0x40: {  	v3 =	vld [tilespmem:s15+$0xFFFFFFC0];
	[tilespmem:s12+$0xFFFFFFFB ss:$0x81] =	vst.msk $0xffff, v7;
	s15 =	sadd.s32 $0x80, s15  }
.Ltmp4:
0x41: {  	_ = 	snop;
	(pc) =	sbr.rel .LBB1_4-.Ltmp4, $1  }
0x42: {  	_ =	sdelay $0x3  }
.LBB1_6:
0x43: {  	_ =	sfence.sel $0x180000  }
0x44: {  	s2 =	simm.s32 $0x1;
	[bflag:$0x0] =	sbarrier.arrive $0xFFFF  }
0x45: {  	s31 =	simm.s32 $0x2;
	[sflag:s2] =	ssyncpa.u1 $0x1  }
0x46: {  	[sflag:s31] =	ssyncpa.u1 $0x1  }
0x47: {  	p0 =	sne.s32 s0, $0x0;
	_ =	strace $0x9000004A  }
0x48: {  	s0 =	sadd.s32 @!p0 $0x100000, s1;
	[bflag:$0x2] =	sbarrier.arrive $0xFFFF  }
0x49: {  	[sflag:s0] =	ssyncadd.tile.s32 @!p0 $0x1;
	_ =	shalt  }
.Lfunc_end1:
_tile_overlayer_lowered:
.L_overlay_start_2:
0x4a: {  	(tag) =	ssettag $0x2  }
0x4b: {  	s0 =	rddreg [dreg:$0x0];
	s2 =	stileid.u32  }
0x4c: {  	s1 =	rddreg [dreg:$0x1];
	p0 =	sne.s32 s2, $0x0  }
0x4d: {  	s3 =	rddreg [dreg:$0x2];
	[bflag:$0x3] =	sbarrier.arrive $0xFFFF;
	s2 =	simm.s32 @!p0 $0x1C01  }
0x4e: {  	[timem:s3], [sflag:s2] =	dma.local @!p0 [hbm:s0], s1  }
0x4f: {  	s0 =	simm.s32 @!p0 $0x1  }
0x50: {  	_ =	swait.ge @!p0 [sflag:s0], s1  }
0x51: {  	s1 =	ssub.s32 @!p0 $0x0, s1;
	[sflag:s0] =	ssyncset.done @!p0 $0x0  }
0x52: {  	[sflag:s0] =	ssyncadd.s32 @!p0 s1  }
0x53: {  	[bflag:$0x3] =	sbarrier.arrive $0xFFFF  }
0x54: {  	_ =	shalt  }

</sc_bundles>
